<compile_context>
chip_gen: v7x
topology: tpu7x:2x2x1
jax: 0.10.2.dev20260603
libtpu: 0.0.44.dev20260713+nightly
codegen_flags: <defaults>
</compile_context>

<pallas_src>
import jax
import jax.numpy as jnp
from jax import lax
from jax.experimental import pallas as pl
from jax.experimental.pallas import tpu as pltpu, tpu_sc as plsc

N_SPIXELS = 2304
NC, NS, L = 1, 16, 16
NW = NC * NS
HW = 384 * 384
NPLANES = 4 * 96
PPW = NPLANES // NW
CH = 1024
NCHUNK = HW // CH
DEPTH = 2


def _body(data_hbm, idx_hbm, out_hbm,
          idx_bufs, dat_bufs, accums, counts, sems):
    wid = lax.axis_index("s") * NC + lax.axis_index("c")
    bufs = tuple(zip(idx_bufs, dat_bufs, sems))

    zeros = jnp.zeros((L,), jnp.float32)
    ones = jnp.ones((L,), jnp.float32)

    def issue(c, b):
        idx_v, dat_v, sem = bufs[b]
        off = c * CH
        pltpu.async_copy(idx_hbm.at[pl.ds(off, CH)], idx_v, sem)
        pltpu.async_copy(data_hbm.at[pl.ds(wid, 1), :, pl.ds(off, CH)],
                         dat_v, sem)

    def wait(b):
        idx_v, dat_v, sem = bufs[b]
        pltpu.make_async_copy(idx_hbm.at[pl.ds(0, CH)], idx_v, sem).wait()
        pltpu.make_async_copy(data_hbm.at[pl.ds(0, 1), :, pl.ds(0, CH)],
                              dat_v, sem).wait()

    def compute(b):
        idx_v, dat_v, _ = bufs[b]

        @plsc.parallel_loop(0, CH // L, unroll=4)
        def _grp(g):
            s = g * L
            iv = idx_v[pl.ds(s, L)]
            plsc.addupdate_scatter(counts, [iv], ones)
            for p in range(PPW):
                x = dat_v[0, p, pl.ds(s, L)]
                plsc.addupdate_scatter(accums[p], [iv], x)

    def zero_acc(i, _):
        s = i * L
        for p in range(PPW):
            accums[p][pl.ds(s, L)] = zeros
        counts[pl.ds(s, L)] = zeros
        return 0
    lax.fori_loop(0, N_SPIXELS // L, zero_acc, 0)

    for d in range(DEPTH):
        issue(d, d)

    def ring_body(h, _):
        c0 = h * DEPTH
        for d in range(DEPTH):
            wait(d)
            compute(d)

            @pl.when(c0 + DEPTH + d < NCHUNK)
            def _():
                issue(c0 + DEPTH + d, d)
        return 0
    lax.fori_loop(0, NCHUNK // DEPTH, ring_body, 0)

    def fin_body(g, _):
        s = g * L
        inv = 1.0 / jnp.maximum(counts[pl.ds(s, L)], 1.0)
        for p in range(PPW):
            accums[p][pl.ds(s, L)] = accums[p][pl.ds(s, L)] * inv
        return 0
    lax.fori_loop(0, N_SPIXELS // L, fin_body, 0)

    for p in range(PPW):
        pltpu.sync_copy(accums[p], out_hbm.at[wid * PPW + p])


@jax.jit
def _spixel_feats(data, idx):
    mesh = plsc.VectorSubcoreMesh(core_axis_name="c", subcore_axis_name="s",
                                  num_cores=NC, num_subcores=NS)
    fn = pl.kernel(
        _body,
        out_type=jax.ShapeDtypeStruct((NPLANES, N_SPIXELS), jnp.float32),
        mesh=mesh,
        compiler_params=pltpu.CompilerParams(needs_layout_passes=False),
        scratch_types=[
            [pltpu.VMEM((CH,), jnp.int32) for _ in range(DEPTH)],
            [pltpu.VMEM((1, PPW, CH), jnp.float32) for _ in range(DEPTH)],
            [pltpu.VMEM((N_SPIXELS,), jnp.float32) for _ in range(PPW)],
            pltpu.VMEM((N_SPIXELS,), jnp.float32),
            [pltpu.SemaphoreType.DMA for _ in range(DEPTH)],
        ],
    )
    return fn(data, idx)


def kernel(pixel_feats, index_map):
    B, C, H, W = pixel_feats.shape
    data = pixel_feats.reshape(NW, PPW, H * W)
    idx = index_map.reshape(-1)
    out = _spixel_feats(data, idx)
    return out.reshape(B, C, N_SPIXELS)

# --- scband reference (transcript-rebuilt; emitter-appended) ---
"""Pipeline reference for scband-init-spixel-feats-53145925321406 (READ-ONLY COPY).

The authoritative reference and input builder live on the scoring server;
editing this copy changes nothing except your own understanding.
"""

import jax, jax.numpy as jnp
import numpy as np

N_SPIXELS = 2304

def setup_inputs(seed: int = 0) -> dict:
    key = jax.random.key(seed)
    k1, k2 = jax.random.split(key)
    pixel_feats = jax.random.normal(k1, (4, 96, 384, 384), dtype=jnp.float32)
    index_map = jax.random.randint(k2, (384, 384), 0, N_SPIXELS, dtype=jnp.int32)
    return {"pixel_feats": pixel_feats, "index_map": index_map}

def reference(pixel_feats, index_map):
    # InitSpixelFeats: average pixel features within each superpixel segment.
    # pixel_feats: [B, C, H, W]; index_map: [H, W] with values in [0, n_spixels)
    # returns spixel_feats: [B, C, n_spixels]
    B, C, H, W = pixel_feats.shape
    idx = index_map.reshape(-1)
    data = pixel_feats.reshape(B, C, H * W)
    data = jnp.transpose(data, (2, 0, 1)).reshape(H * W, B * C)
    sums = jax.ops.segment_sum(data, idx, num_segments=N_SPIXELS)
    counts = jax.ops.segment_sum(jnp.ones((H * W,), dtype=pixel_feats.dtype), idx, num_segments=N_SPIXELS)
    means = sums / jnp.maximum(counts, 1.0)[:, None]
    out = means.reshape(N_SPIXELS, B, C)
    return jnp.transpose(out, (1, 2, 0))

if __name__ == "__main__":
    import jax
    _d = setup_inputs()
    print(jax.jit(kernel)(*tuple(_d.values())))

</pallas_src>

<mosaic_0001>
#map = affine_map<(d0, d1) -> (0, 0, 0)>
#map1 = affine_map<(d0, d1) -> (0)>
#map2 = affine_map<(d0, d1) -> (0, 0)>
module attributes {stable_mosaic.version = 14 : i64} {
  func.func @_body(%arg0: i32, %arg1: i32, %arg2: memref<16x24x147456xf32, #tpu.memory_space<hbm>>, %arg3: memref<147456xi32, #tpu.memory_space<hbm>>, %arg4: memref<384x2304xf32, #tpu.memory_space<hbm>>, %arg5: memref<1024xi32, #tpu.memory_space<vmem>>, %arg6: memref<1024xi32, #tpu.memory_space<vmem>>, %arg7: memref<1x24x1024xf32, #tpu.memory_space<vmem>>, %arg8: memref<1x24x1024xf32, #tpu.memory_space<vmem>>, %arg9: memref<2304xf32, #tpu.memory_space<vmem>>, %arg10: memref<2304xf32, #tpu.memory_space<vmem>>, %arg11: memref<2304xf32, #tpu.memory_space<vmem>>, %arg12: memref<2304xf32, #tpu.memory_space<vmem>>, %arg13: memref<2304xf32, #tpu.memory_space<vmem>>, %arg14: memref<2304xf32, #tpu.memory_space<vmem>>, %arg15: memref<2304xf32, #tpu.memory_space<vmem>>, %arg16: memref<2304xf32, #tpu.memory_space<vmem>>, %arg17: memref<2304xf32, #tpu.memory_space<vmem>>, %arg18: memref<2304xf32, #tpu.memory_space<vmem>>, %arg19: memref<2304xf32, #tpu.memory_space<vmem>>, %arg20: memref<2304xf32, #tpu.memory_space<vmem>>, %arg21: memref<2304xf32, #tpu.memory_space<vmem>>, %arg22: memref<2304xf32, #tpu.memory_space<vmem>>, %arg23: memref<2304xf32, #tpu.memory_space<vmem>>, %arg24: memref<2304xf32, #tpu.memory_space<vmem>>, %arg25: memref<2304xf32, #tpu.memory_space<vmem>>, %arg26: memref<2304xf32, #tpu.memory_space<vmem>>, %arg27: memref<2304xf32, #tpu.memory_space<vmem>>, %arg28: memref<2304xf32, #tpu.memory_space<vmem>>, %arg29: memref<2304xf32, #tpu.memory_space<vmem>>, %arg30: memref<2304xf32, #tpu.memory_space<vmem>>, %arg31: memref<2304xf32, #tpu.memory_space<vmem>>, %arg32: memref<2304xf32, #tpu.memory_space<vmem>>, %arg33: memref<2304xf32, #tpu.memory_space<vmem>>, %arg34: memref<!tpu.dma_semaphore, #tpu.memory_space<semaphore_mem>>, %arg35: memref<!tpu.dma_semaphore, #tpu.memory_space<semaphore_mem>>) attributes {dimension_semantics = [#tpu.dimension_semantics<core_parallel>, #tpu.dimension_semantics<subcore_parallel>], iteration_bounds = array<i64: 1, 16>, scalar_prefetch = 0 : i64, scratch_operands = 31 : i64, tpu.core_type = #tpu.core_type<sc_vector_subcore>, window_params = [{transform_indices = #map}, {transform_indices = #map1}, {transform_indices = #map2}]} {
    %mul3A = arith.constant 1 : i32
    %mul3A_0 = arith.muli %arg1, %mul3A : i32
    %add3A = arith.addi %mul3A_0, %arg0 : i32
    %broadcast_in_dim3A = arith.constant 0.000000e+00 : f32
    %broadcast_in_dim3A_1 = vector.broadcast %broadcast_in_dim3A : f32 to vector<16xf32>
    %broadcast_in_dim3A_2 = arith.constant 1.000000e+00 : f32
    %broadcast_in_dim3A_3 = vector.broadcast %broadcast_in_dim3A_2 : f32 to vector<16xf32>
    %scan3A = arith.constant 0 : i32
    %scan3A_4 = arith.constant 0 : i32
    %scan3A_5 = arith.constant 144 : i32
    %scan3A_6 = arith.addi %scan3A_4, %scan3A_5 : i32
    %scan3A_7 = arith.constant 1 : i32
    %scan3A_8 = scf.for %scan3A_139 = %scan3A_4 to %scan3A_6 step %scan3A_7 iter_args(%scan3A_140 = %scan3A) -> (i32)  : i32 {
      %mul3A_141 = arith.constant 16 : i32
      %mul3A_142 = arith.muli %scan3A_139, %mul3A_141 : i32
      %swap3A = arith.index_cast %mul3A_142 : i32 to index
      %swap3A_143 = tpu.vector_load %arg9[%swap3A] {strides = array<i32>} : memref<2304xf32, #tpu.memory_space<vmem>>, vector<16xf32>,
      tpu.vector_store %arg9[%swap3A], %broadcast_in_dim3A_1 {strides = array<i32>} : memref<2304xf32, #tpu.memory_space<vmem>>, vector<16xf32>,
      %swap3A_144 = arith.index_cast %mul3A_142 : i32 to index
      %swap3A_145 = tpu.vector_load %arg10[%swap3A_144] {strides = array<i32>} : memref<2304xf32, #tpu.memory_space<vmem>>, vector<16xf32>,
      tpu.vector_store %arg10[%swap3A_144], %broadcast_in_dim3A_1 {strides = array<i32>} : memref<2304xf32, #tpu.memory_space<vmem>>, vector<16xf32>,
      %swap3A_146 = arith.index_cast %mul3A_142 : i32 to index
      %swap3A_147 = tpu.vector_load %arg11[%swap3A_146] {strides = array<i32>} : memref<2304xf32, #tpu.memory_space<vmem>>, vector<16xf32>,
      tpu.vector_store %arg11[%swap3A_146], %broadcast_in_dim3A_1 {strides = array<i32>} : memref<2304xf32, #tpu.memory_space<vmem>>, vector<16xf32>,
      %swap3A_148 = arith.index_cast %mul3A_142 : i32 to index
      %swap3A_149 = tpu.vector_load %arg12[%swap3A_148] {strides = array<i32>} : memref<2304xf32, #tpu.memory_space<vmem>>, vector<16xf32>,
      tpu.vector_store %arg12[%swap3A_148], %broadcast_in_dim3A_1 {strides = array<i32>} : memref<2304xf32, #tpu.memory_space<vmem>>, vector<16xf32>,
      %swap3A_150 = arith.index_cast %mul3A_142 : i32 to index
      %swap3A_151 = tpu.vector_load %arg13[%swap3A_150] {strides = array<i32>} : memref<2304xf32, #tpu.memory_space<vmem>>, vector<16xf32>,
      tpu.vector_store %arg13[%swap3A_150], %broadcast_in_dim3A_1 {strides = array<i32>} : memref<2304xf32, #tpu.memory_space<vmem>>, vector<16xf32>,
      %swap3A_152 = arith.index_cast %mul3A_142 : i32 to index
      %swap3A_153 = tpu.vector_load %arg14[%swap3A_152] {strides = array<i32>} : memref<2304xf32, #tpu.memory_space<vmem>>, vector<16xf32>,
      tpu.vector_store %arg14[%swap3A_152], %broadcast_in_dim3A_1 {strides = array<i32>} : memref<2304xf32, #tpu.memory_space<vmem>>, vector<16xf32>,
      %swap3A_154 = arith.index_cast %mul3A_142 : i32 to index
      %swap3A_155 = tpu.vector_load %arg15[%swap3A_154] {strides = array<i32>} : memref<2304xf32, #tpu.memory_space<vmem>>, vector<16xf32>,
      tpu.vector_store %arg15[%swap3A_154], %broadcast_in_dim3A_1 {strides = array<i32>} : memref<2304xf32, #tpu.memory_space<vmem>>, vector<16xf32>,
      %swap3A_156 = arith.index_cast %mul3A_142 : i32 to index
      %swap3A_157 = tpu.vector_load %arg16[%swap3A_156] {strides = array<i32>} : memref<2304xf32, #tpu.memory_space<vmem>>, vector<16xf32>,
      tpu.vector_store %arg16[%swap3A_156], %broadcast_in_dim3A_1 {strides = array<i32>} : memref<2304xf32, #tpu.memory_space<vmem>>, vector<16xf32>,
      %swap3A_158 = arith.index_cast %mul3A_142 : i32 to index
      %swap3A_159 = tpu.vector_load %arg17[%swap3A_158] {strides = array<i32>} : memref<2304xf32, #tpu.memory_space<vmem>>, vector<16xf32>,
      tpu.vector_store %arg17[%swap3A_158], %broadcast_in_dim3A_1 {strides = array<i32>} : memref<2304xf32, #tpu.memory_space<vmem>>, vector<16xf32>,
      %swap3A_160 = arith.index_cast %mul3A_142 : i32 to index
      %swap3A_161 = tpu.vector_load %arg18[%swap3A_160] {strides = array<i32>} : memref<2304xf32, #tpu.memory_space<vmem>>, vector<16xf32>,
      tpu.vector_store %arg18[%swap3A_160], %broadcast_in_dim3A_1 {strides = array<i32>} : memref<2304xf32, #tpu.memory_space<vmem>>, vector<16xf32>,
      %swap3A_162 = arith.index_cast %mul3A_142 : i32 to index
      %swap3A_163 = tpu.vector_load %arg19[%swap3A_162] {strides = array<i32>} : memref<2304xf32, #tpu.memory_space<vmem>>, vector<16xf32>,
      tpu.vector_store %arg19[%swap3A_162], %broadcast_in_dim3A_1 {strides = array<i32>} : memref<2304xf32, #tpu.memory_space<vmem>>, vector<16xf32>,
      %swap3A_164 = arith.index_cast %mul3A_142 : i32 to index
      %swap3A_165 = tpu.vector_load %arg20[%swap3A_164] {strides = array<i32>} : memref<2304xf32, #tpu.memory_space<vmem>>, vector<16xf32>,
      tpu.vector_store %arg20[%swap3A_164], %broadcast_in_dim3A_1 {strides = array<i32>} : memref<2304xf32, #tpu.memory_space<vmem>>, vector<16xf32>,
      %swap3A_166 = arith.index_cast %mul3A_142 : i32 to index
      %swap3A_167 = tpu.vector_load %arg21[%swap3A_166] {strides = array<i32>} : memref<2304xf32, #tpu.memory_space<vmem>>, vector<16xf32>,
      tpu.vector_store %arg21[%swap3A_166], %broadcast_in_dim3A_1 {strides = array<i32>} : memref<2304xf32, #tpu.memory_space<vmem>>, vector<16xf32>,
      %swap3A_168 = arith.index_cast %mul3A_142 : i32 to index
      %swap3A_169 = tpu.vector_load %arg22[%swap3A_168] {strides = array<i32>} : memref<2304xf32, #tpu.memory_space<vmem>>, vector<16xf32>,
      tpu.vector_store %arg22[%swap3A_168], %broadcast_in_dim3A_1 {strides = array<i32>} : memref<2304xf32, #tpu.memory_space<vmem>>, vector<16xf32>,
      %swap3A_170 = arith.index_cast %mul3A_142 : i32 to index
      %swap3A_171 = tpu.vector_load %arg23[%swap3A_170] {strides = array<i32>} : memref<2304xf32, #tpu.memory_space<vmem>>, vector<16xf32>,
      tpu.vector_store %arg23[%swap3A_170], %broadcast_in_dim3A_1 {strides = array<i32>} : memref<2304xf32, #tpu.memory_space<vmem>>, vector<16xf32>,
      %swap3A_172 = arith.index_cast %mul3A_142 : i32 to index
      %swap3A_173 = tpu.vector_load %arg24[%swap3A_172] {strides = array<i32>} : memref<2304xf32, #tpu.memory_space<vmem>>, vector<16xf32>,
      tpu.vector_store %arg24[%swap3A_172], %broadcast_in_dim3A_1 {strides = array<i32>} : memref<2304xf32, #tpu.memory_space<vmem>>, vector<16xf32>,
      %swap3A_174 = arith.index_cast %mul3A_142 : i32 to index
      %swap3A_175 = tpu.vector_load %arg25[%swap3A_174] {strides = array<i32>} : memref<2304xf32, #tpu.memory_space<vmem>>, vector<16xf32>,
      tpu.vector_store %arg25[%swap3A_174], %broadcast_in_dim3A_1 {strides = array<i32>} : memref<2304xf32, #tpu.memory_space<vmem>>, vector<16xf32>,
      %swap3A_176 = arith.index_cast %mul3A_142 : i32 to index
      %swap3A_177 = tpu.vector_load %arg26[%swap3A_176] {strides = array<i32>} : memref<2304xf32, #tpu.memory_space<vmem>>, vector<16xf32>,
      tpu.vector_store %arg26[%swap3A_176], %broadcast_in_dim3A_1 {strides = array<i32>} : memref<2304xf32, #tpu.memory_space<vmem>>, vector<16xf32>,
      %swap3A_178 = arith.index_cast %mul3A_142 : i32 to index
      %swap3A_179 = tpu.vector_load %arg27[%swap3A_178] {strides = array<i32>} : memref<2304xf32, #tpu.memory_space<vmem>>, vector<16xf32>,
      tpu.vector_store %arg27[%swap3A_178], %broadcast_in_dim3A_1 {strides = array<i32>} : memref<2304xf32, #tpu.memory_space<vmem>>, vector<16xf32>,
      %swap3A_180 = arith.index_cast %mul3A_142 : i32 to index
      %swap3A_181 = tpu.vector_load %arg28[%swap3A_180] {strides = array<i32>} : memref<2304xf32, #tpu.memory_space<vmem>>, vector<16xf32>,
      tpu.vector_store %arg28[%swap3A_180], %broadcast_in_dim3A_1 {strides = array<i32>} : memref<2304xf32, #tpu.memory_space<vmem>>, vector<16xf32>,
      %swap3A_182 = arith.index_cast %mul3A_142 : i32 to index
      %swap3A_183 = tpu.vector_load %arg29[%swap3A_182] {strides = array<i32>} : memref<2304xf32, #tpu.memory_space<vmem>>, vector<16xf32>,
      tpu.vector_store %arg29[%swap3A_182], %broadcast_in_dim3A_1 {strides = array<i32>} : memref<2304xf32, #tpu.memory_space<vmem>>, vector<16xf32>,
      %swap3A_184 = arith.index_cast %mul3A_142 : i32 to index
      %swap3A_185 = tpu.vector_load %arg30[%swap3A_184] {strides = array<i32>} : memref<2304xf32, #tpu.memory_space<vmem>>, vector<16xf32>,
      tpu.vector_store %arg30[%swap3A_184], %broadcast_in_dim3A_1 {strides = array<i32>} : memref<2304xf32, #tpu.memory_space<vmem>>, vector<16xf32>,
      %swap3A_186 = arith.index_cast %mul3A_142 : i32 to index
      %swap3A_187 = tpu.vector_load %arg31[%swap3A_186] {strides = array<i32>} : memref<2304xf32, #tpu.memory_space<vmem>>, vector<16xf32>,
      tpu.vector_store %arg31[%swap3A_186], %broadcast_in_dim3A_1 {strides = array<i32>} : memref<2304xf32, #tpu.memory_space<vmem>>, vector<16xf32>,
      %swap3A_188 = arith.index_cast %mul3A_142 : i32 to index
      %swap3A_189 = tpu.vector_load %arg32[%swap3A_188] {strides = array<i32>} : memref<2304xf32, #tpu.memory_space<vmem>>, vector<16xf32>,
      tpu.vector_store %arg32[%swap3A_188], %broadcast_in_dim3A_1 {strides = array<i32>} : memref<2304xf32, #tpu.memory_space<vmem>>, vector<16xf32>,
      %swap3A_190 = arith.index_cast %mul3A_142 : i32 to index
      %swap3A_191 = tpu.vector_load %arg33[%swap3A_190] {strides = array<i32>} : memref<2304xf32, #tpu.memory_space<vmem>>, vector<16xf32>,
      tpu.vector_store %arg33[%swap3A_190], %broadcast_in_dim3A_1 {strides = array<i32>} : memref<2304xf32, #tpu.memory_space<vmem>>, vector<16xf32>,
      %scan3A_192 = arith.constant 0 : i32
      scf.yield %scan3A_192 : i32
    }
    %scan3A_9 = arith.constant 144 : i32
    %dma_start3A = arith.constant 0 : i32
    %dma_start3A_10 = tpu.memref_slice %arg3[%dma_start3A] : memref<147456xi32, #tpu.memory_space<hbm>> -> memref<1024xi32, #tpu.memory_space<hbm>>
    %dma_start3A_11 = arith.constant 0 : i32
    %dma_start3A_12 = tpu.memref_slice %arg3[%dma_start3A_11] : memref<147456xi32, #tpu.memory_space<hbm>> -> memref<1024xi32, #tpu.memory_space<hbm>>
    tpu.enqueue_dma source(%dma_start3A_12 : memref<1024xi32, #tpu.memory_space<hbm>>) target(%arg5 : memref<1024xi32, #tpu.memory_space<vmem>>) target_semaphore(%arg34 : memref<!tpu.dma_semaphore, #tpu.memory_space<semaphore_mem>>)
    %dma_start3A_13 = arith.constant 0 : i32
    %dma_start3A_14 = arith.constant 0 : i32
    %dma_start3A_15 = tpu.memref_slice %arg2[%add3A, %dma_start3A_13, %dma_start3A_14] : memref<16x24x147456xf32, #tpu.memory_space<hbm>> -> memref<1x24x1024xf32, #tpu.memory_space<hbm>>
    %dma_start3A_16 = arith.constant 0 : i32
    %dma_start3A_17 = arith.constant 0 : i32
    %dma_start3A_18 = tpu.memref_slice %arg2[%add3A, %dma_start3A_16, %dma_start3A_17] : memref<16x24x147456xf32, #tpu.memory_space<hbm>> -> memref<1x24x1024xf32, #tpu.memory_space<hbm>>
    tpu.enqueue_dma source(%dma_start3A_18 : memref<1x24x1024xf32, #tpu.memory_space<hbm>>) target(%arg7 : memref<1x24x1024xf32, #tpu.memory_space<vmem>>) target_semaphore(%arg34 : memref<!tpu.dma_semaphore, #tpu.memory_space<semaphore_mem>>)
    %dma_start3A_19 = arith.constant 1024 : i32
    %dma_start3A_20 = tpu.memref_slice %arg3[%dma_start3A_19] : memref<147456xi32, #tpu.memory_space<hbm>> -> memref<1024xi32, #tpu.memory_space<hbm>>
    %dma_start3A_21 = arith.constant 1024 : i32
    %dma_start3A_22 = tpu.memref_slice %arg3[%dma_start3A_21] : memref<147456xi32, #tpu.memory_space<hbm>> -> memref<1024xi32, #tpu.memory_space<hbm>>
    tpu.enqueue_dma source(%dma_start3A_22 : memref<1024xi32, #tpu.memory_space<hbm>>) target(%arg6 : memref<1024xi32, #tpu.memory_space<vmem>>) target_semaphore(%arg35 : memref<!tpu.dma_semaphore, #tpu.memory_space<semaphore_mem>>)
    %dma_start3A_23 = arith.constant 0 : i32
    %dma_start3A_24 = arith.constant 1024 : i32
    %dma_start3A_25 = tpu.memref_slice %arg2[%add3A, %dma_start3A_23, %dma_start3A_24] : memref<16x24x147456xf32, #tpu.memory_space<hbm>> -> memref<1x24x1024xf32, #tpu.memory_space<hbm>>
    %dma_start3A_26 = arith.constant 0 : i32
    %dma_start3A_27 = arith.constant 1024 : i32
    %dma_start3A_28 = tpu.memref_slice %arg2[%add3A, %dma_start3A_26, %dma_start3A_27] : memref<16x24x147456xf32, #tpu.memory_space<hbm>> -> memref<1x24x1024xf32, #tpu.memory_space<hbm>>
    tpu.enqueue_dma source(%dma_start3A_28 : memref<1x24x1024xf32, #tpu.memory_space<hbm>>) target(%arg8 : memref<1x24x1024xf32, #tpu.memory_space<vmem>>) target_semaphore(%arg35 : memref<!tpu.dma_semaphore, #tpu.memory_space<semaphore_mem>>)
    %scan3A_29 = arith.constant 0 : i32
    %scan3A_30 = arith.constant 0 : i32
    %scan3A_31 = arith.constant 72 : i32
    %scan3A_32 = arith.addi %scan3A_30, %scan3A_31 : i32
    %scan3A_33 = arith.constant 1 : i32
    %scan3A_34 = scf.for %scan3A_139 = %scan3A_30 to %scan3A_32 step %scan3A_33 iter_args(%scan3A_140 = %scan3A_29) -> (i32)  : i32 {
      %mul3A_141 = arith.constant 2 : i32
      %mul3A_142 = arith.muli %scan3A_139, %mul3A_141 : i32
      %dma_wait3A = arith.constant 0 : i32
      %dma_wait3A_143 = tpu.memref_slice %arg3[%dma_wait3A] : memref<147456xi32, #tpu.memory_space<hbm>> -> memref<1024xi32, #tpu.memory_space<hbm>>
      %dma_wait3A_144 = arith.constant 0 : i32
      %dma_wait3A_145 = tpu.memref_slice %arg3[%dma_wait3A_144] : memref<147456xi32, #tpu.memory_space<hbm>> -> memref<1024xi32, #tpu.memory_space<hbm>>
      tpu.wait_dma2 semaphore(%arg34 : memref<!tpu.dma_semaphore, #tpu.memory_space<semaphore_mem>>) src(%dma_wait3A_145 : memref<1024xi32, #tpu.memory_space<hbm>>) dst(%arg5 : memref<1024xi32, #tpu.memory_space<vmem>>)
      %dma_wait3A_146 = arith.constant 0 : i32
      %dma_wait3A_147 = arith.constant 0 : i32
      %dma_wait3A_148 = arith.constant 0 : i32
      %dma_wait3A_149 = tpu.memref_slice %arg2[%dma_wait3A_146, %dma_wait3A_147, %dma_wait3A_148] : memref<16x24x147456xf32, #tpu.memory_space<hbm>> -> memref<1x24x1024xf32, #tpu.memory_space<hbm>>
      %dma_wait3A_150 = arith.constant 0 : i32
      %dma_wait3A_151 = arith.constant 0 : i32
      %dma_wait3A_152 = arith.constant 0 : i32
      %dma_wait3A_153 = tpu.memref_slice %arg2[%dma_wait3A_150, %dma_wait3A_151, %dma_wait3A_152] : memref<16x24x147456xf32, #tpu.memory_space<hbm>> -> memref<1x24x1024xf32, #tpu.memory_space<hbm>>
      tpu.wait_dma2 semaphore(%arg34 : memref<!tpu.dma_semaphore, #tpu.memory_space<semaphore_mem>>) src(%dma_wait3A_153 : memref<1x24x1024xf32, #tpu.memory_space<hbm>>) dst(%arg7 : memref<1x24x1024xf32, #tpu.memory_space<vmem>>)
      %parallel_loop3A = arith.constant 0 : i32
      %parallel_loop3A_154 = arith.constant 64 : i32
      %parallel_loop3A_155 = arith.constant 1 : i32
      scf.for %parallel_loop3A_187 = %parallel_loop3A to %parallel_loop3A_154 step %parallel_loop3A_155  : i32 {
        %parallel_loop3A_188 = arith.constant 16 : i32
        %parallel_loop3A_189 = arith.muli %parallel_loop3A_187, %parallel_loop3A_188 : i32
        %parallel_loop3A_190 = arith.index_cast %parallel_loop3A_189 : i32 to index
        %parallel_loop3A_191 = tpu.vector_load %arg5[%parallel_loop3A_190] {strides = array<i32>} : memref<1024xi32, #tpu.memory_space<vmem>>, vector<16xi32>,
        tpu.vector_store_idx %arg33[%parallel_loop3A_191], %broadcast_in_dim3A_3 {add = true} : memref<2304xf32, #tpu.memory_space<vmem>>[vector<16xi32>], vector<16xf32>,
        %parallel_loop3A_192 = arith.constant 0 : i32
        %parallel_loop3A_193 = arith.constant 0 : i32
        %parallel_loop3A_194 = arith.index_cast %parallel_loop3A_192 : i32 to index
        %parallel_loop3A_195 = arith.index_cast %parallel_loop3A_193 : i32 to index
        %parallel_loop3A_196 = arith.index_cast %parallel_loop3A_189 : i32 to index
        %parallel_loop3A_197 = tpu.vector_load %arg7[%parallel_loop3A_194, %parallel_loop3A_195, %parallel_loop3A_196] {strides = array<i32>} : memref<1x24x1024xf32, #tpu.memory_space<vmem>>, vector<16xf32>,
        tpu.vector_store_idx %arg9[%parallel_loop3A_191], %parallel_loop3A_197 {add = true} : memref<2304xf32, #tpu.memory_space<vmem>>[vector<16xi32>], vector<16xf32>,
        %parallel_loop3A_198 = arith.constant 0 : i32
        %parallel_loop3A_199 = arith.constant 1 : i32
        %parallel_loop3A_200 = arith.index_cast %parallel_loop3A_198 : i32 to index
        %parallel_loop3A_201 = arith.index_cast %parallel_loop3A_199 : i32 to index
        %parallel_loop3A_202 = arith.index_cast %parallel_loop3A_189 : i32 to index
        %parallel_loop3A_203 = tpu.vector_load %arg7[%parallel_loop3A_200, %parallel_loop3A_201, %parallel_loop3A_202] {strides = array<i32>} : memref<1x24x1024xf32, #tpu.memory_space<vmem>>, vector<16xf32>,
        tpu.vector_store_idx %arg10[%parallel_loop3A_191], %parallel_loop3A_203 {add = true} : memref<2304xf32, #tpu.memory_space<vmem>>[vector<16xi32>], vector<16xf32>,
        %parallel_loop3A_204 = arith.constant 0 : i32
        %parallel_loop3A_205 = arith.constant 2 : i32
        %parallel_loop3A_206 = arith.index_cast %parallel_loop3A_204 : i32 to index
        %parallel_loop3A_207 = arith.index_cast %parallel_loop3A_205 : i32 to index
        %parallel_loop3A_208 = arith.index_cast %parallel_loop3A_189 : i32 to index
        %parallel_loop3A_209 = tpu.vector_load %arg7[%parallel_loop3A_206, %parallel_loop3A_207, %parallel_loop3A_208] {strides = array<i32>} : memref<1x24x1024xf32, #tpu.memory_space<vmem>>, vector<16xf32>,
        tpu.vector_store_idx %arg11[%parallel_loop3A_191], %parallel_loop3A_209 {add = true} : memref<2304xf32, #tpu.memory_space<vmem>>[vector<16xi32>], vector<16xf32>,
        %parallel_loop3A_210 = arith.constant 0 : i32
        %parallel_loop3A_211 = arith.constant 3 : i32
        %parallel_loop3A_212 = arith.index_cast %parallel_loop3A_210 : i32 to index
        %parallel_loop3A_213 = arith.index_cast %parallel_loop3A_211 : i32 to index
        %parallel_loop3A_214 = arith.index_cast %parallel_loop3A_189 : i32 to index
        %parallel_loop3A_215 = tpu.vector_load %arg7[%parallel_loop3A_212, %parallel_loop3A_213, %parallel_loop3A_214] {strides = array<i32>} : memref<1x24x1024xf32, #tpu.memory_space<vmem>>, vector<16xf32>,
        tpu.vector_store_idx %arg12[%parallel_loop3A_191], %parallel_loop3A_215 {add = true} : memref<2304xf32, #tpu.memory_space<vmem>>[vector<16xi32>], vector<16xf32>,
        %parallel_loop3A_216 = arith.constant 0 : i32
        %parallel_loop3A_217 = arith.constant 4 : i32
        %parallel_loop3A_218 = arith.index_cast %parallel_loop3A_216 : i32 to index
        %parallel_loop3A_219 = arith.index_cast %parallel_loop3A_217 : i32 to index
        %parallel_loop3A_220 = arith.index_cast %parallel_loop3A_189 : i32 to index
        %parallel_loop3A_221 = tpu.vector_load %arg7[%parallel_loop3A_218, %parallel_loop3A_219, %parallel_loop3A_220] {strides = array<i32>} : memref<1x24x1024xf32, #tpu.memory_space<vmem>>, vector<16xf32>,
        tpu.vector_store_idx %arg13[%parallel_loop3A_191], %parallel_loop3A_221 {add = true} : memref<2304xf32, #tpu.memory_space<vmem>>[vector<16xi32>], vector<16xf32>,
        %parallel_loop3A_222 = arith.constant 0 : i32
        %parallel_loop3A_223 = arith.constant 5 : i32
        %parallel_loop3A_224 = arith.index_cast %parallel_loop3A_222 : i32 to index
        %parallel_loop3A_225 = arith.index_cast %parallel_loop3A_223 : i32 to index
        %parallel_loop3A_226 = arith.index_cast %parallel_loop3A_189 : i32 to index
        %parallel_loop3A_227 = tpu.vector_load %arg7[%parallel_loop3A_224, %parallel_loop3A_225, %parallel_loop3A_226] {strides = array<i32>} : memref<1x24x1024xf32, #tpu.memory_space<vmem>>, vector<16xf32>,
        tpu.vector_store_idx %arg14[%parallel_loop3A_191], %parallel_loop3A_227 {add = true} : memref<2304xf32, #tpu.memory_space<vmem>>[vector<16xi32>], vector<16xf32>,
        %parallel_loop3A_228 = arith.constant 0 : i32
        %parallel_loop3A_229 = arith.constant 6 : i32
        %parallel_loop3A_230 = arith.index_cast %parallel_loop3A_228 : i32 to index
        %parallel_loop3A_231 = arith.index_cast %parallel_loop3A_229 : i32 to index
        %parallel_loop3A_232 = arith.index_cast %parallel_loop3A_189 : i32 to index
        %parallel_loop3A_233 = tpu.vector_load %arg7[%parallel_loop3A_230, %parallel_loop3A_231, %parallel_loop3A_232] {strides = array<i32>} : memref<1x24x1024xf32, #tpu.memory_space<vmem>>, vector<16xf32>,
        tpu.vector_store_idx %arg15[%parallel_loop3A_191], %parallel_loop3A_233 {add = true} : memref<2304xf32, #tpu.memory_space<vmem>>[vector<16xi32>], vector<16xf32>,
        %parallel_loop3A_234 = arith.constant 0 : i32
        %parallel_loop3A_235 = arith.constant 7 : i32
        %parallel_loop3A_236 = arith.index_cast %parallel_loop3A_234 : i32 to index
        %parallel_loop3A_237 = arith.index_cast %parallel_loop3A_235 : i32 to index
        %parallel_loop3A_238 = arith.index_cast %parallel_loop3A_189 : i32 to index
        %parallel_loop3A_239 = tpu.vector_load %arg7[%parallel_loop3A_236, %parallel_loop3A_237, %parallel_loop3A_238] {strides = array<i32>} : memref<1x24x1024xf32, #tpu.memory_space<vmem>>, vector<16xf32>,
        tpu.vector_store_idx %arg16[%parallel_loop3A_191], %parallel_loop3A_239 {add = true} : memref<2304xf32, #tpu.memory_space<vmem>>[vector<16xi32>], vector<16xf32>,
        %parallel_loop3A_240 = arith.constant 0 : i32
        %parallel_loop3A_241 = arith.constant 8 : i32
        %parallel_loop3A_242 = arith.index_cast %parallel_loop3A_240 : i32 to index
        %parallel_loop3A_243 = arith.index_cast %parallel_loop3A_241 : i32 to index
        %parallel_loop3A_244 = arith.index_cast %parallel_loop3A_189 : i32 to index
        %parallel_loop3A_245 = tpu.vector_load %arg7[%parallel_loop3A_242, %parallel_loop3A_243, %parallel_loop3A_244] {strides = array<i32>} : memref<1x24x1024xf32, #tpu.memory_space<vmem>>, vector<16xf32>,
        tpu.vector_store_idx %arg17[%parallel_loop3A_191], %parallel_loop3A_245 {add = true} : memref<2304xf32, #tpu.memory_space<vmem>>[vector<16xi32>], vector<16xf32>,
        %parallel_loop3A_246 = arith.constant 0 : i32
        %parallel_loop3A_247 = arith.constant 9 : i32
        %parallel_loop3A_248 = arith.index_cast %parallel_loop3A_246 : i32 to index
        %parallel_loop3A_249 = arith.index_cast %parallel_loop3A_247 : i32 to index
        %parallel_loop3A_250 = arith.index_cast %parallel_loop3A_189 : i32 to index
        %parallel_loop3A_251 = tpu.vector_load %arg7[%parallel_loop3A_248, %parallel_loop3A_249, %parallel_loop3A_250] {strides = array<i32>} : memref<1x24x1024xf32, #tpu.memory_space<vmem>>, vector<16xf32>,
        tpu.vector_store_idx %arg18[%parallel_loop3A_191], %parallel_loop3A_251 {add = true} : memref<2304xf32, #tpu.memory_space<vmem>>[vector<16xi32>], vector<16xf32>,
        %parallel_loop3A_252 = arith.constant 0 : i32
        %parallel_loop3A_253 = arith.constant 10 : i32
        %parallel_loop3A_254 = arith.index_cast %parallel_loop3A_252 : i32 to index
        %parallel_loop3A_255 = arith.index_cast %parallel_loop3A_253 : i32 to index
        %parallel_loop3A_256 = arith.index_cast %parallel_loop3A_189 : i32 to index
        %parallel_loop3A_257 = tpu.vector_load %arg7[%parallel_loop3A_254, %parallel_loop3A_255, %parallel_loop3A_256] {strides = array<i32>} : memref<1x24x1024xf32, #tpu.memory_space<vmem>>, vector<16xf32>,
        tpu.vector_store_idx %arg19[%parallel_loop3A_191], %parallel_loop3A_257 {add = true} : memref<2304xf32, #tpu.memory_space<vmem>>[vector<16xi32>], vector<16xf32>,
        %parallel_loop3A_258 = arith.constant 0 : i32
        %parallel_loop3A_259 = arith.constant 11 : i32
        %parallel_loop3A_260 = arith.index_cast %parallel_loop3A_258 : i32 to index
        %parallel_loop3A_261 = arith.index_cast %parallel_loop3A_259 : i32 to index
        %parallel_loop3A_262 = arith.index_cast %parallel_loop3A_189 : i32 to index
        %parallel_loop3A_263 = tpu.vector_load %arg7[%parallel_loop3A_260, %parallel_loop3A_261, %parallel_loop3A_262] {strides = array<i32>} : memref<1x24x1024xf32, #tpu.memory_space<vmem>>, vector<16xf32>,
        tpu.vector_store_idx %arg20[%parallel_loop3A_191], %parallel_loop3A_263 {add = true} : memref<2304xf32, #tpu.memory_space<vmem>>[vector<16xi32>], vector<16xf32>,
        %parallel_loop3A_264 = arith.constant 0 : i32
        %parallel_loop3A_265 = arith.constant 12 : i32
        %parallel_loop3A_266 = arith.index_cast %parallel_loop3A_264 : i32 to index
        %parallel_loop3A_267 = arith.index_cast %parallel_loop3A_265 : i32 to index
        %parallel_loop3A_268 = arith.index_cast %parallel_loop3A_189 : i32 to index
        %parallel_loop3A_269 = tpu.vector_load %arg7[%parallel_loop3A_266, %parallel_loop3A_267, %parallel_loop3A_268] {strides = array<i32>} : memref<1x24x1024xf32, #tpu.memory_space<vmem>>, vector<16xf32>,
        tpu.vector_store_idx %arg21[%parallel_loop3A_191], %parallel_loop3A_269 {add = true} : memref<2304xf32, #tpu.memory_space<vmem>>[vector<16xi32>], vector<16xf32>,
        %parallel_loop3A_270 = arith.constant 0 : i32
        %parallel_loop3A_271 = arith.constant 13 : i32
        %parallel_loop3A_272 = arith.index_cast %parallel_loop3A_270 : i32 to index
        %parallel_loop3A_273 = arith.index_cast %parallel_loop3A_271 : i32 to index
        %parallel_loop3A_274 = arith.index_cast %parallel_loop3A_189 : i32 to index
        %parallel_loop3A_275 = tpu.vector_load %arg7[%parallel_loop3A_272, %parallel_loop3A_273, %parallel_loop3A_274] {strides = array<i32>} : memref<1x24x1024xf32, #tpu.memory_space<vmem>>, vector<16xf32>,
        tpu.vector_store_idx %arg22[%parallel_loop3A_191], %parallel_loop3A_275 {add = true} : memref<2304xf32, #tpu.memory_space<vmem>>[vector<16xi32>], vector<16xf32>,
        %parallel_loop3A_276 = arith.constant 0 : i32
        %parallel_loop3A_277 = arith.constant 14 : i32
        %parallel_loop3A_278 = arith.index_cast %parallel_loop3A_276 : i32 to index
        %parallel_loop3A_279 = arith.index_cast %parallel_loop3A_277 : i32 to index
        %parallel_loop3A_280 = arith.index_cast %parallel_loop3A_189 : i32 to index
        %parallel_loop3A_281 = tpu.vector_load %arg7[%parallel_loop3A_278, %parallel_loop3A_279, %parallel_loop3A_280] {strides = array<i32>} : memref<1x24x1024xf32, #tpu.memory_space<vmem>>, vector<16xf32>,
        tpu.vector_store_idx %arg23[%parallel_loop3A_191], %parallel_loop3A_281 {add = true} : memref<2304xf32, #tpu.memory_space<vmem>>[vector<16xi32>], vector<16xf32>,
        %parallel_loop3A_282 = arith.constant 0 : i32
        %parallel_loop3A_283 = arith.constant 15 : i32
        %parallel_loop3A_284 = arith.index_cast %parallel_loop3A_282 : i32 to index
        %parallel_loop3A_285 = arith.index_cast %parallel_loop3A_283 : i32 to index
        %parallel_loop3A_286 = arith.index_cast %parallel_loop3A_189 : i32 to index
        %parallel_loop3A_287 = tpu.vector_load %arg7[%parallel_loop3A_284, %parallel_loop3A_285, %parallel_loop3A_286] {strides = array<i32>} : memref<1x24x1024xf32, #tpu.memory_space<vmem>>, vector<16xf32>,
        tpu.vector_store_idx %arg24[%parallel_loop3A_191], %parallel_loop3A_287 {add = true} : memref<2304xf32, #tpu.memory_space<vmem>>[vector<16xi32>], vector<16xf32>,
        %parallel_loop3A_288 = arith.constant 0 : i32
        %parallel_loop3A_289 = arith.constant 16 : i32
        %parallel_loop3A_290 = arith.index_cast %parallel_loop3A_288 : i32 to index
        %parallel_loop3A_291 = arith.index_cast %parallel_loop3A_289 : i32 to index
        %parallel_loop3A_292 = arith.index_cast %parallel_loop3A_189 : i32 to index
        %parallel_loop3A_293 = tpu.vector_load %arg7[%parallel_loop3A_290, %parallel_loop3A_291, %parallel_loop3A_292] {strides = array<i32>} : memref<1x24x1024xf32, #tpu.memory_space<vmem>>, vector<16xf32>,
        tpu.vector_store_idx %arg25[%parallel_loop3A_191], %parallel_loop3A_293 {add = true} : memref<2304xf32, #tpu.memory_space<vmem>>[vector<16xi32>], vector<16xf32>,
        %parallel_loop3A_294 = arith.constant 0 : i32
        %parallel_loop3A_295 = arith.constant 17 : i32
        %parallel_loop3A_296 = arith.index_cast %parallel_loop3A_294 : i32 to index
        %parallel_loop3A_297 = arith.index_cast %parallel_loop3A_295 : i32 to index
        %parallel_loop3A_298 = arith.index_cast %parallel_loop3A_189 : i32 to index
        %parallel_loop3A_299 = tpu.vector_load %arg7[%parallel_loop3A_296, %parallel_loop3A_297, %parallel_loop3A_298] {strides = array<i32>} : memref<1x24x1024xf32, #tpu.memory_space<vmem>>, vector<16xf32>,
        tpu.vector_store_idx %arg26[%parallel_loop3A_191], %parallel_loop3A_299 {add = true} : memref<2304xf32, #tpu.memory_space<vmem>>[vector<16xi32>], vector<16xf32>,
        %parallel_loop3A_300 = arith.constant 0 : i32
        %parallel_loop3A_301 = arith.constant 18 : i32
        %parallel_loop3A_302 = arith.index_cast %parallel_loop3A_300 : i32 to index
        %parallel_loop3A_303 = arith.index_cast %parallel_loop3A_301 : i32 to index
        %parallel_loop3A_304 = arith.index_cast %parallel_loop3A_189 : i32 to index
        %parallel_loop3A_305 = tpu.vector_load %arg7[%parallel_loop3A_302, %parallel_loop3A_303, %parallel_loop3A_304] {strides = array<i32>} : memref<1x24x1024xf32, #tpu.memory_space<vmem>>, vector<16xf32>,
        tpu.vector_store_idx %arg27[%parallel_loop3A_191], %parallel_loop3A_305 {add = true} : memref<2304xf32, #tpu.memory_space<vmem>>[vector<16xi32>], vector<16xf32>,
        %parallel_loop3A_306 = arith.constant 0 : i32
        %parallel_loop3A_307 = arith.constant 19 : i32
        %parallel_loop3A_308 = arith.index_cast %parallel_loop3A_306 : i32 to index
        %parallel_loop3A_309 = arith.index_cast %parallel_loop3A_307 : i32 to index
        %parallel_loop3A_310 = arith.index_cast %parallel_loop3A_189 : i32 to index
        %parallel_loop3A_311 = tpu.vector_load %arg7[%parallel_loop3A_308, %parallel_loop3A_309, %parallel_loop3A_310] {strides = array<i32>} : memref<1x24x1024xf32, #tpu.memory_space<vmem>>, vector<16xf32>,
        tpu.vector_store_idx %arg28[%parallel_loop3A_191], %parallel_loop3A_311 {add = true} : memref<2304xf32, #tpu.memory_space<vmem>>[vector<16xi32>], vector<16xf32>,
        %parallel_loop3A_312 = arith.constant 0 : i32
        %parallel_loop3A_313 = arith.constant 20 : i32
        %parallel_loop3A_314 = arith.index_cast %parallel_loop3A_312 : i32 to index
        %parallel_loop3A_315 = arith.index_cast %parallel_loop3A_313 : i32 to index
        %parallel_loop3A_316 = arith.index_cast %parallel_loop3A_189 : i32 to index
        %parallel_loop3A_317 = tpu.vector_load %arg7[%parallel_loop3A_314, %parallel_loop3A_315, %parallel_loop3A_316] {strides = array<i32>} : memref<1x24x1024xf32, #tpu.memory_space<vmem>>, vector<16xf32>,
        tpu.vector_store_idx %arg29[%parallel_loop3A_191], %parallel_loop3A_317 {add = true} : memref<2304xf32, #tpu.memory_space<vmem>>[vector<16xi32>], vector<16xf32>,
        %parallel_loop3A_318 = arith.constant 0 : i32
        %parallel_loop3A_319 = arith.constant 21 : i32
        %parallel_loop3A_320 = arith.index_cast %parallel_loop3A_318 : i32 to index
        %parallel_loop3A_321 = arith.index_cast %parallel_loop3A_319 : i32 to index
        %parallel_loop3A_322 = arith.index_cast %parallel_loop3A_189 : i32 to index
        %parallel_loop3A_323 = tpu.vector_load %arg7[%parallel_loop3A_320, %parallel_loop3A_321, %parallel_loop3A_322] {strides = array<i32>} : memref<1x24x1024xf32, #tpu.memory_space<vmem>>, vector<16xf32>,
        tpu.vector_store_idx %arg30[%parallel_loop3A_191], %parallel_loop3A_323 {add = true} : memref<2304xf32, #tpu.memory_space<vmem>>[vector<16xi32>], vector<16xf32>,
        %parallel_loop3A_324 = arith.constant 0 : i32
        %parallel_loop3A_325 = arith.constant 22 : i32
        %parallel_loop3A_326 = arith.index_cast %parallel_loop3A_324 : i32 to index
        %parallel_loop3A_327 = arith.index_cast %parallel_loop3A_325 : i32 to index
        %parallel_loop3A_328 = arith.index_cast %parallel_loop3A_189 : i32 to index
        %parallel_loop3A_329 = tpu.vector_load %arg7[%parallel_loop3A_326, %parallel_loop3A_327, %parallel_loop3A_328] {strides = array<i32>} : memref<1x24x1024xf32, #tpu.memory_space<vmem>>, vector<16xf32>,
        tpu.vector_store_idx %arg31[%parallel_loop3A_191], %parallel_loop3A_329 {add = true} : memref<2304xf32, #tpu.memory_space<vmem>>[vector<16xi32>], vector<16xf32>,
        %parallel_loop3A_330 = arith.constant 0 : i32
        %parallel_loop3A_331 = arith.constant 23 : i32
        %parallel_loop3A_332 = arith.index_cast %parallel_loop3A_330 : i32 to index
        %parallel_loop3A_333 = arith.index_cast %parallel_loop3A_331 : i32 to index
        %parallel_loop3A_334 = arith.index_cast %parallel_loop3A_189 : i32 to index
        %parallel_loop3A_335 = tpu.vector_load %arg7[%parallel_loop3A_332, %parallel_loop3A_333, %parallel_loop3A_334] {strides = array<i32>} : memref<1x24x1024xf32, #tpu.memory_space<vmem>>, vector<16xf32>,
        tpu.vector_store_idx %arg32[%parallel_loop3A_191], %parallel_loop3A_335 {add = true} : memref<2304xf32, #tpu.memory_space<vmem>>[vector<16xi32>], vector<16xf32>,
      } {sc.loop_unroll_factor = 4 : i64, sc.parallel_access}
      %add3A_156 = arith.constant 2 : i32
      %add3A_157 = arith.addi %mul3A_142, %add3A_156 : i32
      %add3A_158 = arith.constant 0 : i32
      %add3A_159 = arith.addi %add3A_157, %add3A_158 : i32
      %lt3A = arith.constant 144 : i32
      %lt3A_160 = arith.cmpi slt, %add3A_159, %lt3A : i32
      %convert_element_type3A = arith.extui %lt3A_160 : i1 to i32
      %cond3A = arith.constant 0 : i32
      %cond3A_161 = arith.cmpi ne, %convert_element_type3A, %cond3A : i32
      scf.if %cond3A_161 {
        %add3A_187 = arith.constant 2 : i32
        %add3A_188 = arith.addi %mul3A_142, %add3A_187 : i32
        %add3A_189 = arith.constant 0 : i32
        %add3A_190 = arith.addi %add3A_188, %add3A_189 : i32
        %mul3A_191 = arith.constant 1024 : i32
        %mul3A_192 = arith.muli %add3A_190, %mul3A_191 : i32
        %dma_start3A_193 = tpu.memref_slice %arg3[%mul3A_192] : memref<147456xi32, #tpu.memory_space<hbm>> -> memref<1024xi32, #tpu.memory_space<hbm>>
        %dma_start3A_194 = tpu.memref_slice %arg3[%mul3A_192] : memref<147456xi32, #tpu.memory_space<hbm>> -> memref<1024xi32, #tpu.memory_space<hbm>>
        tpu.enqueue_dma source(%dma_start3A_194 : memref<1024xi32, #tpu.memory_space<hbm>>) target(%arg5 : memref<1024xi32, #tpu.memory_space<vmem>>) target_semaphore(%arg34 : memref<!tpu.dma_semaphore, #tpu.memory_space<semaphore_mem>>)
        %dma_start3A_195 = arith.constant 0 : i32
        %dma_start3A_196 = tpu.memref_slice %arg2[%add3A, %dma_start3A_195, %mul3A_192] : memref<16x24x147456xf32, #tpu.memory_space<hbm>> -> memref<1x24x1024xf32, #tpu.memory_space<hbm>>
        %dma_start3A_197 = arith.constant 0 : i32
        %dma_start3A_198 = tpu.memref_slice %arg2[%add3A, %dma_start3A_197, %mul3A_192] : memref<16x24x147456xf32, #tpu.memory_space<hbm>> -> memref<1x24x1024xf32, #tpu.memory_space<hbm>>
        tpu.enqueue_dma source(%dma_start3A_198 : memref<1x24x1024xf32, #tpu.memory_space<hbm>>) target(%arg7 : memref<1x24x1024xf32, #tpu.memory_space<vmem>>) target_semaphore(%arg34 : memref<!tpu.dma_semaphore, #tpu.memory_space<semaphore_mem>>)
      } else {
      }
      %dma_wait3A_162 = arith.constant 0 : i32
      %dma_wait3A_163 = tpu.memref_slice %arg3[%dma_wait3A_162] : memref<147456xi32, #tpu.memory_space<hbm>> -> memref<1024xi32, #tpu.memory_space<hbm>>
      %dma_wait3A_164 = arith.constant 0 : i32
      %dma_wait3A_165 = tpu.memref_slice %arg3[%dma_wait3A_164] : memref<147456xi32, #tpu.memory_space<hbm>> -> memref<1024xi32, #tpu.memory_space<hbm>>
      tpu.wait_dma2 semaphore(%arg35 : memref<!tpu.dma_semaphore, #tpu.memory_space<semaphore_mem>>) src(%dma_wait3A_165 : memref<1024xi32, #tpu.memory_space<hbm>>) dst(%arg6 : memref<1024xi32, #tpu.memory_space<vmem>>)
      %dma_wait3A_166 = arith.constant 0 : i32
      %dma_wait3A_167 = arith.constant 0 : i32
      %dma_wait3A_168 = arith.constant 0 : i32
      %dma_wait3A_169 = tpu.memref_slice %arg2[%dma_wait3A_166, %dma_wait3A_167, %dma_wait3A_168] : memref<16x24x147456xf32, #tpu.memory_space<hbm>> -> memref<1x24x1024xf32, #tpu.memory_space<hbm>>
      %dma_wait3A_170 = arith.constant 0 : i32
      %dma_wait3A_171 = arith.constant 0 : i32
      %dma_wait3A_172 = arith.constant 0 : i32
      %dma_wait3A_173 = tpu.memref_slice %arg2[%dma_wait3A_170, %dma_wait3A_171, %dma_wait3A_172] : memref<16x24x147456xf32, #tpu.memory_space<hbm>> -> memref<1x24x1024xf32, #tpu.memory_space<hbm>>
      tpu.wait_dma2 semaphore(%arg35 : memref<!tpu.dma_semaphore, #tpu.memory_space<semaphore_mem>>) src(%dma_wait3A_173 : memref<1x24x1024xf32, #tpu.memory_space<hbm>>) dst(%arg8 : memref<1x24x1024xf32, #tpu.memory_space<vmem>>)
      %parallel_loop3A_174 = arith.constant 0 : i32
      %parallel_loop3A_175 = arith.constant 64 : i32
      %parallel_loop3A_176 = arith.constant 1 : i32
      scf.for %parallel_loop3A_187 = %parallel_loop3A_174 to %parallel_loop3A_175 step %parallel_loop3A_176  : i32 {
        %parallel_loop3A_188 = arith.constant 16 : i32
        %parallel_loop3A_189 = arith.muli %parallel_loop3A_187, %parallel_loop3A_188 : i32
        %parallel_loop3A_190 = arith.index_cast %parallel_loop3A_189 : i32 to index
        %parallel_loop3A_191 = tpu.vector_load %arg6[%parallel_loop3A_190] {strides = array<i32>} : memref<1024xi32, #tpu.memory_space<vmem>>, vector<16xi32>,
        tpu.vector_store_idx %arg33[%parallel_loop3A_191], %broadcast_in_dim3A_3 {add = true} : memref<2304xf32, #tpu.memory_space<vmem>>[vector<16xi32>], vector<16xf32>,
        %parallel_loop3A_192 = arith.constant 0 : i32
        %parallel_loop3A_193 = arith.constant 0 : i32
        %parallel_loop3A_194 = arith.index_cast %parallel_loop3A_192 : i32 to index
        %parallel_loop3A_195 = arith.index_cast %parallel_loop3A_193 : i32 to index
        %parallel_loop3A_196 = arith.index_cast %parallel_loop3A_189 : i32 to index
        %parallel_loop3A_197 = tpu.vector_load %arg8[%parallel_loop3A_194, %parallel_loop3A_195, %parallel_loop3A_196] {strides = array<i32>} : memref<1x24x1024xf32, #tpu.memory_space<vmem>>, vector<16xf32>,
        tpu.vector_store_idx %arg9[%parallel_loop3A_191], %parallel_loop3A_197 {add = true} : memref<2304xf32, #tpu.memory_space<vmem>>[vector<16xi32>], vector<16xf32>,
        %parallel_loop3A_198 = arith.constant 0 : i32
        %parallel_loop3A_199 = arith.constant 1 : i32
        %parallel_loop3A_200 = arith.index_cast %parallel_loop3A_198 : i32 to index
        %parallel_loop3A_201 = arith.index_cast %parallel_loop3A_199 : i32 to index
        %parallel_loop3A_202 = arith.index_cast %parallel_loop3A_189 : i32 to index
        %parallel_loop3A_203 = tpu.vector_load %arg8[%parallel_loop3A_200, %parallel_loop3A_201, %parallel_loop3A_202] {strides = array<i32>} : memref<1x24x1024xf32, #tpu.memory_space<vmem>>, vector<16xf32>,
        tpu.vector_store_idx %arg10[%parallel_loop3A_191], %parallel_loop3A_203 {add = true} : memref<2304xf32, #tpu.memory_space<vmem>>[vector<16xi32>], vector<16xf32>,
        %parallel_loop3A_204 = arith.constant 0 : i32
        %parallel_loop3A_205 = arith.constant 2 : i32
        %parallel_loop3A_206 = arith.index_cast %parallel_loop3A_204 : i32 to index
        %parallel_loop3A_207 = arith.index_cast %parallel_loop3A_205 : i32 to index
        %parallel_loop3A_208 = arith.index_cast %parallel_loop3A_189 : i32 to index
        %parallel_loop3A_209 = tpu.vector_load %arg8[%parallel_loop3A_206, %parallel_loop3A_207, %parallel_loop3A_208] {strides = array<i32>} : memref<1x24x1024xf32, #tpu.memory_space<vmem>>, vector<16xf32>,
        tpu.vector_store_idx %arg11[%parallel_loop3A_191], %parallel_loop3A_209 {add = true} : memref<2304xf32, #tpu.memory_space<vmem>>[vector<16xi32>], vector<16xf32>,
        %parallel_loop3A_210 = arith.constant 0 : i32
        %parallel_loop3A_211 = arith.constant 3 : i32
        %parallel_loop3A_212 = arith.index_cast %parallel_loop3A_210 : i32 to index
        %parallel_loop3A_213 = arith.index_cast %parallel_loop3A_211 : i32 to index
        %parallel_loop3A_214 = arith.index_cast %parallel_loop3A_189 : i32 to index
        %parallel_loop3A_215 = tpu.vector_load %arg8[%parallel_loop3A_212, %parallel_loop3A_213, %parallel_loop3A_214] {strides = array<i32>} : memref<1x24x1024xf32, #tpu.memory_space<vmem>>, vector<16xf32>,
        tpu.vector_store_idx %arg12[%parallel_loop3A_191], %parallel_loop3A_215 {add = true} : memref<2304xf32, #tpu.memory_space<vmem>>[vector<16xi32>], vector<16xf32>,
        %parallel_loop3A_216 = arith.constant 0 : i32
        %parallel_loop3A_217 = arith.constant 4 : i32
        %parallel_loop3A_218 = arith.index_cast %parallel_loop3A_216 : i32 to index
        %parallel_loop3A_219 = arith.index_cast %parallel_loop3A_217 : i32 to index
        %parallel_loop3A_220 = arith.index_cast %parallel_loop3A_189 : i32 to index
        %parallel_loop3A_221 = tpu.vector_load %arg8[%parallel_loop3A_218, %parallel_loop3A_219, %parallel_loop3A_220] {strides = array<i32>} : memref<1x24x1024xf32, #tpu.memory_space<vmem>>, vector<16xf32>,
        tpu.vector_store_idx %arg13[%parallel_loop3A_191], %parallel_loop3A_221 {add = true} : memref<2304xf32, #tpu.memory_space<vmem>>[vector<16xi32>], vector<16xf32>,
        %parallel_loop3A_222 = arith.constant 0 : i32
        %parallel_loop3A_223 = arith.constant 5 : i32
        %parallel_loop3A_224 = arith.index_cast %parallel_loop3A_222 : i32 to index
        %parallel_loop3A_225 = arith.index_cast %parallel_loop3A_223 : i32 to index
        %parallel_loop3A_226 = arith.index_cast %parallel_loop3A_189 : i32 to index
        %parallel_loop3A_227 = tpu.vector_load %arg8[%parallel_loop3A_224, %parallel_loop3A_225, %parallel_loop3A_226] {strides = array<i32>} : memref<1x24x1024xf32, #tpu.memory_space<vmem>>, vector<16xf32>,
        tpu.vector_store_idx %arg14[%parallel_loop3A_191], %parallel_loop3A_227 {add = true} : memref<2304xf32, #tpu.memory_space<vmem>>[vector<16xi32>], vector<16xf32>,
        %parallel_loop3A_228 = arith.constant 0 : i32
        %parallel_loop3A_229 = arith.constant 6 : i32
        %parallel_loop3A_230 = arith.index_cast %parallel_loop3A_228 : i32 to index
        %parallel_loop3A_231 = arith.index_cast %parallel_loop3A_229 : i32 to index
        %parallel_loop3A_232 = arith.index_cast %parallel_loop3A_189 : i32 to index
        %parallel_loop3A_233 = tpu.vector_load %arg8[%parallel_loop3A_230, %parallel_loop3A_231, %parallel_loop3A_232] {strides = array<i32>} : memref<1x24x1024xf32, #tpu.memory_space<vmem>>, vector<16xf32>,
        tpu.vector_store_idx %arg15[%parallel_loop3A_191], %parallel_loop3A_233 {add = true} : memref<2304xf32, #tpu.memory_space<vmem>>[vector<16xi32>], vector<16xf32>,
        %parallel_loop3A_234 = arith.constant 0 : i32
        %parallel_loop3A_235 = arith.constant 7 : i32
        %parallel_loop3A_236 = arith.index_cast %parallel_loop3A_234 : i32 to index
        %parallel_loop3A_237 = arith.index_cast %parallel_loop3A_235 : i32 to index
        %parallel_loop3A_238 = arith.index_cast %parallel_loop3A_189 : i32 to index
        %parallel_loop3A_239 = tpu.vector_load %arg8[%parallel_loop3A_236, %parallel_loop3A_237, %parallel_loop3A_238] {strides = array<i32>} : memref<1x24x1024xf32, #tpu.memory_space<vmem>>, vector<16xf32>,
        tpu.vector_store_idx %arg16[%parallel_loop3A_191], %parallel_loop3A_239 {add = true} : memref<2304xf32, #tpu.memory_space<vmem>>[vector<16xi32>], vector<16xf32>,
        %parallel_loop3A_240 = arith.constant 0 : i32
        %parallel_loop3A_241 = arith.constant 8 : i32
        %parallel_loop3A_242 = arith.index_cast %parallel_loop3A_240 : i32 to index
        %parallel_loop3A_243 = arith.index_cast %parallel_loop3A_241 : i32 to index
        %parallel_loop3A_244 = arith.index_cast %parallel_loop3A_189 : i32 to index
        %parallel_loop3A_245 = tpu.vector_load %arg8[%parallel_loop3A_242, %parallel_loop3A_243, %parallel_loop3A_244] {strides = array<i32>} : memref<1x24x1024xf32, #tpu.memory_space<vmem>>, vector<16xf32>,
        tpu.vector_store_idx %arg17[%parallel_loop3A_191], %parallel_loop3A_245 {add = true} : memref<2304xf32, #tpu.memory_space<vmem>>[vector<16xi32>], vector<16xf32>,
        %parallel_loop3A_246 = arith.constant 0 : i32
        %parallel_loop3A_247 = arith.constant 9 : i32
        %parallel_loop3A_248 = arith.index_cast %parallel_loop3A_246 : i32 to index
        %parallel_loop3A_249 = arith.index_cast %parallel_loop3A_247 : i32 to index
        %parallel_loop3A_250 = arith.index_cast %parallel_loop3A_189 : i32 to index
        %parallel_loop3A_251 = tpu.vector_load %arg8[%parallel_loop3A_248, %parallel_loop3A_249, %parallel_loop3A_250] {strides = array<i32>} : memref<1x24x1024xf32, #tpu.memory_space<vmem>>, vector<16xf32>,
        tpu.vector_store_idx %arg18[%parallel_loop3A_191], %parallel_loop3A_251 {add = true} : memref<2304xf32, #tpu.memory_space<vmem>>[vector<16xi32>], vector<16xf32>,
        %parallel_loop3A_252 = arith.constant 0 : i32
        %parallel_loop3A_253 = arith.constant 10 : i32
        %parallel_loop3A_254 = arith.index_cast %parallel_loop3A_252 : i32 to index
        %parallel_loop3A_255 = arith.index_cast %parallel_loop3A_253 : i32 to index
        %parallel_loop3A_256 = arith.index_cast %parallel_loop3A_189 : i32 to index
        %parallel_loop3A_257 = tpu.vector_load %arg8[%parallel_loop3A_254, %parallel_loop3A_255, %parallel_loop3A_256] {strides = array<i32>} : memref<1x24x1024xf32, #tpu.memory_space<vmem>>, vector<16xf32>,
        tpu.vector_store_idx %arg19[%parallel_loop3A_191], %parallel_loop3A_257 {add = true} : memref<2304xf32, #tpu.memory_space<vmem>>[vector<16xi32>], vector<16xf32>,
        %parallel_loop3A_258 = arith.constant 0 : i32
        %parallel_loop3A_259 = arith.constant 11 : i32
        %parallel_loop3A_260 = arith.index_cast %parallel_loop3A_258 : i32 to index
        %parallel_loop3A_261 = arith.index_cast %parallel_loop3A_259 : i32 to index
        %parallel_loop3A_262 = arith.index_cast %parallel_loop3A_189 : i32 to index
        %parallel_loop3A_263 = tpu.vector_load %arg8[%parallel_loop3A_260, %parallel_loop3A_261, %parallel_loop3A_262] {strides = array<i32>} : memref<1x24x1024xf32, #tpu.memory_space<vmem>>, vector<16xf32>,
        tpu.vector_store_idx %arg20[%parallel_loop3A_191], %parallel_loop3A_263 {add = true} : memref<2304xf32, #tpu.memory_space<vmem>>[vector<16xi32>], vector<16xf32>,
        %parallel_loop3A_264 = arith.constant 0 : i32
        %parallel_loop3A_265 = arith.constant 12 : i32
        %parallel_loop3A_266 = arith.index_cast %parallel_loop3A_264 : i32 to index
        %parallel_loop3A_267 = arith.index_cast %parallel_loop3A_265 : i32 to index
        %parallel_loop3A_268 = arith.index_cast %parallel_loop3A_189 : i32 to index
        %parallel_loop3A_269 = tpu.vector_load %arg8[%parallel_loop3A_266, %parallel_loop3A_267, %parallel_loop3A_268] {strides = array<i32>} : memref<1x24x1024xf32, #tpu.memory_space<vmem>>, vector<16xf32>,
        tpu.vector_store_idx %arg21[%parallel_loop3A_191], %parallel_loop3A_269 {add = true} : memref<2304xf32, #tpu.memory_space<vmem>>[vector<16xi32>], vector<16xf32>,
        %parallel_loop3A_270 = arith.constant 0 : i32
        %parallel_loop3A_271 = arith.constant 13 : i32
        %parallel_loop3A_272 = arith.index_cast %parallel_loop3A_270 : i32 to index
        %parallel_loop3A_273 = arith.index_cast %parallel_loop3A_271 : i32 to index
        %parallel_loop3A_274 = arith.index_cast %parallel_loop3A_189 : i32 to index
        %parallel_loop3A_275 = tpu.vector_load %arg8[%parallel_loop3A_272, %parallel_loop3A_273, %parallel_loop3A_274] {strides = array<i32>} : memref<1x24x1024xf32, #tpu.memory_space<vmem>>, vector<16xf32>,
        tpu.vector_store_idx %arg22[%parallel_loop3A_191], %parallel_loop3A_275 {add = true} : memref<2304xf32, #tpu.memory_space<vmem>>[vector<16xi32>], vector<16xf32>,
        %parallel_loop3A_276 = arith.constant 0 : i32
        %parallel_loop3A_277 = arith.constant 14 : i32
        %parallel_loop3A_278 = arith.index_cast %parallel_loop3A_276 : i32 to index
        %parallel_loop3A_279 = arith.index_cast %parallel_loop3A_277 : i32 to index
        %parallel_loop3A_280 = arith.index_cast %parallel_loop3A_189 : i32 to index
        %parallel_loop3A_281 = tpu.vector_load %arg8[%parallel_loop3A_278, %parallel_loop3A_279, %parallel_loop3A_280] {strides = array<i32>} : memref<1x24x1024xf32, #tpu.memory_space<vmem>>, vector<16xf32>,
        tpu.vector_store_idx %arg23[%parallel_loop3A_191], %parallel_loop3A_281 {add = true} : memref<2304xf32, #tpu.memory_space<vmem>>[vector<16xi32>], vector<16xf32>,
        %parallel_loop3A_282 = arith.constant 0 : i32
        %parallel_loop3A_283 = arith.constant 15 : i32
        %parallel_loop3A_284 = arith.index_cast %parallel_loop3A_282 : i32 to index
        %parallel_loop3A_285 = arith.index_cast %parallel_loop3A_283 : i32 to index
        %parallel_loop3A_286 = arith.index_cast %parallel_loop3A_189 : i32 to index
        %parallel_loop3A_287 = tpu.vector_load %arg8[%parallel_loop3A_284, %parallel_loop3A_285, %parallel_loop3A_286] {strides = array<i32>} : memref<1x24x1024xf32, #tpu.memory_space<vmem>>, vector<16xf32>,
        tpu.vector_store_idx %arg24[%parallel_loop3A_191], %parallel_loop3A_287 {add = true} : memref<2304xf32, #tpu.memory_space<vmem>>[vector<16xi32>], vector<16xf32>,
        %parallel_loop3A_288 = arith.constant 0 : i32
        %parallel_loop3A_289 = arith.constant 16 : i32
        %parallel_loop3A_290 = arith.index_cast %parallel_loop3A_288 : i32 to index
        %parallel_loop3A_291 = arith.index_cast %parallel_loop3A_289 : i32 to index
        %parallel_loop3A_292 = arith.index_cast %parallel_loop3A_189 : i32 to index
        %parallel_loop3A_293 = tpu.vector_load %arg8[%parallel_loop3A_290, %parallel_loop3A_291, %parallel_loop3A_292] {strides = array<i32>} : memref<1x24x1024xf32, #tpu.memory_space<vmem>>, vector<16xf32>,
        tpu.vector_store_idx %arg25[%parallel_loop3A_191], %parallel_loop3A_293 {add = true} : memref<2304xf32, #tpu.memory_space<vmem>>[vector<16xi32>], vector<16xf32>,
        %parallel_loop3A_294 = arith.constant 0 : i32
        %parallel_loop3A_295 = arith.constant 17 : i32
        %parallel_loop3A_296 = arith.index_cast %parallel_loop3A_294 : i32 to index
        %parallel_loop3A_297 = arith.index_cast %parallel_loop3A_295 : i32 to index
        %parallel_loop3A_298 = arith.index_cast %parallel_loop3A_189 : i32 to index
        %parallel_loop3A_299 = tpu.vector_load %arg8[%parallel_loop3A_296, %parallel_loop3A_297, %parallel_loop3A_298] {strides = array<i32>} : memref<1x24x1024xf32, #tpu.memory_space<vmem>>, vector<16xf32>,
        tpu.vector_store_idx %arg26[%parallel_loop3A_191], %parallel_loop3A_299 {add = true} : memref<2304xf32, #tpu.memory_space<vmem>>[vector<16xi32>], vector<16xf32>,
        %parallel_loop3A_300 = arith.constant 0 : i32
        %parallel_loop3A_301 = arith.constant 18 : i32
        %parallel_loop3A_302 = arith.index_cast %parallel_loop3A_300 : i32 to index
        %parallel_loop3A_303 = arith.index_cast %parallel_loop3A_301 : i32 to index
        %parallel_loop3A_304 = arith.index_cast %parallel_loop3A_189 : i32 to index
        %parallel_loop3A_305 = tpu.vector_load %arg8[%parallel_loop3A_302, %parallel_loop3A_303, %parallel_loop3A_304] {strides = array<i32>} : memref<1x24x1024xf32, #tpu.memory_space<vmem>>, vector<16xf32>,
        tpu.vector_store_idx %arg27[%parallel_loop3A_191], %parallel_loop3A_305 {add = true} : memref<2304xf32, #tpu.memory_space<vmem>>[vector<16xi32>], vector<16xf32>,
        %parallel_loop3A_306 = arith.constant 0 : i32
        %parallel_loop3A_307 = arith.constant 19 : i32
        %parallel_loop3A_308 = arith.index_cast %parallel_loop3A_306 : i32 to index
        %parallel_loop3A_309 = arith.index_cast %parallel_loop3A_307 : i32 to index
        %parallel_loop3A_310 = arith.index_cast %parallel_loop3A_189 : i32 to index
        %parallel_loop3A_311 = tpu.vector_load %arg8[%parallel_loop3A_308, %parallel_loop3A_309, %parallel_loop3A_310] {strides = array<i32>} : memref<1x24x1024xf32, #tpu.memory_space<vmem>>, vector<16xf32>,
        tpu.vector_store_idx %arg28[%parallel_loop3A_191], %parallel_loop3A_311 {add = true} : memref<2304xf32, #tpu.memory_space<vmem>>[vector<16xi32>], vector<16xf32>,
        %parallel_loop3A_312 = arith.constant 0 : i32
        %parallel_loop3A_313 = arith.constant 20 : i32
        %parallel_loop3A_314 = arith.index_cast %parallel_loop3A_312 : i32 to index
        %parallel_loop3A_315 = arith.index_cast %parallel_loop3A_313 : i32 to index
        %parallel_loop3A_316 = arith.index_cast %parallel_loop3A_189 : i32 to index
        %parallel_loop3A_317 = tpu.vector_load %arg8[%parallel_loop3A_314, %parallel_loop3A_315, %parallel_loop3A_316] {strides = array<i32>} : memref<1x24x1024xf32, #tpu.memory_space<vmem>>, vector<16xf32>,
        tpu.vector_store_idx %arg29[%parallel_loop3A_191], %parallel_loop3A_317 {add = true} : memref<2304xf32, #tpu.memory_space<vmem>>[vector<16xi32>], vector<16xf32>,
        %parallel_loop3A_318 = arith.constant 0 : i32
        %parallel_loop3A_319 = arith.constant 21 : i32
        %parallel_loop3A_320 = arith.index_cast %parallel_loop3A_318 : i32 to index
        %parallel_loop3A_321 = arith.index_cast %parallel_loop3A_319 : i32 to index
        %parallel_loop3A_322 = arith.index_cast %parallel_loop3A_189 : i32 to index
        %parallel_loop3A_323 = tpu.vector_load %arg8[%parallel_loop3A_320, %parallel_loop3A_321, %parallel_loop3A_322] {strides = array<i32>} : memref<1x24x1024xf32, #tpu.memory_space<vmem>>, vector<16xf32>,
        tpu.vector_store_idx %arg30[%parallel_loop3A_191], %parallel_loop3A_323 {add = true} : memref<2304xf32, #tpu.memory_space<vmem>>[vector<16xi32>], vector<16xf32>,
        %parallel_loop3A_324 = arith.constant 0 : i32
        %parallel_loop3A_325 = arith.constant 22 : i32
        %parallel_loop3A_326 = arith.index_cast %parallel_loop3A_324 : i32 to index
        %parallel_loop3A_327 = arith.index_cast %parallel_loop3A_325 : i32 to index
        %parallel_loop3A_328 = arith.index_cast %parallel_loop3A_189 : i32 to index
        %parallel_loop3A_329 = tpu.vector_load %arg8[%parallel_loop3A_326, %parallel_loop3A_327, %parallel_loop3A_328] {strides = array<i32>} : memref<1x24x1024xf32, #tpu.memory_space<vmem>>, vector<16xf32>,
        tpu.vector_store_idx %arg31[%parallel_loop3A_191], %parallel_loop3A_329 {add = true} : memref<2304xf32, #tpu.memory_space<vmem>>[vector<16xi32>], vector<16xf32>,
        %parallel_loop3A_330 = arith.constant 0 : i32
        %parallel_loop3A_331 = arith.constant 23 : i32
        %parallel_loop3A_332 = arith.index_cast %parallel_loop3A_330 : i32 to index
        %parallel_loop3A_333 = arith.index_cast %parallel_loop3A_331 : i32 to index
        %parallel_loop3A_334 = arith.index_cast %parallel_loop3A_189 : i32 to index
        %parallel_loop3A_335 = tpu.vector_load %arg8[%parallel_loop3A_332, %parallel_loop3A_333, %parallel_loop3A_334] {strides = array<i32>} : memref<1x24x1024xf32, #tpu.memory_space<vmem>>, vector<16xf32>,
        tpu.vector_store_idx %arg32[%parallel_loop3A_191], %parallel_loop3A_335 {add = true} : memref<2304xf32, #tpu.memory_space<vmem>>[vector<16xi32>], vector<16xf32>,
      } {sc.loop_unroll_factor = 4 : i64, sc.parallel_access}
      %add3A_177 = arith.constant 2 : i32
      %add3A_178 = arith.addi %mul3A_142, %add3A_177 : i32
      %add3A_179 = arith.constant 1 : i32
      %add3A_180 = arith.addi %add3A_178, %add3A_179 : i32
      %lt3A_181 = arith.constant 144 : i32
      %lt3A_182 = arith.cmpi slt, %add3A_180, %lt3A_181 : i32
      %convert_element_type3A_183 = arith.extui %lt3A_182 : i1 to i32
      %cond3A_184 = arith.constant 0 : i32
      %cond3A_185 = arith.cmpi ne, %convert_element_type3A_183, %cond3A_184 : i32
      scf.if %cond3A_185 {
        %add3A_187 = arith.constant 2 : i32
        %add3A_188 = arith.addi %mul3A_142, %add3A_187 : i32
        %add3A_189 = arith.constant 1 : i32
        %add3A_190 = arith.addi %add3A_188, %add3A_189 : i32
        %mul3A_191 = arith.constant 1024 : i32
        %mul3A_192 = arith.muli %add3A_190, %mul3A_191 : i32
        %dma_start3A_193 = tpu.memref_slice %arg3[%mul3A_192] : memref<147456xi32, #tpu.memory_space<hbm>> -> memref<1024xi32, #tpu.memory_space<hbm>>
        %dma_start3A_194 = tpu.memref_slice %arg3[%mul3A_192] : memref<147456xi32, #tpu.memory_space<hbm>> -> memref<1024xi32, #tpu.memory_space<hbm>>
        tpu.enqueue_dma source(%dma_start3A_194 : memref<1024xi32, #tpu.memory_space<hbm>>) target(%arg6 : memref<1024xi32, #tpu.memory_space<vmem>>) target_semaphore(%arg35 : memref<!tpu.dma_semaphore, #tpu.memory_space<semaphore_mem>>)
        %dma_start3A_195 = arith.constant 0 : i32
        %dma_start3A_196 = tpu.memref_slice %arg2[%add3A, %dma_start3A_195, %mul3A_192] : memref<16x24x147456xf32, #tpu.memory_space<hbm>> -> memref<1x24x1024xf32, #tpu.memory_space<hbm>>
        %dma_start3A_197 = arith.constant 0 : i32
        %dma_start3A_198 = tpu.memref_slice %arg2[%add3A, %dma_start3A_197, %mul3A_192] : memref<16x24x147456xf32, #tpu.memory_space<hbm>> -> memref<1x24x1024xf32, #tpu.memory_space<hbm>>
        tpu.enqueue_dma source(%dma_start3A_198 : memref<1x24x1024xf32, #tpu.memory_space<hbm>>) target(%arg8 : memref<1x24x1024xf32, #tpu.memory_space<vmem>>) target_semaphore(%arg35 : memref<!tpu.dma_semaphore, #tpu.memory_space<semaphore_mem>>)
      } else {
      }
      %scan3A_186 = arith.constant 0 : i32
      scf.yield %scan3A_186 : i32
    }
    %scan3A_35 = arith.constant 72 : i32
    %scan3A_36 = arith.constant 0 : i32
    %scan3A_37 = arith.constant 0 : i32
    %scan3A_38 = arith.constant 144 : i32
    %scan3A_39 = arith.addi %scan3A_37, %scan3A_38 : i32
    %scan3A_40 = arith.constant 1 : i32
    %scan3A_41 = scf.for %scan3A_139 = %scan3A_37 to %scan3A_39 step %scan3A_40 iter_args(%scan3A_140 = %scan3A_36) -> (i32)  : i32 {
      %mul3A_141 = arith.constant 16 : i32
      %mul3A_142 = arith.muli %scan3A_139, %mul3A_141 : i32
      %get3A = arith.index_cast %mul3A_142 : i32 to index
      %get3A_143 = tpu.vector_load %arg33[%get3A] {strides = array<i32>} : memref<2304xf32, #tpu.memory_space<vmem>>, vector<16xf32>,
      %max3A = arith.constant 1.000000e+00 : f32
      %max3A_144 = vector.broadcast %max3A : f32 to vector<16xf32>
      %max3A_145 = arith.maximumf %get3A_143, %max3A_144 : vector<16xf32>
      %div3A = arith.constant 1.000000e+00 : f32
      %div3A_146 = vector.broadcast %div3A : f32 to vector<16xf32>
      %div3A_147 = arith.divf %div3A_146, %max3A_145 : vector<16xf32>
      %get3A_148 = arith.index_cast %mul3A_142 : i32 to index
      %get3A_149 = tpu.vector_load %arg9[%get3A_148] {strides = array<i32>} : memref<2304xf32, #tpu.memory_space<vmem>>, vector<16xf32>,
      %mul3A_150 = arith.mulf %get3A_149, %div3A_147 : vector<16xf32>
      %swap3A = arith.index_cast %mul3A_142 : i32 to index
      %swap3A_151 = tpu.vector_load %arg9[%swap3A] {strides = array<i32>} : memref<2304xf32, #tpu.memory_space<vmem>>, vector<16xf32>,
      tpu.vector_store %arg9[%swap3A], %mul3A_150 {strides = array<i32>} : memref<2304xf32, #tpu.memory_space<vmem>>, vector<16xf32>,
      %get3A_152 = arith.index_cast %mul3A_142 : i32 to index
      %get3A_153 = tpu.vector_load %arg10[%get3A_152] {strides = array<i32>} : memref<2304xf32, #tpu.memory_space<vmem>>, vector<16xf32>,
      %mul3A_154 = arith.mulf %get3A_153, %div3A_147 : vector<16xf32>
      %swap3A_155 = arith.index_cast %mul3A_142 : i32 to index
      %swap3A_156 = tpu.vector_load %arg10[%swap3A_155] {strides = array<i32>} : memref<2304xf32, #tpu.memory_space<vmem>>, vector<16xf32>,
      tpu.vector_store %arg10[%swap3A_155], %mul3A_154 {strides = array<i32>} : memref<2304xf32, #tpu.memory_space<vmem>>, vector<16xf32>,
      %get3A_157 = arith.index_cast %mul3A_142 : i32 to index
      %get3A_158 = tpu.vector_load %arg11[%get3A_157] {strides = array<i32>} : memref<2304xf32, #tpu.memory_space<vmem>>, vector<16xf32>,
      %mul3A_159 = arith.mulf %get3A_158, %div3A_147 : vector<16xf32>
      %swap3A_160 = arith.index_cast %mul3A_142 : i32 to index
      %swap3A_161 = tpu.vector_load %arg11[%swap3A_160] {strides = array<i32>} : memref<2304xf32, #tpu.memory_space<vmem>>, vector<16xf32>,
      tpu.vector_store %arg11[%swap3A_160], %mul3A_159 {strides = array<i32>} : memref<2304xf32, #tpu.memory_space<vmem>>, vector<16xf32>,
      %get3A_162 = arith.index_cast %mul3A_142 : i32 to index
      %get3A_163 = tpu.vector_load %arg12[%get3A_162] {strides = array<i32>} : memref<2304xf32, #tpu.memory_space<vmem>>, vector<16xf32>,
      %mul3A_164 = arith.mulf %get3A_163, %div3A_147 : vector<16xf32>
      %swap3A_165 = arith.index_cast %mul3A_142 : i32 to index
      %swap3A_166 = tpu.vector_load %arg12[%swap3A_165] {strides = array<i32>} : memref<2304xf32, #tpu.memory_space<vmem>>, vector<16xf32>,
      tpu.vector_store %arg12[%swap3A_165], %mul3A_164 {strides = array<i32>} : memref<2304xf32, #tpu.memory_space<vmem>>, vector<16xf32>,
      %get3A_167 = arith.index_cast %mul3A_142 : i32 to index
      %get3A_168 = tpu.vector_load %arg13[%get3A_167] {strides = array<i32>} : memref<2304xf32, #tpu.memory_space<vmem>>, vector<16xf32>,
      %mul3A_169 = arith.mulf %get3A_168, %div3A_147 : vector<16xf32>
      %swap3A_170 = arith.index_cast %mul3A_142 : i32 to index
      %swap3A_171 = tpu.vector_load %arg13[%swap3A_170] {strides = array<i32>} : memref<2304xf32, #tpu.memory_space<vmem>>, vector<16xf32>,
      tpu.vector_store %arg13[%swap3A_170], %mul3A_169 {strides = array<i32>} : memref<2304xf32, #tpu.memory_space<vmem>>, vector<16xf32>,
      %get3A_172 = arith.index_cast %mul3A_142 : i32 to index
      %get3A_173 = tpu.vector_load %arg14[%get3A_172] {strides = array<i32>} : memref<2304xf32, #tpu.memory_space<vmem>>, vector<16xf32>,
      %mul3A_174 = arith.mulf %get3A_173, %div3A_147 : vector<16xf32>
      %swap3A_175 = arith.index_cast %mul3A_142 : i32 to index
      %swap3A_176 = tpu.vector_load %arg14[%swap3A_175] {strides = array<i32>} : memref<2304xf32, #tpu.memory_space<vmem>>, vector<16xf32>,
      tpu.vector_store %arg14[%swap3A_175], %mul3A_174 {strides = array<i32>} : memref<2304xf32, #tpu.memory_space<vmem>>, vector<16xf32>,
      %get3A_177 = arith.index_cast %mul3A_142 : i32 to index
      %get3A_178 = tpu.vector_load %arg15[%get3A_177] {strides = array<i32>} : memref<2304xf32, #tpu.memory_space<vmem>>, vector<16xf32>,
      %mul3A_179 = arith.mulf %get3A_178, %div3A_147 : vector<16xf32>
      %swap3A_180 = arith.index_cast %mul3A_142 : i32 to index
      %swap3A_181 = tpu.vector_load %arg15[%swap3A_180] {strides = array<i32>} : memref<2304xf32, #tpu.memory_space<vmem>>, vector<16xf32>,
      tpu.vector_store %arg15[%swap3A_180], %mul3A_179 {strides = array<i32>} : memref<2304xf32, #tpu.memory_space<vmem>>, vector<16xf32>,
      %get3A_182 = arith.index_cast %mul3A_142 : i32 to index
      %get3A_183 = tpu.vector_load %arg16[%get3A_182] {strides = array<i32>} : memref<2304xf32, #tpu.memory_space<vmem>>, vector<16xf32>,
      %mul3A_184 = arith.mulf %get3A_183, %div3A_147 : vector<16xf32>
      %swap3A_185 = arith.index_cast %mul3A_142 : i32 to index
      %swap3A_186 = tpu.vector_load %arg16[%swap3A_185] {strides = array<i32>} : memref<2304xf32, #tpu.memory_space<vmem>>, vector<16xf32>,
      tpu.vector_store %arg16[%swap3A_185], %mul3A_184 {strides = array<i32>} : memref<2304xf32, #tpu.memory_space<vmem>>, vector<16xf32>,
      %get3A_187 = arith.index_cast %mul3A_142 : i32 to index
      %get3A_188 = tpu.vector_load %arg17[%get3A_187] {strides = array<i32>} : memref<2304xf32, #tpu.memory_space<vmem>>, vector<16xf32>,
      %mul3A_189 = arith.mulf %get3A_188, %div3A_147 : vector<16xf32>
      %swap3A_190 = arith.index_cast %mul3A_142 : i32 to index
      %swap3A_191 = tpu.vector_load %arg17[%swap3A_190] {strides = array<i32>} : memref<2304xf32, #tpu.memory_space<vmem>>, vector<16xf32>,
      tpu.vector_store %arg17[%swap3A_190], %mul3A_189 {strides = array<i32>} : memref<2304xf32, #tpu.memory_space<vmem>>, vector<16xf32>,
      %get3A_192 = arith.index_cast %mul3A_142 : i32 to index
      %get3A_193 = tpu.vector_load %arg18[%get3A_192] {strides = array<i32>} : memref<2304xf32, #tpu.memory_space<vmem>>, vector<16xf32>,
      %mul3A_194 = arith.mulf %get3A_193, %div3A_147 : vector<16xf32>
      %swap3A_195 = arith.index_cast %mul3A_142 : i32 to index
      %swap3A_196 = tpu.vector_load %arg18[%swap3A_195] {strides = array<i32>} : memref<2304xf32, #tpu.memory_space<vmem>>, vector<16xf32>,
      tpu.vector_store %arg18[%swap3A_195], %mul3A_194 {strides = array<i32>} : memref<2304xf32, #tpu.memory_space<vmem>>, vector<16xf32>,
      %get3A_197 = arith.index_cast %mul3A_142 : i32 to index
      %get3A_198 = tpu.vector_load %arg19[%get3A_197] {strides = array<i32>} : memref<2304xf32, #tpu.memory_space<vmem>>, vector<16xf32>,
      %mul3A_199 = arith.mulf %get3A_198, %div3A_147 : vector<16xf32>
      %swap3A_200 = arith.index_cast %mul3A_142 : i32 to index
      %swap3A_201 = tpu.vector_load %arg19[%swap3A_200] {strides = array<i32>} : memref<2304xf32, #tpu.memory_space<vmem>>, vector<16xf32>,
      tpu.vector_store %arg19[%swap3A_200], %mul3A_199 {strides = array<i32>} : memref<2304xf32, #tpu.memory_space<vmem>>, vector<16xf32>,
      %get3A_202 = arith.index_cast %mul3A_142 : i32 to index
      %get3A_203 = tpu.vector_load %arg20[%get3A_202] {strides = array<i32>} : memref<2304xf32, #tpu.memory_space<vmem>>, vector<16xf32>,
      %mul3A_204 = arith.mulf %get3A_203, %div3A_147 : vector<16xf32>
      %swap3A_205 = arith.index_cast %mul3A_142 : i32 to index
      %swap3A_206 = tpu.vector_load %arg20[%swap3A_205] {strides = array<i32>} : memref<2304xf32, #tpu.memory_space<vmem>>, vector<16xf32>,
      tpu.vector_store %arg20[%swap3A_205], %mul3A_204 {strides = array<i32>} : memref<2304xf32, #tpu.memory_space<vmem>>, vector<16xf32>,
      %get3A_207 = arith.index_cast %mul3A_142 : i32 to index
      %get3A_208 = tpu.vector_load %arg21[%get3A_207] {strides = array<i32>} : memref<2304xf32, #tpu.memory_space<vmem>>, vector<16xf32>,
      %mul3A_209 = arith.mulf %get3A_208, %div3A_147 : vector<16xf32>
      %swap3A_210 = arith.index_cast %mul3A_142 : i32 to index
      %swap3A_211 = tpu.vector_load %arg21[%swap3A_210] {strides = array<i32>} : memref<2304xf32, #tpu.memory_space<vmem>>, vector<16xf32>,
      tpu.vector_store %arg21[%swap3A_210], %mul3A_209 {strides = array<i32>} : memref<2304xf32, #tpu.memory_space<vmem>>, vector<16xf32>,
      %get3A_212 = arith.index_cast %mul3A_142 : i32 to index
      %get3A_213 = tpu.vector_load %arg22[%get3A_212] {strides = array<i32>} : memref<2304xf32, #tpu.memory_space<vmem>>, vector<16xf32>,
      %mul3A_214 = arith.mulf %get3A_213, %div3A_147 : vector<16xf32>
      %swap3A_215 = arith.index_cast %mul3A_142 : i32 to index
      %swap3A_216 = tpu.vector_load %arg22[%swap3A_215] {strides = array<i32>} : memref<2304xf32, #tpu.memory_space<vmem>>, vector<16xf32>,
      tpu.vector_store %arg22[%swap3A_215], %mul3A_214 {strides = array<i32>} : memref<2304xf32, #tpu.memory_space<vmem>>, vector<16xf32>,
      %get3A_217 = arith.index_cast %mul3A_142 : i32 to index
      %get3A_218 = tpu.vector_load %arg23[%get3A_217] {strides = array<i32>} : memref<2304xf32, #tpu.memory_space<vmem>>, vector<16xf32>,
      %mul3A_219 = arith.mulf %get3A_218, %div3A_147 : vector<16xf32>
      %swap3A_220 = arith.index_cast %mul3A_142 : i32 to index
      %swap3A_221 = tpu.vector_load %arg23[%swap3A_220] {strides = array<i32>} : memref<2304xf32, #tpu.memory_space<vmem>>, vector<16xf32>,
      tpu.vector_store %arg23[%swap3A_220], %mul3A_219 {strides = array<i32>} : memref<2304xf32, #tpu.memory_space<vmem>>, vector<16xf32>,
      %get3A_222 = arith.index_cast %mul3A_142 : i32 to index
      %get3A_223 = tpu.vector_load %arg24[%get3A_222] {strides = array<i32>} : memref<2304xf32, #tpu.memory_space<vmem>>, vector<16xf32>,
      %mul3A_224 = arith.mulf %get3A_223, %div3A_147 : vector<16xf32>
      %swap3A_225 = arith.index_cast %mul3A_142 : i32 to index
      %swap3A_226 = tpu.vector_load %arg24[%swap3A_225] {strides = array<i32>} : memref<2304xf32, #tpu.memory_space<vmem>>, vector<16xf32>,
      tpu.vector_store %arg24[%swap3A_225], %mul3A_224 {strides = array<i32>} : memref<2304xf32, #tpu.memory_space<vmem>>, vector<16xf32>,
      %get3A_227 = arith.index_cast %mul3A_142 : i32 to index
      %get3A_228 = tpu.vector_load %arg25[%get3A_227] {strides = array<i32>} : memref<2304xf32, #tpu.memory_space<vmem>>, vector<16xf32>,
      %mul3A_229 = arith.mulf %get3A_228, %div3A_147 : vector<16xf32>
      %swap3A_230 = arith.index_cast %mul3A_142 : i32 to index
      %swap3A_231 = tpu.vector_load %arg25[%swap3A_230] {strides = array<i32>} : memref<2304xf32, #tpu.memory_space<vmem>>, vector<16xf32>,
      tpu.vector_store %arg25[%swap3A_230], %mul3A_229 {strides = array<i32>} : memref<2304xf32, #tpu.memory_space<vmem>>, vector<16xf32>,
      %get3A_232 = arith.index_cast %mul3A_142 : i32 to index
      %get3A_233 = tpu.vector_load %arg26[%get3A_232] {strides = array<i32>} : memref<2304xf32, #tpu.memory_space<vmem>>, vector<16xf32>,
      %mul3A_234 = arith.mulf %get3A_233, %div3A_147 : vector<16xf32>
      %swap3A_235 = arith.index_cast %mul3A_142 : i32 to index
      %swap3A_236 = tpu.vector_load %arg26[%swap3A_235] {strides = array<i32>} : memref<2304xf32, #tpu.memory_space<vmem>>, vector<16xf32>,
      tpu.vector_store %arg26[%swap3A_235], %mul3A_234 {strides = array<i32>} : memref<2304xf32, #tpu.memory_space<vmem>>, vector<16xf32>,
      %get3A_237 = arith.index_cast %mul3A_142 : i32 to index
      %get3A_238 = tpu.vector_load %arg27[%get3A_237] {strides = array<i32>} : memref<2304xf32, #tpu.memory_space<vmem>>, vector<16xf32>,
      %mul3A_239 = arith.mulf %get3A_238, %div3A_147 : vector<16xf32>
      %swap3A_240 = arith.index_cast %mul3A_142 : i32 to index
      %swap3A_241 = tpu.vector_load %arg27[%swap3A_240] {strides = array<i32>} : memref<2304xf32, #tpu.memory_space<vmem>>, vector<16xf32>,
      tpu.vector_store %arg27[%swap3A_240], %mul3A_239 {strides = array<i32>} : memref<2304xf32, #tpu.memory_space<vmem>>, vector<16xf32>,
      %get3A_242 = arith.index_cast %mul3A_142 : i32 to index
      %get3A_243 = tpu.vector_load %arg28[%get3A_242] {strides = array<i32>} : memref<2304xf32, #tpu.memory_space<vmem>>, vector<16xf32>,
      %mul3A_244 = arith.mulf %get3A_243, %div3A_147 : vector<16xf32>
      %swap3A_245 = arith.index_cast %mul3A_142 : i32 to index
      %swap3A_246 = tpu.vector_load %arg28[%swap3A_245] {strides = array<i32>} : memref<2304xf32, #tpu.memory_space<vmem>>, vector<16xf32>,
      tpu.vector_store %arg28[%swap3A_245], %mul3A_244 {strides = array<i32>} : memref<2304xf32, #tpu.memory_space<vmem>>, vector<16xf32>,
      %get3A_247 = arith.index_cast %mul3A_142 : i32 to index
      %get3A_248 = tpu.vector_load %arg29[%get3A_247] {strides = array<i32>} : memref<2304xf32, #tpu.memory_space<vmem>>, vector<16xf32>,
      %mul3A_249 = arith.mulf %get3A_248, %div3A_147 : vector<16xf32>
      %swap3A_250 = arith.index_cast %mul3A_142 : i32 to index
      %swap3A_251 = tpu.vector_load %arg29[%swap3A_250] {strides = array<i32>} : memref<2304xf32, #tpu.memory_space<vmem>>, vector<16xf32>,
      tpu.vector_store %arg29[%swap3A_250], %mul3A_249 {strides = array<i32>} : memref<2304xf32, #tpu.memory_space<vmem>>, vector<16xf32>,
      %get3A_252 = arith.index_cast %mul3A_142 : i32 to index
      %get3A_253 = tpu.vector_load %arg30[%get3A_252] {strides = array<i32>} : memref<2304xf32, #tpu.memory_space<vmem>>, vector<16xf32>,
      %mul3A_254 = arith.mulf %get3A_253, %div3A_147 : vector<16xf32>
      %swap3A_255 = arith.index_cast %mul3A_142 : i32 to index
      %swap3A_256 = tpu.vector_load %arg30[%swap3A_255] {strides = array<i32>} : memref<2304xf32, #tpu.memory_space<vmem>>, vector<16xf32>,
      tpu.vector_store %arg30[%swap3A_255], %mul3A_254 {strides = array<i32>} : memref<2304xf32, #tpu.memory_space<vmem>>, vector<16xf32>,
      %get3A_257 = arith.index_cast %mul3A_142 : i32 to index
      %get3A_258 = tpu.vector_load %arg31[%get3A_257] {strides = array<i32>} : memref<2304xf32, #tpu.memory_space<vmem>>, vector<16xf32>,
      %mul3A_259 = arith.mulf %get3A_258, %div3A_147 : vector<16xf32>
      %swap3A_260 = arith.index_cast %mul3A_142 : i32 to index
      %swap3A_261 = tpu.vector_load %arg31[%swap3A_260] {strides = array<i32>} : memref<2304xf32, #tpu.memory_space<vmem>>, vector<16xf32>,
      tpu.vector_store %arg31[%swap3A_260], %mul3A_259 {strides = array<i32>} : memref<2304xf32, #tpu.memory_space<vmem>>, vector<16xf32>,
      %get3A_262 = arith.index_cast %mul3A_142 : i32 to index
      %get3A_263 = tpu.vector_load %arg32[%get3A_262] {strides = array<i32>} : memref<2304xf32, #tpu.memory_space<vmem>>, vector<16xf32>,
      %mul3A_264 = arith.mulf %get3A_263, %div3A_147 : vector<16xf32>
      %swap3A_265 = arith.index_cast %mul3A_142 : i32 to index
      %swap3A_266 = tpu.vector_load %arg32[%swap3A_265] {strides = array<i32>} : memref<2304xf32, #tpu.memory_space<vmem>>, vector<16xf32>,
      tpu.vector_store %arg32[%swap3A_265], %mul3A_264 {strides = array<i32>} : memref<2304xf32, #tpu.memory_space<vmem>>, vector<16xf32>,
      %scan3A_267 = arith.constant 0 : i32
      scf.yield %scan3A_267 : i32
    }
    %scan3A_42 = arith.constant 144 : i32
    %mul3A_43 = arith.constant 24 : i32
    %mul3A_44 = arith.muli %add3A, %mul3A_43 : i32
    %add3A_45 = arith.constant 0 : i32
    %add3A_46 = arith.addi %mul3A_44, %add3A_45 : i32
    "tpu.region"() ({
      %run_scoped3A = tpu.sem_alloc : memref<!tpu.dma_semaphore, #tpu.memory_space<semaphore_mem>>
      %dma_start3A_139 = arith.constant 0 : i32
      %dma_start3A_140 = tpu.memref_slice %arg4[%add3A_46, %dma_start3A_139] : memref<384x2304xf32, #tpu.memory_space<hbm>> -> memref<1x2304xf32, #tpu.memory_space<hbm>>
      %dma_start3A_141 = tpu.memref_squeeze %dma_start3A_140 : memref<1x2304xf32, #tpu.memory_space<hbm>> -> memref<2304xf32, #tpu.memory_space<hbm>>
      %dma_start3A_142 = arith.constant 0 : i32
      %dma_start3A_143 = tpu.memref_slice %arg4[%add3A_46, %dma_start3A_142] : memref<384x2304xf32, #tpu.memory_space<hbm>> -> memref<1x2304xf32, #tpu.memory_space<hbm>>
      %dma_start3A_144 = tpu.memref_squeeze %dma_start3A_143 : memref<1x2304xf32, #tpu.memory_space<hbm>> -> memref<2304xf32, #tpu.memory_space<hbm>>
      tpu.enqueue_dma source(%arg9 : memref<2304xf32, #tpu.memory_space<vmem>>) target(%dma_start3A_144 : memref<2304xf32, #tpu.memory_space<hbm>>) target_semaphore(%run_scoped3A : memref<!tpu.dma_semaphore, #tpu.memory_space<semaphore_mem>>)
      %dma_wait3A = arith.constant 0 : i32
      %dma_wait3A_145 = tpu.memref_slice %arg4[%add3A_46, %dma_wait3A] : memref<384x2304xf32, #tpu.memory_space<hbm>> -> memref<1x2304xf32, #tpu.memory_space<hbm>>
      %dma_wait3A_146 = tpu.memref_squeeze %dma_wait3A_145 : memref<1x2304xf32, #tpu.memory_space<hbm>> -> memref<2304xf32, #tpu.memory_space<hbm>>
      %dma_wait3A_147 = arith.constant 0 : i32
      %dma_wait3A_148 = tpu.memref_slice %arg4[%add3A_46, %dma_wait3A_147] : memref<384x2304xf32, #tpu.memory_space<hbm>> -> memref<1x2304xf32, #tpu.memory_space<hbm>>
      %dma_wait3A_149 = tpu.memref_squeeze %dma_wait3A_148 : memref<1x2304xf32, #tpu.memory_space<hbm>> -> memref<2304xf32, #tpu.memory_space<hbm>>
      tpu.wait_dma2 semaphore(%run_scoped3A : memref<!tpu.dma_semaphore, #tpu.memory_space<semaphore_mem>>) src(%arg9 : memref<2304xf32, #tpu.memory_space<vmem>>) dst(%dma_wait3A_149 : memref<2304xf32, #tpu.memory_space<hbm>>)
      tpu.yield
    }) : () -> ()
    %mul3A_47 = arith.constant 24 : i32
    %mul3A_48 = arith.muli %add3A, %mul3A_47 : i32
    %add3A_49 = arith.constant 1 : i32
    %add3A_50 = arith.addi %mul3A_48, %add3A_49 : i32
    "tpu.region"() ({
      %run_scoped3A = tpu.sem_alloc : memref<!tpu.dma_semaphore, #tpu.memory_space<semaphore_mem>>
      %dma_start3A_139 = arith.constant 0 : i32
      %dma_start3A_140 = tpu.memref_slice %arg4[%add3A_50, %dma_start3A_139] : memref<384x2304xf32, #tpu.memory_space<hbm>> -> memref<1x2304xf32, #tpu.memory_space<hbm>>
      %dma_start3A_141 = tpu.memref_squeeze %dma_start3A_140 : memref<1x2304xf32, #tpu.memory_space<hbm>> -> memref<2304xf32, #tpu.memory_space<hbm>>
      %dma_start3A_142 = arith.constant 0 : i32
      %dma_start3A_143 = tpu.memref_slice %arg4[%add3A_50, %dma_start3A_142] : memref<384x2304xf32, #tpu.memory_space<hbm>> -> memref<1x2304xf32, #tpu.memory_space<hbm>>
      %dma_start3A_144 = tpu.memref_squeeze %dma_start3A_143 : memref<1x2304xf32, #tpu.memory_space<hbm>> -> memref<2304xf32, #tpu.memory_space<hbm>>
      tpu.enqueue_dma source(%arg10 : memref<2304xf32, #tpu.memory_space<vmem>>) target(%dma_start3A_144 : memref<2304xf32, #tpu.memory_space<hbm>>) target_semaphore(%run_scoped3A : memref<!tpu.dma_semaphore, #tpu.memory_space<semaphore_mem>>)
      %dma_wait3A = arith.constant 0 : i32
      %dma_wait3A_145 = tpu.memref_slice %arg4[%add3A_50, %dma_wait3A] : memref<384x2304xf32, #tpu.memory_space<hbm>> -> memref<1x2304xf32, #tpu.memory_space<hbm>>
      %dma_wait3A_146 = tpu.memref_squeeze %dma_wait3A_145 : memref<1x2304xf32, #tpu.memory_space<hbm>> -> memref<2304xf32, #tpu.memory_space<hbm>>
      %dma_wait3A_147 = arith.constant 0 : i32
      %dma_wait3A_148 = tpu.memref_slice %arg4[%add3A_50, %dma_wait3A_147] : memref<384x2304xf32, #tpu.memory_space<hbm>> -> memref<1x2304xf32, #tpu.memory_space<hbm>>
      %dma_wait3A_149 = tpu.memref_squeeze %dma_wait3A_148 : memref<1x2304xf32, #tpu.memory_space<hbm>> -> memref<2304xf32, #tpu.memory_space<hbm>>
      tpu.wait_dma2 semaphore(%run_scoped3A : memref<!tpu.dma_semaphore, #tpu.memory_space<semaphore_mem>>) src(%arg10 : memref<2304xf32, #tpu.memory_space<vmem>>) dst(%dma_wait3A_149 : memref<2304xf32, #tpu.memory_space<hbm>>)
      tpu.yield
    }) : () -> ()
    %mul3A_51 = arith.constant 24 : i32
    %mul3A_52 = arith.muli %add3A, %mul3A_51 : i32
    %add3A_53 = arith.constant 2 : i32
    %add3A_54 = arith.addi %mul3A_52, %add3A_53 : i32
    "tpu.region"() ({
      %run_scoped3A = tpu.sem_alloc : memref<!tpu.dma_semaphore, #tpu.memory_space<semaphore_mem>>
      %dma_start3A_139 = arith.constant 0 : i32
      %dma_start3A_140 = tpu.memref_slice %arg4[%add3A_54, %dma_start3A_139] : memref<384x2304xf32, #tpu.memory_space<hbm>> -> memref<1x2304xf32, #tpu.memory_space<hbm>>
      %dma_start3A_141 = tpu.memref_squeeze %dma_start3A_140 : memref<1x2304xf32, #tpu.memory_space<hbm>> -> memref<2304xf32, #tpu.memory_space<hbm>>
      %dma_start3A_142 = arith.constant 0 : i32
      %dma_start3A_143 = tpu.memref_slice %arg4[%add3A_54, %dma_start3A_142] : memref<384x2304xf32, #tpu.memory_space<hbm>> -> memref<1x2304xf32, #tpu.memory_space<hbm>>
      %dma_start3A_144 = tpu.memref_squeeze %dma_start3A_143 : memref<1x2304xf32, #tpu.memory_space<hbm>> -> memref<2304xf32, #tpu.memory_space<hbm>>
      tpu.enqueue_dma source(%arg11 : memref<2304xf32, #tpu.memory_space<vmem>>) target(%dma_start3A_144 : memref<2304xf32, #tpu.memory_space<hbm>>) target_semaphore(%run_scoped3A : memref<!tpu.dma_semaphore, #tpu.memory_space<semaphore_mem>>)
      %dma_wait3A = arith.constant 0 : i32
      %dma_wait3A_145 = tpu.memref_slice %arg4[%add3A_54, %dma_wait3A] : memref<384x2304xf32, #tpu.memory_space<hbm>> -> memref<1x2304xf32, #tpu.memory_space<hbm>>
      %dma_wait3A_146 = tpu.memref_squeeze %dma_wait3A_145 : memref<1x2304xf32, #tpu.memory_space<hbm>> -> memref<2304xf32, #tpu.memory_space<hbm>>
      %dma_wait3A_147 = arith.constant 0 : i32
      %dma_wait3A_148 = tpu.memref_slice %arg4[%add3A_54, %dma_wait3A_147] : memref<384x2304xf32, #tpu.memory_space<hbm>> -> memref<1x2304xf32, #tpu.memory_space<hbm>>
      %dma_wait3A_149 = tpu.memref_squeeze %dma_wait3A_148 : memref<1x2304xf32, #tpu.memory_space<hbm>> -> memref<2304xf32, #tpu.memory_space<hbm>>
      tpu.wait_dma2 semaphore(%run_scoped3A : memref<!tpu.dma_semaphore, #tpu.memory_space<semaphore_mem>>) src(%arg11 : memref<2304xf32, #tpu.memory_space<vmem>>) dst(%dma_wait3A_149 : memref<2304xf32, #tpu.memory_space<hbm>>)
      tpu.yield
    }) : () -> ()
    %mul3A_55 = arith.constant 24 : i32
    %mul3A_56 = arith.muli %add3A, %mul3A_55 : i32
    %add3A_57 = arith.constant 3 : i32
    %add3A_58 = arith.addi %mul3A_56, %add3A_57 : i32
    "tpu.region"() ({
      %run_scoped3A = tpu.sem_alloc : memref<!tpu.dma_semaphore, #tpu.memory_space<semaphore_mem>>
      %dma_start3A_139 = arith.constant 0 : i32
      %dma_start3A_140 = tpu.memref_slice %arg4[%add3A_58, %dma_start3A_139] : memref<384x2304xf32, #tpu.memory_space<hbm>> -> memref<1x2304xf32, #tpu.memory_space<hbm>>
      %dma_start3A_141 = tpu.memref_squeeze %dma_start3A_140 : memref<1x2304xf32, #tpu.memory_space<hbm>> -> memref<2304xf32, #tpu.memory_space<hbm>>
      %dma_start3A_142 = arith.constant 0 : i32
      %dma_start3A_143 = tpu.memref_slice %arg4[%add3A_58, %dma_start3A_142] : memref<384x2304xf32, #tpu.memory_space<hbm>> -> memref<1x2304xf32, #tpu.memory_space<hbm>>
      %dma_start3A_144 = tpu.memref_squeeze %dma_start3A_143 : memref<1x2304xf32, #tpu.memory_space<hbm>> -> memref<2304xf32, #tpu.memory_space<hbm>>
      tpu.enqueue_dma source(%arg12 : memref<2304xf32, #tpu.memory_space<vmem>>) target(%dma_start3A_144 : memref<2304xf32, #tpu.memory_space<hbm>>) target_semaphore(%run_scoped3A : memref<!tpu.dma_semaphore, #tpu.memory_space<semaphore_mem>>)
      %dma_wait3A = arith.constant 0 : i32
      %dma_wait3A_145 = tpu.memref_slice %arg4[%add3A_58, %dma_wait3A] : memref<384x2304xf32, #tpu.memory_space<hbm>> -> memref<1x2304xf32, #tpu.memory_space<hbm>>
      %dma_wait3A_146 = tpu.memref_squeeze %dma_wait3A_145 : memref<1x2304xf32, #tpu.memory_space<hbm>> -> memref<2304xf32, #tpu.memory_space<hbm>>
      %dma_wait3A_147 = arith.constant 0 : i32
      %dma_wait3A_148 = tpu.memref_slice %arg4[%add3A_58, %dma_wait3A_147] : memref<384x2304xf32, #tpu.memory_space<hbm>> -> memref<1x2304xf32, #tpu.memory_space<hbm>>
      %dma_wait3A_149 = tpu.memref_squeeze %dma_wait3A_148 : memref<1x2304xf32, #tpu.memory_space<hbm>> -> memref<2304xf32, #tpu.memory_space<hbm>>
      tpu.wait_dma2 semaphore(%run_scoped3A : memref<!tpu.dma_semaphore, #tpu.memory_space<semaphore_mem>>) src(%arg12 : memref<2304xf32, #tpu.memory_space<vmem>>) dst(%dma_wait3A_149 : memref<2304xf32, #tpu.memory_space<hbm>>)
      tpu.yield
    }) : () -> ()
    %mul3A_59 = arith.constant 24 : i32
    %mul3A_60 = arith.muli %add3A, %mul3A_59 : i32
    %add3A_61 = arith.constant 4 : i32
    %add3A_62 = arith.addi %mul3A_60, %add3A_61 : i32
    "tpu.region"() ({
      %run_scoped3A = tpu.sem_alloc : memref<!tpu.dma_semaphore, #tpu.memory_space<semaphore_mem>>
      %dma_start3A_139 = arith.constant 0 : i32
      %dma_start3A_140 = tpu.memref_slice %arg4[%add3A_62, %dma_start3A_139] : memref<384x2304xf32, #tpu.memory_space<hbm>> -> memref<1x2304xf32, #tpu.memory_space<hbm>>
      %dma_start3A_141 = tpu.memref_squeeze %dma_start3A_140 : memref<1x2304xf32, #tpu.memory_space<hbm>> -> memref<2304xf32, #tpu.memory_space<hbm>>
      %dma_start3A_142 = arith.constant 0 : i32
      %dma_start3A_143 = tpu.memref_slice %arg4[%add3A_62, %dma_start3A_142] : memref<384x2304xf32, #tpu.memory_space<hbm>> -> memref<1x2304xf32, #tpu.memory_space<hbm>>
      %dma_start3A_144 = tpu.memref_squeeze %dma_start3A_143 : memref<1x2304xf32, #tpu.memory_space<hbm>> -> memref<2304xf32, #tpu.memory_space<hbm>>
      tpu.enqueue_dma source(%arg13 : memref<2304xf32, #tpu.memory_space<vmem>>) target(%dma_start3A_144 : memref<2304xf32, #tpu.memory_space<hbm>>) target_semaphore(%run_scoped3A : memref<!tpu.dma_semaphore, #tpu.memory_space<semaphore_mem>>)
      %dma_wait3A = arith.constant 0 : i32
      %dma_wait3A_145 = tpu.memref_slice %arg4[%add3A_62, %dma_wait3A] : memref<384x2304xf32, #tpu.memory_space<hbm>> -> memref<1x2304xf32, #tpu.memory_space<hbm>>
      %dma_wait3A_146 = tpu.memref_squeeze %dma_wait3A_145 : memref<1x2304xf32, #tpu.memory_space<hbm>> -> memref<2304xf32, #tpu.memory_space<hbm>>
      %dma_wait3A_147 = arith.constant 0 : i32
      %dma_wait3A_148 = tpu.memref_slice %arg4[%add3A_62, %dma_wait3A_147] : memref<384x2304xf32, #tpu.memory_space<hbm>> -> memref<1x2304xf32, #tpu.memory_space<hbm>>
      %dma_wait3A_149 = tpu.memref_squeeze %dma_wait3A_148 : memref<1x2304xf32, #tpu.memory_space<hbm>> -> memref<2304xf32, #tpu.memory_space<hbm>>
      tpu.wait_dma2 semaphore(%run_scoped3A : memref<!tpu.dma_semaphore, #tpu.memory_space<semaphore_mem>>) src(%arg13 : memref<2304xf32, #tpu.memory_space<vmem>>) dst(%dma_wait3A_149 : memref<2304xf32, #tpu.memory_space<hbm>>)
      tpu.yield
    }) : () -> ()
    %mul3A_63 = arith.constant 24 : i32
    %mul3A_64 = arith.muli %add3A, %mul3A_63 : i32
    %add3A_65 = arith.constant 5 : i32
    %add3A_66 = arith.addi %mul3A_64, %add3A_65 : i32
    "tpu.region"() ({
      %run_scoped3A = tpu.sem_alloc : memref<!tpu.dma_semaphore, #tpu.memory_space<semaphore_mem>>
      %dma_start3A_139 = arith.constant 0 : i32
      %dma_start3A_140 = tpu.memref_slice %arg4[%add3A_66, %dma_start3A_139] : memref<384x2304xf32, #tpu.memory_space<hbm>> -> memref<1x2304xf32, #tpu.memory_space<hbm>>
      %dma_start3A_141 = tpu.memref_squeeze %dma_start3A_140 : memref<1x2304xf32, #tpu.memory_space<hbm>> -> memref<2304xf32, #tpu.memory_space<hbm>>
      %dma_start3A_142 = arith.constant 0 : i32
      %dma_start3A_143 = tpu.memref_slice %arg4[%add3A_66, %dma_start3A_142] : memref<384x2304xf32, #tpu.memory_space<hbm>> -> memref<1x2304xf32, #tpu.memory_space<hbm>>
      %dma_start3A_144 = tpu.memref_squeeze %dma_start3A_143 : memref<1x2304xf32, #tpu.memory_space<hbm>> -> memref<2304xf32, #tpu.memory_space<hbm>>
      tpu.enqueue_dma source(%arg14 : memref<2304xf32, #tpu.memory_space<vmem>>) target(%dma_start3A_144 : memref<2304xf32, #tpu.memory_space<hbm>>) target_semaphore(%run_scoped3A : memref<!tpu.dma_semaphore, #tpu.memory_space<semaphore_mem>>)
      %dma_wait3A = arith.constant 0 : i32
      %dma_wait3A_145 = tpu.memref_slice %arg4[%add3A_66, %dma_wait3A] : memref<384x2304xf32, #tpu.memory_space<hbm>> -> memref<1x2304xf32, #tpu.memory_space<hbm>>
      %dma_wait3A_146 = tpu.memref_squeeze %dma_wait3A_145 : memref<1x2304xf32, #tpu.memory_space<hbm>> -> memref<2304xf32, #tpu.memory_space<hbm>>
      %dma_wait3A_147 = arith.constant 0 : i32
      %dma_wait3A_148 = tpu.memref_slice %arg4[%add3A_66, %dma_wait3A_147] : memref<384x2304xf32, #tpu.memory_space<hbm>> -> memref<1x2304xf32, #tpu.memory_space<hbm>>
      %dma_wait3A_149 = tpu.memref_squeeze %dma_wait3A_148 : memref<1x2304xf32, #tpu.memory_space<hbm>> -> memref<2304xf32, #tpu.memory_space<hbm>>
      tpu.wait_dma2 semaphore(%run_scoped3A : memref<!tpu.dma_semaphore, #tpu.memory_space<semaphore_mem>>) src(%arg14 : memref<2304xf32, #tpu.memory_space<vmem>>) dst(%dma_wait3A_149 : memref<2304xf32, #tpu.memory_space<hbm>>)
      tpu.yield
    }) : () -> ()
    %mul3A_67 = arith.constant 24 : i32
    %mul3A_68 = arith.muli %add3A, %mul3A_67 : i32
    %add3A_69 = arith.constant 6 : i32
    %add3A_70 = arith.addi %mul3A_68, %add3A_69 : i32
    "tpu.region"() ({
      %run_scoped3A = tpu.sem_alloc : memref<!tpu.dma_semaphore, #tpu.memory_space<semaphore_mem>>
      %dma_start3A_139 = arith.constant 0 : i32
      %dma_start3A_140 = tpu.memref_slice %arg4[%add3A_70, %dma_start3A_139] : memref<384x2304xf32, #tpu.memory_space<hbm>> -> memref<1x2304xf32, #tpu.memory_space<hbm>>
      %dma_start3A_141 = tpu.memref_squeeze %dma_start3A_140 : memref<1x2304xf32, #tpu.memory_space<hbm>> -> memref<2304xf32, #tpu.memory_space<hbm>>
      %dma_start3A_142 = arith.constant 0 : i32
      %dma_start3A_143 = tpu.memref_slice %arg4[%add3A_70, %dma_start3A_142] : memref<384x2304xf32, #tpu.memory_space<hbm>> -> memref<1x2304xf32, #tpu.memory_space<hbm>>
      %dma_start3A_144 = tpu.memref_squeeze %dma_start3A_143 : memref<1x2304xf32, #tpu.memory_space<hbm>> -> memref<2304xf32, #tpu.memory_space<hbm>>
      tpu.enqueue_dma source(%arg15 : memref<2304xf32, #tpu.memory_space<vmem>>) target(%dma_start3A_144 : memref<2304xf32, #tpu.memory_space<hbm>>) target_semaphore(%run_scoped3A : memref<!tpu.dma_semaphore, #tpu.memory_space<semaphore_mem>>)
      %dma_wait3A = arith.constant 0 : i32
      %dma_wait3A_145 = tpu.memref_slice %arg4[%add3A_70, %dma_wait3A] : memref<384x2304xf32, #tpu.memory_space<hbm>> -> memref<1x2304xf32, #tpu.memory_space<hbm>>
      %dma_wait3A_146 = tpu.memref_squeeze %dma_wait3A_145 : memref<1x2304xf32, #tpu.memory_space<hbm>> -> memref<2304xf32, #tpu.memory_space<hbm>>
      %dma_wait3A_147 = arith.constant 0 : i32
      %dma_wait3A_148 = tpu.memref_slice %arg4[%add3A_70, %dma_wait3A_147] : memref<384x2304xf32, #tpu.memory_space<hbm>> -> memref<1x2304xf32, #tpu.memory_space<hbm>>
      %dma_wait3A_149 = tpu.memref_squeeze %dma_wait3A_148 : memref<1x2304xf32, #tpu.memory_space<hbm>> -> memref<2304xf32, #tpu.memory_space<hbm>>
      tpu.wait_dma2 semaphore(%run_scoped3A : memref<!tpu.dma_semaphore, #tpu.memory_space<semaphore_mem>>) src(%arg15 : memref<2304xf32, #tpu.memory_space<vmem>>) dst(%dma_wait3A_149 : memref<2304xf32, #tpu.memory_space<hbm>>)
      tpu.yield
    }) : () -> ()
    %mul3A_71 = arith.constant 24 : i32
    %mul3A_72 = arith.muli %add3A, %mul3A_71 : i32
    %add3A_73 = arith.constant 7 : i32
    %add3A_74 = arith.addi %mul3A_72, %add3A_73 : i32
    "tpu.region"() ({
      %run_scoped3A = tpu.sem_alloc : memref<!tpu.dma_semaphore, #tpu.memory_space<semaphore_mem>>
      %dma_start3A_139 = arith.constant 0 : i32
      %dma_start3A_140 = tpu.memref_slice %arg4[%add3A_74, %dma_start3A_139] : memref<384x2304xf32, #tpu.memory_space<hbm>> -> memref<1x2304xf32, #tpu.memory_space<hbm>>
      %dma_start3A_141 = tpu.memref_squeeze %dma_start3A_140 : memref<1x2304xf32, #tpu.memory_space<hbm>> -> memref<2304xf32, #tpu.memory_space<hbm>>
      %dma_start3A_142 = arith.constant 0 : i32
      %dma_start3A_143 = tpu.memref_slice %arg4[%add3A_74, %dma_start3A_142] : memref<384x2304xf32, #tpu.memory_space<hbm>> -> memref<1x2304xf32, #tpu.memory_space<hbm>>
      %dma_start3A_144 = tpu.memref_squeeze %dma_start3A_143 : memref<1x2304xf32, #tpu.memory_space<hbm>> -> memref<2304xf32, #tpu.memory_space<hbm>>
      tpu.enqueue_dma source(%arg16 : memref<2304xf32, #tpu.memory_space<vmem>>) target(%dma_start3A_144 : memref<2304xf32, #tpu.memory_space<hbm>>) target_semaphore(%run_scoped3A : memref<!tpu.dma_semaphore, #tpu.memory_space<semaphore_mem>>)
      %dma_wait3A = arith.constant 0 : i32
      %dma_wait3A_145 = tpu.memref_slice %arg4[%add3A_74, %dma_wait3A] : memref<384x2304xf32, #tpu.memory_space<hbm>> -> memref<1x2304xf32, #tpu.memory_space<hbm>>
      %dma_wait3A_146 = tpu.memref_squeeze %dma_wait3A_145 : memref<1x2304xf32, #tpu.memory_space<hbm>> -> memref<2304xf32, #tpu.memory_space<hbm>>
      %dma_wait3A_147 = arith.constant 0 : i32
      %dma_wait3A_148 = tpu.memref_slice %arg4[%add3A_74, %dma_wait3A_147] : memref<384x2304xf32, #tpu.memory_space<hbm>> -> memref<1x2304xf32, #tpu.memory_space<hbm>>
      %dma_wait3A_149 = tpu.memref_squeeze %dma_wait3A_148 : memref<1x2304xf32, #tpu.memory_space<hbm>> -> memref<2304xf32, #tpu.memory_space<hbm>>
      tpu.wait_dma2 semaphore(%run_scoped3A : memref<!tpu.dma_semaphore, #tpu.memory_space<semaphore_mem>>) src(%arg16 : memref<2304xf32, #tpu.memory_space<vmem>>) dst(%dma_wait3A_149 : memref<2304xf32, #tpu.memory_space<hbm>>)
      tpu.yield
    }) : () -> ()
    %mul3A_75 = arith.constant 24 : i32
    %mul3A_76 = arith.muli %add3A, %mul3A_75 : i32
    %add3A_77 = arith.constant 8 : i32
    %add3A_78 = arith.addi %mul3A_76, %add3A_77 : i32
    "tpu.region"() ({
      %run_scoped3A = tpu.sem_alloc : memref<!tpu.dma_semaphore, #tpu.memory_space<semaphore_mem>>
      %dma_start3A_139 = arith.constant 0 : i32
      %dma_start3A_140 = tpu.memref_slice %arg4[%add3A_78, %dma_start3A_139] : memref<384x2304xf32, #tpu.memory_space<hbm>> -> memref<1x2304xf32, #tpu.memory_space<hbm>>
      %dma_start3A_141 = tpu.memref_squeeze %dma_start3A_140 : memref<1x2304xf32, #tpu.memory_space<hbm>> -> memref<2304xf32, #tpu.memory_space<hbm>>
      %dma_start3A_142 = arith.constant 0 : i32
      %dma_start3A_143 = tpu.memref_slice %arg4[%add3A_78, %dma_start3A_142] : memref<384x2304xf32, #tpu.memory_space<hbm>> -> memref<1x2304xf32, #tpu.memory_space<hbm>>
      %dma_start3A_144 = tpu.memref_squeeze %dma_start3A_143 : memref<1x2304xf32, #tpu.memory_space<hbm>> -> memref<2304xf32, #tpu.memory_space<hbm>>
      tpu.enqueue_dma source(%arg17 : memref<2304xf32, #tpu.memory_space<vmem>>) target(%dma_start3A_144 : memref<2304xf32, #tpu.memory_space<hbm>>) target_semaphore(%run_scoped3A : memref<!tpu.dma_semaphore, #tpu.memory_space<semaphore_mem>>)
      %dma_wait3A = arith.constant 0 : i32
      %dma_wait3A_145 = tpu.memref_slice %arg4[%add3A_78, %dma_wait3A] : memref<384x2304xf32, #tpu.memory_space<hbm>> -> memref<1x2304xf32, #tpu.memory_space<hbm>>
      %dma_wait3A_146 = tpu.memref_squeeze %dma_wait3A_145 : memref<1x2304xf32, #tpu.memory_space<hbm>> -> memref<2304xf32, #tpu.memory_space<hbm>>
      %dma_wait3A_147 = arith.constant 0 : i32
      %dma_wait3A_148 = tpu.memref_slice %arg4[%add3A_78, %dma_wait3A_147] : memref<384x2304xf32, #tpu.memory_space<hbm>> -> memref<1x2304xf32, #tpu.memory_space<hbm>>
      %dma_wait3A_149 = tpu.memref_squeeze %dma_wait3A_148 : memref<1x2304xf32, #tpu.memory_space<hbm>> -> memref<2304xf32, #tpu.memory_space<hbm>>
      tpu.wait_dma2 semaphore(%run_scoped3A : memref<!tpu.dma_semaphore, #tpu.memory_space<semaphore_mem>>) src(%arg17 : memref<2304xf32, #tpu.memory_space<vmem>>) dst(%dma_wait3A_149 : memref<2304xf32, #tpu.memory_space<hbm>>)
      tpu.yield
    }) : () -> ()
    %mul3A_79 = arith.constant 24 : i32
    %mul3A_80 = arith.muli %add3A, %mul3A_79 : i32
    %add3A_81 = arith.constant 9 : i32
    %add3A_82 = arith.addi %mul3A_80, %add3A_81 : i32
    "tpu.region"() ({
      %run_scoped3A = tpu.sem_alloc : memref<!tpu.dma_semaphore, #tpu.memory_space<semaphore_mem>>
      %dma_start3A_139 = arith.constant 0 : i32
      %dma_start3A_140 = tpu.memref_slice %arg4[%add3A_82, %dma_start3A_139] : memref<384x2304xf32, #tpu.memory_space<hbm>> -> memref<1x2304xf32, #tpu.memory_space<hbm>>
      %dma_start3A_141 = tpu.memref_squeeze %dma_start3A_140 : memref<1x2304xf32, #tpu.memory_space<hbm>> -> memref<2304xf32, #tpu.memory_space<hbm>>
      %dma_start3A_142 = arith.constant 0 : i32
      %dma_start3A_143 = tpu.memref_slice %arg4[%add3A_82, %dma_start3A_142] : memref<384x2304xf32, #tpu.memory_space<hbm>> -> memref<1x2304xf32, #tpu.memory_space<hbm>>
      %dma_start3A_144 = tpu.memref_squeeze %dma_start3A_143 : memref<1x2304xf32, #tpu.memory_space<hbm>> -> memref<2304xf32, #tpu.memory_space<hbm>>
      tpu.enqueue_dma source(%arg18 : memref<2304xf32, #tpu.memory_space<vmem>>) target(%dma_start3A_144 : memref<2304xf32, #tpu.memory_space<hbm>>) target_semaphore(%run_scoped3A : memref<!tpu.dma_semaphore, #tpu.memory_space<semaphore_mem>>)
      %dma_wait3A = arith.constant 0 : i32
      %dma_wait3A_145 = tpu.memref_slice %arg4[%add3A_82, %dma_wait3A] : memref<384x2304xf32, #tpu.memory_space<hbm>> -> memref<1x2304xf32, #tpu.memory_space<hbm>>
      %dma_wait3A_146 = tpu.memref_squeeze %dma_wait3A_145 : memref<1x2304xf32, #tpu.memory_space<hbm>> -> memref<2304xf32, #tpu.memory_space<hbm>>
      %dma_wait3A_147 = arith.constant 0 : i32
      %dma_wait3A_148 = tpu.memref_slice %arg4[%add3A_82, %dma_wait3A_147] : memref<384x2304xf32, #tpu.memory_space<hbm>> -> memref<1x2304xf32, #tpu.memory_space<hbm>>
      %dma_wait3A_149 = tpu.memref_squeeze %dma_wait3A_148 : memref<1x2304xf32, #tpu.memory_space<hbm>> -> memref<2304xf32, #tpu.memory_space<hbm>>
      tpu.wait_dma2 semaphore(%run_scoped3A : memref<!tpu.dma_semaphore, #tpu.memory_space<semaphore_mem>>) src(%arg18 : memref<2304xf32, #tpu.memory_space<vmem>>) dst(%dma_wait3A_149 : memref<2304xf32, #tpu.memory_space<hbm>>)
      tpu.yield
    }) : () -> ()
    %mul3A_83 = arith.constant 24 : i32
    %mul3A_84 = arith.muli %add3A, %mul3A_83 : i32
    %add3A_85 = arith.constant 10 : i32
    %add3A_86 = arith.addi %mul3A_84, %add3A_85 : i32
    "tpu.region"() ({
      %run_scoped3A = tpu.sem_alloc : memref<!tpu.dma_semaphore, #tpu.memory_space<semaphore_mem>>
      %dma_start3A_139 = arith.constant 0 : i32
      %dma_start3A_140 = tpu.memref_slice %arg4[%add3A_86, %dma_start3A_139] : memref<384x2304xf32, #tpu.memory_space<hbm>> -> memref<1x2304xf32, #tpu.memory_space<hbm>>
      %dma_start3A_141 = tpu.memref_squeeze %dma_start3A_140 : memref<1x2304xf32, #tpu.memory_space<hbm>> -> memref<2304xf32, #tpu.memory_space<hbm>>
      %dma_start3A_142 = arith.constant 0 : i32
      %dma_start3A_143 = tpu.memref_slice %arg4[%add3A_86, %dma_start3A_142] : memref<384x2304xf32, #tpu.memory_space<hbm>> -> memref<1x2304xf32, #tpu.memory_space<hbm>>
      %dma_start3A_144 = tpu.memref_squeeze %dma_start3A_143 : memref<1x2304xf32, #tpu.memory_space<hbm>> -> memref<2304xf32, #tpu.memory_space<hbm>>
      tpu.enqueue_dma source(%arg19 : memref<2304xf32, #tpu.memory_space<vmem>>) target(%dma_start3A_144 : memref<2304xf32, #tpu.memory_space<hbm>>) target_semaphore(%run_scoped3A : memref<!tpu.dma_semaphore, #tpu.memory_space<semaphore_mem>>)
      %dma_wait3A = arith.constant 0 : i32
      %dma_wait3A_145 = tpu.memref_slice %arg4[%add3A_86, %dma_wait3A] : memref<384x2304xf32, #tpu.memory_space<hbm>> -> memref<1x2304xf32, #tpu.memory_space<hbm>>
      %dma_wait3A_146 = tpu.memref_squeeze %dma_wait3A_145 : memref<1x2304xf32, #tpu.memory_space<hbm>> -> memref<2304xf32, #tpu.memory_space<hbm>>
      %dma_wait3A_147 = arith.constant 0 : i32
      %dma_wait3A_148 = tpu.memref_slice %arg4[%add3A_86, %dma_wait3A_147] : memref<384x2304xf32, #tpu.memory_space<hbm>> -> memref<1x2304xf32, #tpu.memory_space<hbm>>
      %dma_wait3A_149 = tpu.memref_squeeze %dma_wait3A_148 : memref<1x2304xf32, #tpu.memory_space<hbm>> -> memref<2304xf32, #tpu.memory_space<hbm>>
      tpu.wait_dma2 semaphore(%run_scoped3A : memref<!tpu.dma_semaphore, #tpu.memory_space<semaphore_mem>>) src(%arg19 : memref<2304xf32, #tpu.memory_space<vmem>>) dst(%dma_wait3A_149 : memref<2304xf32, #tpu.memory_space<hbm>>)
      tpu.yield
    }) : () -> ()
    %mul3A_87 = arith.constant 24 : i32
    %mul3A_88 = arith.muli %add3A, %mul3A_87 : i32
    %add3A_89 = arith.constant 11 : i32
    %add3A_90 = arith.addi %mul3A_88, %add3A_89 : i32
    "tpu.region"() ({
      %run_scoped3A = tpu.sem_alloc : memref<!tpu.dma_semaphore, #tpu.memory_space<semaphore_mem>>
      %dma_start3A_139 = arith.constant 0 : i32
      %dma_start3A_140 = tpu.memref_slice %arg4[%add3A_90, %dma_start3A_139] : memref<384x2304xf32, #tpu.memory_space<hbm>> -> memref<1x2304xf32, #tpu.memory_space<hbm>>
      %dma_start3A_141 = tpu.memref_squeeze %dma_start3A_140 : memref<1x2304xf32, #tpu.memory_space<hbm>> -> memref<2304xf32, #tpu.memory_space<hbm>>
      %dma_start3A_142 = arith.constant 0 : i32
      %dma_start3A_143 = tpu.memref_slice %arg4[%add3A_90, %dma_start3A_142] : memref<384x2304xf32, #tpu.memory_space<hbm>> -> memref<1x2304xf32, #tpu.memory_space<hbm>>
      %dma_start3A_144 = tpu.memref_squeeze %dma_start3A_143 : memref<1x2304xf32, #tpu.memory_space<hbm>> -> memref<2304xf32, #tpu.memory_space<hbm>>
      tpu.enqueue_dma source(%arg20 : memref<2304xf32, #tpu.memory_space<vmem>>) target(%dma_start3A_144 : memref<2304xf32, #tpu.memory_space<hbm>>) target_semaphore(%run_scoped3A : memref<!tpu.dma_semaphore, #tpu.memory_space<semaphore_mem>>)
      %dma_wait3A = arith.constant 0 : i32
      %dma_wait3A_145 = tpu.memref_slice %arg4[%add3A_90, %dma_wait3A] : memref<384x2304xf32, #tpu.memory_space<hbm>> -> memref<1x2304xf32, #tpu.memory_space<hbm>>
      %dma_wait3A_146 = tpu.memref_squeeze %dma_wait3A_145 : memref<1x2304xf32, #tpu.memory_space<hbm>> -> memref<2304xf32, #tpu.memory_space<hbm>>
      %dma_wait3A_147 = arith.constant 0 : i32
      %dma_wait3A_148 = tpu.memref_slice %arg4[%add3A_90, %dma_wait3A_147] : memref<384x2304xf32, #tpu.memory_space<hbm>> -> memref<1x2304xf32, #tpu.memory_space<hbm>>
      %dma_wait3A_149 = tpu.memref_squeeze %dma_wait3A_148 : memref<1x2304xf32, #tpu.memory_space<hbm>> -> memref<2304xf32, #tpu.memory_space<hbm>>
      tpu.wait_dma2 semaphore(%run_scoped3A : memref<!tpu.dma_semaphore, #tpu.memory_space<semaphore_mem>>) src(%arg20 : memref<2304xf32, #tpu.memory_space<vmem>>) dst(%dma_wait3A_149 : memref<2304xf32, #tpu.memory_space<hbm>>)
      tpu.yield
    }) : () -> ()
    %mul3A_91 = arith.constant 24 : i32
    %mul3A_92 = arith.muli %add3A, %mul3A_91 : i32
    %add3A_93 = arith.constant 12 : i32
    %add3A_94 = arith.addi %mul3A_92, %add3A_93 : i32
    "tpu.region"() ({
      %run_scoped3A = tpu.sem_alloc : memref<!tpu.dma_semaphore, #tpu.memory_space<semaphore_mem>>
      %dma_start3A_139 = arith.constant 0 : i32
      %dma_start3A_140 = tpu.memref_slice %arg4[%add3A_94, %dma_start3A_139] : memref<384x2304xf32, #tpu.memory_space<hbm>> -> memref<1x2304xf32, #tpu.memory_space<hbm>>
      %dma_start3A_141 = tpu.memref_squeeze %dma_start3A_140 : memref<1x2304xf32, #tpu.memory_space<hbm>> -> memref<2304xf32, #tpu.memory_space<hbm>>
      %dma_start3A_142 = arith.constant 0 : i32
      %dma_start3A_143 = tpu.memref_slice %arg4[%add3A_94, %dma_start3A_142] : memref<384x2304xf32, #tpu.memory_space<hbm>> -> memref<1x2304xf32, #tpu.memory_space<hbm>>
      %dma_start3A_144 = tpu.memref_squeeze %dma_start3A_143 : memref<1x2304xf32, #tpu.memory_space<hbm>> -> memref<2304xf32, #tpu.memory_space<hbm>>
      tpu.enqueue_dma source(%arg21 : memref<2304xf32, #tpu.memory_space<vmem>>) target(%dma_start3A_144 : memref<2304xf32, #tpu.memory_space<hbm>>) target_semaphore(%run_scoped3A : memref<!tpu.dma_semaphore, #tpu.memory_space<semaphore_mem>>)
      %dma_wait3A = arith.constant 0 : i32
      %dma_wait3A_145 = tpu.memref_slice %arg4[%add3A_94, %dma_wait3A] : memref<384x2304xf32, #tpu.memory_space<hbm>> -> memref<1x2304xf32, #tpu.memory_space<hbm>>
      %dma_wait3A_146 = tpu.memref_squeeze %dma_wait3A_145 : memref<1x2304xf32, #tpu.memory_space<hbm>> -> memref<2304xf32, #tpu.memory_space<hbm>>
      %dma_wait3A_147 = arith.constant 0 : i32
      %dma_wait3A_148 = tpu.memref_slice %arg4[%add3A_94, %dma_wait3A_147] : memref<384x2304xf32, #tpu.memory_space<hbm>> -> memref<1x2304xf32, #tpu.memory_space<hbm>>
      %dma_wait3A_149 = tpu.memref_squeeze %dma_wait3A_148 : memref<1x2304xf32, #tpu.memory_space<hbm>> -> memref<2304xf32, #tpu.memory_space<hbm>>
      tpu.wait_dma2 semaphore(%run_scoped3A : memref<!tpu.dma_semaphore, #tpu.memory_space<semaphore_mem>>) src(%arg21 : memref<2304xf32, #tpu.memory_space<vmem>>) dst(%dma_wait3A_149 : memref<2304xf32, #tpu.memory_space<hbm>>)
      tpu.yield
    }) : () -> ()
    %mul3A_95 = arith.constant 24 : i32
    %mul3A_96 = arith.muli %add3A, %mul3A_95 : i32
    %add3A_97 = arith.constant 13 : i32
    %add3A_98 = arith.addi %mul3A_96, %add3A_97 : i32
    "tpu.region"() ({
      %run_scoped3A = tpu.sem_alloc : memref<!tpu.dma_semaphore, #tpu.memory_space<semaphore_mem>>
      %dma_start3A_139 = arith.constant 0 : i32
      %dma_start3A_140 = tpu.memref_slice %arg4[%add3A_98, %dma_start3A_139] : memref<384x2304xf32, #tpu.memory_space<hbm>> -> memref<1x2304xf32, #tpu.memory_space<hbm>>
      %dma_start3A_141 = tpu.memref_squeeze %dma_start3A_140 : memref<1x2304xf32, #tpu.memory_space<hbm>> -> memref<2304xf32, #tpu.memory_space<hbm>>
      %dma_start3A_142 = arith.constant 0 : i32
      %dma_start3A_143 = tpu.memref_slice %arg4[%add3A_98, %dma_start3A_142] : memref<384x2304xf32, #tpu.memory_space<hbm>> -> memref<1x2304xf32, #tpu.memory_space<hbm>>
      %dma_start3A_144 = tpu.memref_squeeze %dma_start3A_143 : memref<1x2304xf32, #tpu.memory_space<hbm>> -> memref<2304xf32, #tpu.memory_space<hbm>>
      tpu.enqueue_dma source(%arg22 : memref<2304xf32, #tpu.memory_space<vmem>>) target(%dma_start3A_144 : memref<2304xf32, #tpu.memory_space<hbm>>) target_semaphore(%run_scoped3A : memref<!tpu.dma_semaphore, #tpu.memory_space<semaphore_mem>>)
      %dma_wait3A = arith.constant 0 : i32
      %dma_wait3A_145 = tpu.memref_slice %arg4[%add3A_98, %dma_wait3A] : memref<384x2304xf32, #tpu.memory_space<hbm>> -> memref<1x2304xf32, #tpu.memory_space<hbm>>
      %dma_wait3A_146 = tpu.memref_squeeze %dma_wait3A_145 : memref<1x2304xf32, #tpu.memory_space<hbm>> -> memref<2304xf32, #tpu.memory_space<hbm>>
      %dma_wait3A_147 = arith.constant 0 : i32
      %dma_wait3A_148 = tpu.memref_slice %arg4[%add3A_98, %dma_wait3A_147] : memref<384x2304xf32, #tpu.memory_space<hbm>> -> memref<1x2304xf32, #tpu.memory_space<hbm>>
      %dma_wait3A_149 = tpu.memref_squeeze %dma_wait3A_148 : memref<1x2304xf32, #tpu.memory_space<hbm>> -> memref<2304xf32, #tpu.memory_space<hbm>>
      tpu.wait_dma2 semaphore(%run_scoped3A : memref<!tpu.dma_semaphore, #tpu.memory_space<semaphore_mem>>) src(%arg22 : memref<2304xf32, #tpu.memory_space<vmem>>) dst(%dma_wait3A_149 : memref<2304xf32, #tpu.memory_space<hbm>>)
      tpu.yield
    }) : () -> ()
    %mul3A_99 = arith.constant 24 : i32
    %mul3A_100 = arith.muli %add3A, %mul3A_99 : i32
    %add3A_101 = arith.constant 14 : i32
    %add3A_102 = arith.addi %mul3A_100, %add3A_101 : i32
    "tpu.region"() ({
      %run_scoped3A = tpu.sem_alloc : memref<!tpu.dma_semaphore, #tpu.memory_space<semaphore_mem>>
      %dma_start3A_139 = arith.constant 0 : i32
      %dma_start3A_140 = tpu.memref_slice %arg4[%add3A_102, %dma_start3A_139] : memref<384x2304xf32, #tpu.memory_space<hbm>> -> memref<1x2304xf32, #tpu.memory_space<hbm>>
      %dma_start3A_141 = tpu.memref_squeeze %dma_start3A_140 : memref<1x2304xf32, #tpu.memory_space<hbm>> -> memref<2304xf32, #tpu.memory_space<hbm>>
      %dma_start3A_142 = arith.constant 0 : i32
      %dma_start3A_143 = tpu.memref_slice %arg4[%add3A_102, %dma_start3A_142] : memref<384x2304xf32, #tpu.memory_space<hbm>> -> memref<1x2304xf32, #tpu.memory_space<hbm>>
      %dma_start3A_144 = tpu.memref_squeeze %dma_start3A_143 : memref<1x2304xf32, #tpu.memory_space<hbm>> -> memref<2304xf32, #tpu.memory_space<hbm>>
      tpu.enqueue_dma source(%arg23 : memref<2304xf32, #tpu.memory_space<vmem>>) target(%dma_start3A_144 : memref<2304xf32, #tpu.memory_space<hbm>>) target_semaphore(%run_scoped3A : memref<!tpu.dma_semaphore, #tpu.memory_space<semaphore_mem>>)
      %dma_wait3A = arith.constant 0 : i32
      %dma_wait3A_145 = tpu.memref_slice %arg4[%add3A_102, %dma_wait3A] : memref<384x2304xf32, #tpu.memory_space<hbm>> -> memref<1x2304xf32, #tpu.memory_space<hbm>>
      %dma_wait3A_146 = tpu.memref_squeeze %dma_wait3A_145 : memref<1x2304xf32, #tpu.memory_space<hbm>> -> memref<2304xf32, #tpu.memory_space<hbm>>
      %dma_wait3A_147 = arith.constant 0 : i32
      %dma_wait3A_148 = tpu.memref_slice %arg4[%add3A_102, %dma_wait3A_147] : memref<384x2304xf32, #tpu.memory_space<hbm>> -> memref<1x2304xf32, #tpu.memory_space<hbm>>
      %dma_wait3A_149 = tpu.memref_squeeze %dma_wait3A_148 : memref<1x2304xf32, #tpu.memory_space<hbm>> -> memref<2304xf32, #tpu.memory_space<hbm>>
      tpu.wait_dma2 semaphore(%run_scoped3A : memref<!tpu.dma_semaphore, #tpu.memory_space<semaphore_mem>>) src(%arg23 : memref<2304xf32, #tpu.memory_space<vmem>>) dst(%dma_wait3A_149 : memref<2304xf32, #tpu.memory_space<hbm>>)
      tpu.yield
    }) : () -> ()
    %mul3A_103 = arith.constant 24 : i32
    %mul3A_104 = arith.muli %add3A, %mul3A_103 : i32
    %add3A_105 = arith.constant 15 : i32
    %add3A_106 = arith.addi %mul3A_104, %add3A_105 : i32
    "tpu.region"() ({
      %run_scoped3A = tpu.sem_alloc : memref<!tpu.dma_semaphore, #tpu.memory_space<semaphore_mem>>
      %dma_start3A_139 = arith.constant 0 : i32
      %dma_start3A_140 = tpu.memref_slice %arg4[%add3A_106, %dma_start3A_139] : memref<384x2304xf32, #tpu.memory_space<hbm>> -> memref<1x2304xf32, #tpu.memory_space<hbm>>
      %dma_start3A_141 = tpu.memref_squeeze %dma_start3A_140 : memref<1x2304xf32, #tpu.memory_space<hbm>> -> memref<2304xf32, #tpu.memory_space<hbm>>
      %dma_start3A_142 = arith.constant 0 : i32
      %dma_start3A_143 = tpu.memref_slice %arg4[%add3A_106, %dma_start3A_142] : memref<384x2304xf32, #tpu.memory_space<hbm>> -> memref<1x2304xf32, #tpu.memory_space<hbm>>
      %dma_start3A_144 = tpu.memref_squeeze %dma_start3A_143 : memref<1x2304xf32, #tpu.memory_space<hbm>> -> memref<2304xf32, #tpu.memory_space<hbm>>
      tpu.enqueue_dma source(%arg24 : memref<2304xf32, #tpu.memory_space<vmem>>) target(%dma_start3A_144 : memref<2304xf32, #tpu.memory_space<hbm>>) target_semaphore(%run_scoped3A : memref<!tpu.dma_semaphore, #tpu.memory_space<semaphore_mem>>)
      %dma_wait3A = arith.constant 0 : i32
      %dma_wait3A_145 = tpu.memref_slice %arg4[%add3A_106, %dma_wait3A] : memref<384x2304xf32, #tpu.memory_space<hbm>> -> memref<1x2304xf32, #tpu.memory_space<hbm>>
      %dma_wait3A_146 = tpu.memref_squeeze %dma_wait3A_145 : memref<1x2304xf32, #tpu.memory_space<hbm>> -> memref<2304xf32, #tpu.memory_space<hbm>>
      %dma_wait3A_147 = arith.constant 0 : i32
      %dma_wait3A_148 = tpu.memref_slice %arg4[%add3A_106, %dma_wait3A_147] : memref<384x2304xf32, #tpu.memory_space<hbm>> -> memref<1x2304xf32, #tpu.memory_space<hbm>>
      %dma_wait3A_149 = tpu.memref_squeeze %dma_wait3A_148 : memref<1x2304xf32, #tpu.memory_space<hbm>> -> memref<2304xf32, #tpu.memory_space<hbm>>
      tpu.wait_dma2 semaphore(%run_scoped3A : memref<!tpu.dma_semaphore, #tpu.memory_space<semaphore_mem>>) src(%arg24 : memref<2304xf32, #tpu.memory_space<vmem>>) dst(%dma_wait3A_149 : memref<2304xf32, #tpu.memory_space<hbm>>)
      tpu.yield
    }) : () -> ()
    %mul3A_107 = arith.constant 24 : i32
    %mul3A_108 = arith.muli %add3A, %mul3A_107 : i32
    %add3A_109 = arith.constant 16 : i32
    %add3A_110 = arith.addi %mul3A_108, %add3A_109 : i32
    "tpu.region"() ({
      %run_scoped3A = tpu.sem_alloc : memref<!tpu.dma_semaphore, #tpu.memory_space<semaphore_mem>>
      %dma_start3A_139 = arith.constant 0 : i32
      %dma_start3A_140 = tpu.memref_slice %arg4[%add3A_110, %dma_start3A_139] : memref<384x2304xf32, #tpu.memory_space<hbm>> -> memref<1x2304xf32, #tpu.memory_space<hbm>>
      %dma_start3A_141 = tpu.memref_squeeze %dma_start3A_140 : memref<1x2304xf32, #tpu.memory_space<hbm>> -> memref<2304xf32, #tpu.memory_space<hbm>>
      %dma_start3A_142 = arith.constant 0 : i32
      %dma_start3A_143 = tpu.memref_slice %arg4[%add3A_110, %dma_start3A_142] : memref<384x2304xf32, #tpu.memory_space<hbm>> -> memref<1x2304xf32, #tpu.memory_space<hbm>>
      %dma_start3A_144 = tpu.memref_squeeze %dma_start3A_143 : memref<1x2304xf32, #tpu.memory_space<hbm>> -> memref<2304xf32, #tpu.memory_space<hbm>>
      tpu.enqueue_dma source(%arg25 : memref<2304xf32, #tpu.memory_space<vmem>>) target(%dma_start3A_144 : memref<2304xf32, #tpu.memory_space<hbm>>) target_semaphore(%run_scoped3A : memref<!tpu.dma_semaphore, #tpu.memory_space<semaphore_mem>>)
      %dma_wait3A = arith.constant 0 : i32
      %dma_wait3A_145 = tpu.memref_slice %arg4[%add3A_110, %dma_wait3A] : memref<384x2304xf32, #tpu.memory_space<hbm>> -> memref<1x2304xf32, #tpu.memory_space<hbm>>
      %dma_wait3A_146 = tpu.memref_squeeze %dma_wait3A_145 : memref<1x2304xf32, #tpu.memory_space<hbm>> -> memref<2304xf32, #tpu.memory_space<hbm>>
      %dma_wait3A_147 = arith.constant 0 : i32
      %dma_wait3A_148 = tpu.memref_slice %arg4[%add3A_110, %dma_wait3A_147] : memref<384x2304xf32, #tpu.memory_space<hbm>> -> memref<1x2304xf32, #tpu.memory_space<hbm>>
      %dma_wait3A_149 = tpu.memref_squeeze %dma_wait3A_148 : memref<1x2304xf32, #tpu.memory_space<hbm>> -> memref<2304xf32, #tpu.memory_space<hbm>>
      tpu.wait_dma2 semaphore(%run_scoped3A : memref<!tpu.dma_semaphore, #tpu.memory_space<semaphore_mem>>) src(%arg25 : memref<2304xf32, #tpu.memory_space<vmem>>) dst(%dma_wait3A_149 : memref<2304xf32, #tpu.memory_space<hbm>>)
      tpu.yield
    }) : () -> ()
    %mul3A_111 = arith.constant 24 : i32
    %mul3A_112 = arith.muli %add3A, %mul3A_111 : i32
    %add3A_113 = arith.constant 17 : i32
    %add3A_114 = arith.addi %mul3A_112, %add3A_113 : i32
    "tpu.region"() ({
      %run_scoped3A = tpu.sem_alloc : memref<!tpu.dma_semaphore, #tpu.memory_space<semaphore_mem>>
      %dma_start3A_139 = arith.constant 0 : i32
      %dma_start3A_140 = tpu.memref_slice %arg4[%add3A_114, %dma_start3A_139] : memref<384x2304xf32, #tpu.memory_space<hbm>> -> memref<1x2304xf32, #tpu.memory_space<hbm>>
      %dma_start3A_141 = tpu.memref_squeeze %dma_start3A_140 : memref<1x2304xf32, #tpu.memory_space<hbm>> -> memref<2304xf32, #tpu.memory_space<hbm>>
      %dma_start3A_142 = arith.constant 0 : i32
      %dma_start3A_143 = tpu.memref_slice %arg4[%add3A_114, %dma_start3A_142] : memref<384x2304xf32, #tpu.memory_space<hbm>> -> memref<1x2304xf32, #tpu.memory_space<hbm>>
      %dma_start3A_144 = tpu.memref_squeeze %dma_start3A_143 : memref<1x2304xf32, #tpu.memory_space<hbm>> -> memref<2304xf32, #tpu.memory_space<hbm>>
      tpu.enqueue_dma source(%arg26 : memref<2304xf32, #tpu.memory_space<vmem>>) target(%dma_start3A_144 : memref<2304xf32, #tpu.memory_space<hbm>>) target_semaphore(%run_scoped3A : memref<!tpu.dma_semaphore, #tpu.memory_space<semaphore_mem>>)
      %dma_wait3A = arith.constant 0 : i32
      %dma_wait3A_145 = tpu.memref_slice %arg4[%add3A_114, %dma_wait3A] : memref<384x2304xf32, #tpu.memory_space<hbm>> -> memref<1x2304xf32, #tpu.memory_space<hbm>>
      %dma_wait3A_146 = tpu.memref_squeeze %dma_wait3A_145 : memref<1x2304xf32, #tpu.memory_space<hbm>> -> memref<2304xf32, #tpu.memory_space<hbm>>
      %dma_wait3A_147 = arith.constant 0 : i32
      %dma_wait3A_148 = tpu.memref_slice %arg4[%add3A_114, %dma_wait3A_147] : memref<384x2304xf32, #tpu.memory_space<hbm>> -> memref<1x2304xf32, #tpu.memory_space<hbm>>
      %dma_wait3A_149 = tpu.memref_squeeze %dma_wait3A_148 : memref<1x2304xf32, #tpu.memory_space<hbm>> -> memref<2304xf32, #tpu.memory_space<hbm>>
      tpu.wait_dma2 semaphore(%run_scoped3A : memref<!tpu.dma_semaphore, #tpu.memory_space<semaphore_mem>>) src(%arg26 : memref<2304xf32, #tpu.memory_space<vmem>>) dst(%dma_wait3A_149 : memref<2304xf32, #tpu.memory_space<hbm>>)
      tpu.yield
    }) : () -> ()
    %mul3A_115 = arith.constant 24 : i32
    %mul3A_116 = arith.muli %add3A, %mul3A_115 : i32
    %add3A_117 = arith.constant 18 : i32
    %add3A_118 = arith.addi %mul3A_116, %add3A_117 : i32
    "tpu.region"() ({
      %run_scoped3A = tpu.sem_alloc : memref<!tpu.dma_semaphore, #tpu.memory_space<semaphore_mem>>
      %dma_start3A_139 = arith.constant 0 : i32
      %dma_start3A_140 = tpu.memref_slice %arg4[%add3A_118, %dma_start3A_139] : memref<384x2304xf32, #tpu.memory_space<hbm>> -> memref<1x2304xf32, #tpu.memory_space<hbm>>
      %dma_start3A_141 = tpu.memref_squeeze %dma_start3A_140 : memref<1x2304xf32, #tpu.memory_space<hbm>> -> memref<2304xf32, #tpu.memory_space<hbm>>
      %dma_start3A_142 = arith.constant 0 : i32
      %dma_start3A_143 = tpu.memref_slice %arg4[%add3A_118, %dma_start3A_142] : memref<384x2304xf32, #tpu.memory_space<hbm>> -> memref<1x2304xf32, #tpu.memory_space<hbm>>
      %dma_start3A_144 = tpu.memref_squeeze %dma_start3A_143 : memref<1x2304xf32, #tpu.memory_space<hbm>> -> memref<2304xf32, #tpu.memory_space<hbm>>
      tpu.enqueue_dma source(%arg27 : memref<2304xf32, #tpu.memory_space<vmem>>) target(%dma_start3A_144 : memref<2304xf32, #tpu.memory_space<hbm>>) target_semaphore(%run_scoped3A : memref<!tpu.dma_semaphore, #tpu.memory_space<semaphore_mem>>)
      %dma_wait3A = arith.constant 0 : i32
      %dma_wait3A_145 = tpu.memref_slice %arg4[%add3A_118, %dma_wait3A] : memref<384x2304xf32, #tpu.memory_space<hbm>> -> memref<1x2304xf32, #tpu.memory_space<hbm>>
      %dma_wait3A_146 = tpu.memref_squeeze %dma_wait3A_145 : memref<1x2304xf32, #tpu.memory_space<hbm>> -> memref<2304xf32, #tpu.memory_space<hbm>>
      %dma_wait3A_147 = arith.constant 0 : i32
      %dma_wait3A_148 = tpu.memref_slice %arg4[%add3A_118, %dma_wait3A_147] : memref<384x2304xf32, #tpu.memory_space<hbm>> -> memref<1x2304xf32, #tpu.memory_space<hbm>>
      %dma_wait3A_149 = tpu.memref_squeeze %dma_wait3A_148 : memref<1x2304xf32, #tpu.memory_space<hbm>> -> memref<2304xf32, #tpu.memory_space<hbm>>
      tpu.wait_dma2 semaphore(%run_scoped3A : memref<!tpu.dma_semaphore, #tpu.memory_space<semaphore_mem>>) src(%arg27 : memref<2304xf32, #tpu.memory_space<vmem>>) dst(%dma_wait3A_149 : memref<2304xf32, #tpu.memory_space<hbm>>)
      tpu.yield
    }) : () -> ()
    %mul3A_119 = arith.constant 24 : i32
    %mul3A_120 = arith.muli %add3A, %mul3A_119 : i32
    %add3A_121 = arith.constant 19 : i32
    %add3A_122 = arith.addi %mul3A_120, %add3A_121 : i32
    "tpu.region"() ({
      %run_scoped3A = tpu.sem_alloc : memref<!tpu.dma_semaphore, #tpu.memory_space<semaphore_mem>>
      %dma_start3A_139 = arith.constant 0 : i32
      %dma_start3A_140 = tpu.memref_slice %arg4[%add3A_122, %dma_start3A_139] : memref<384x2304xf32, #tpu.memory_space<hbm>> -> memref<1x2304xf32, #tpu.memory_space<hbm>>
      %dma_start3A_141 = tpu.memref_squeeze %dma_start3A_140 : memref<1x2304xf32, #tpu.memory_space<hbm>> -> memref<2304xf32, #tpu.memory_space<hbm>>
      %dma_start3A_142 = arith.constant 0 : i32
      %dma_start3A_143 = tpu.memref_slice %arg4[%add3A_122, %dma_start3A_142] : memref<384x2304xf32, #tpu.memory_space<hbm>> -> memref<1x2304xf32, #tpu.memory_space<hbm>>
      %dma_start3A_144 = tpu.memref_squeeze %dma_start3A_143 : memref<1x2304xf32, #tpu.memory_space<hbm>> -> memref<2304xf32, #tpu.memory_space<hbm>>
      tpu.enqueue_dma source(%arg28 : memref<2304xf32, #tpu.memory_space<vmem>>) target(%dma_start3A_144 : memref<2304xf32, #tpu.memory_space<hbm>>) target_semaphore(%run_scoped3A : memref<!tpu.dma_semaphore, #tpu.memory_space<semaphore_mem>>)
      %dma_wait3A = arith.constant 0 : i32
      %dma_wait3A_145 = tpu.memref_slice %arg4[%add3A_122, %dma_wait3A] : memref<384x2304xf32, #tpu.memory_space<hbm>> -> memref<1x2304xf32, #tpu.memory_space<hbm>>
      %dma_wait3A_146 = tpu.memref_squeeze %dma_wait3A_145 : memref<1x2304xf32, #tpu.memory_space<hbm>> -> memref<2304xf32, #tpu.memory_space<hbm>>
      %dma_wait3A_147 = arith.constant 0 : i32
      %dma_wait3A_148 = tpu.memref_slice %arg4[%add3A_122, %dma_wait3A_147] : memref<384x2304xf32, #tpu.memory_space<hbm>> -> memref<1x2304xf32, #tpu.memory_space<hbm>>
      %dma_wait3A_149 = tpu.memref_squeeze %dma_wait3A_148 : memref<1x2304xf32, #tpu.memory_space<hbm>> -> memref<2304xf32, #tpu.memory_space<hbm>>
      tpu.wait_dma2 semaphore(%run_scoped3A : memref<!tpu.dma_semaphore, #tpu.memory_space<semaphore_mem>>) src(%arg28 : memref<2304xf32, #tpu.memory_space<vmem>>) dst(%dma_wait3A_149 : memref<2304xf32, #tpu.memory_space<hbm>>)
      tpu.yield
    }) : () -> ()
    %mul3A_123 = arith.constant 24 : i32
    %mul3A_124 = arith.muli %add3A, %mul3A_123 : i32
    %add3A_125 = arith.constant 20 : i32
    %add3A_126 = arith.addi %mul3A_124, %add3A_125 : i32
    "tpu.region"() ({
      %run_scoped3A = tpu.sem_alloc : memref<!tpu.dma_semaphore, #tpu.memory_space<semaphore_mem>>
      %dma_start3A_139 = arith.constant 0 : i32
      %dma_start3A_140 = tpu.memref_slice %arg4[%add3A_126, %dma_start3A_139] : memref<384x2304xf32, #tpu.memory_space<hbm>> -> memref<1x2304xf32, #tpu.memory_space<hbm>>
      %dma_start3A_141 = tpu.memref_squeeze %dma_start3A_140 : memref<1x2304xf32, #tpu.memory_space<hbm>> -> memref<2304xf32, #tpu.memory_space<hbm>>
      %dma_start3A_142 = arith.constant 0 : i32
      %dma_start3A_143 = tpu.memref_slice %arg4[%add3A_126, %dma_start3A_142] : memref<384x2304xf32, #tpu.memory_space<hbm>> -> memref<1x2304xf32, #tpu.memory_space<hbm>>
      %dma_start3A_144 = tpu.memref_squeeze %dma_start3A_143 : memref<1x2304xf32, #tpu.memory_space<hbm>> -> memref<2304xf32, #tpu.memory_space<hbm>>
      tpu.enqueue_dma source(%arg29 : memref<2304xf32, #tpu.memory_space<vmem>>) target(%dma_start3A_144 : memref<2304xf32, #tpu.memory_space<hbm>>) target_semaphore(%run_scoped3A : memref<!tpu.dma_semaphore, #tpu.memory_space<semaphore_mem>>)
      %dma_wait3A = arith.constant 0 : i32
      %dma_wait3A_145 = tpu.memref_slice %arg4[%add3A_126, %dma_wait3A] : memref<384x2304xf32, #tpu.memory_space<hbm>> -> memref<1x2304xf32, #tpu.memory_space<hbm>>
      %dma_wait3A_146 = tpu.memref_squeeze %dma_wait3A_145 : memref<1x2304xf32, #tpu.memory_space<hbm>> -> memref<2304xf32, #tpu.memory_space<hbm>>
      %dma_wait3A_147 = arith.constant 0 : i32
      %dma_wait3A_148 = tpu.memref_slice %arg4[%add3A_126, %dma_wait3A_147] : memref<384x2304xf32, #tpu.memory_space<hbm>> -> memref<1x2304xf32, #tpu.memory_space<hbm>>
      %dma_wait3A_149 = tpu.memref_squeeze %dma_wait3A_148 : memref<1x2304xf32, #tpu.memory_space<hbm>> -> memref<2304xf32, #tpu.memory_space<hbm>>
      tpu.wait_dma2 semaphore(%run_scoped3A : memref<!tpu.dma_semaphore, #tpu.memory_space<semaphore_mem>>) src(%arg29 : memref<2304xf32, #tpu.memory_space<vmem>>) dst(%dma_wait3A_149 : memref<2304xf32, #tpu.memory_space<hbm>>)
      tpu.yield
    }) : () -> ()
    %mul3A_127 = arith.constant 24 : i32
    %mul3A_128 = arith.muli %add3A, %mul3A_127 : i32
    %add3A_129 = arith.constant 21 : i32
    %add3A_130 = arith.addi %mul3A_128, %add3A_129 : i32
    "tpu.region"() ({
      %run_scoped3A = tpu.sem_alloc : memref<!tpu.dma_semaphore, #tpu.memory_space<semaphore_mem>>
      %dma_start3A_139 = arith.constant 0 : i32
      %dma_start3A_140 = tpu.memref_slice %arg4[%add3A_130, %dma_start3A_139] : memref<384x2304xf32, #tpu.memory_space<hbm>> -> memref<1x2304xf32, #tpu.memory_space<hbm>>
      %dma_start3A_141 = tpu.memref_squeeze %dma_start3A_140 : memref<1x2304xf32, #tpu.memory_space<hbm>> -> memref<2304xf32, #tpu.memory_space<hbm>>
      %dma_start3A_142 = arith.constant 0 : i32
      %dma_start3A_143 = tpu.memref_slice %arg4[%add3A_130, %dma_start3A_142] : memref<384x2304xf32, #tpu.memory_space<hbm>> -> memref<1x2304xf32, #tpu.memory_space<hbm>>
      %dma_start3A_144 = tpu.memref_squeeze %dma_start3A_143 : memref<1x2304xf32, #tpu.memory_space<hbm>> -> memref<2304xf32, #tpu.memory_space<hbm>>
      tpu.enqueue_dma source(%arg30 : memref<2304xf32, #tpu.memory_space<vmem>>) target(%dma_start3A_144 : memref<2304xf32, #tpu.memory_space<hbm>>) target_semaphore(%run_scoped3A : memref<!tpu.dma_semaphore, #tpu.memory_space<semaphore_mem>>)
      %dma_wait3A = arith.constant 0 : i32
      %dma_wait3A_145 = tpu.memref_slice %arg4[%add3A_130, %dma_wait3A] : memref<384x2304xf32, #tpu.memory_space<hbm>> -> memref<1x2304xf32, #tpu.memory_space<hbm>>
      %dma_wait3A_146 = tpu.memref_squeeze %dma_wait3A_145 : memref<1x2304xf32, #tpu.memory_space<hbm>> -> memref<2304xf32, #tpu.memory_space<hbm>>
      %dma_wait3A_147 = arith.constant 0 : i32
      %dma_wait3A_148 = tpu.memref_slice %arg4[%add3A_130, %dma_wait3A_147] : memref<384x2304xf32, #tpu.memory_space<hbm>> -> memref<1x2304xf32, #tpu.memory_space<hbm>>
      %dma_wait3A_149 = tpu.memref_squeeze %dma_wait3A_148 : memref<1x2304xf32, #tpu.memory_space<hbm>> -> memref<2304xf32, #tpu.memory_space<hbm>>
      tpu.wait_dma2 semaphore(%run_scoped3A : memref<!tpu.dma_semaphore, #tpu.memory_space<semaphore_mem>>) src(%arg30 : memref<2304xf32, #tpu.memory_space<vmem>>) dst(%dma_wait3A_149 : memref<2304xf32, #tpu.memory_space<hbm>>)
      tpu.yield
    }) : () -> ()
    %mul3A_131 = arith.constant 24 : i32
    %mul3A_132 = arith.muli %add3A, %mul3A_131 : i32
    %add3A_133 = arith.constant 22 : i32
    %add3A_134 = arith.addi %mul3A_132, %add3A_133 : i32
    "tpu.region"() ({
      %run_scoped3A = tpu.sem_alloc : memref<!tpu.dma_semaphore, #tpu.memory_space<semaphore_mem>>
      %dma_start3A_139 = arith.constant 0 : i32
      %dma_start3A_140 = tpu.memref_slice %arg4[%add3A_134, %dma_start3A_139] : memref<384x2304xf32, #tpu.memory_space<hbm>> -> memref<1x2304xf32, #tpu.memory_space<hbm>>
      %dma_start3A_141 = tpu.memref_squeeze %dma_start3A_140 : memref<1x2304xf32, #tpu.memory_space<hbm>> -> memref<2304xf32, #tpu.memory_space<hbm>>
      %dma_start3A_142 = arith.constant 0 : i32
      %dma_start3A_143 = tpu.memref_slice %arg4[%add3A_134, %dma_start3A_142] : memref<384x2304xf32, #tpu.memory_space<hbm>> -> memref<1x2304xf32, #tpu.memory_space<hbm>>
      %dma_start3A_144 = tpu.memref_squeeze %dma_start3A_143 : memref<1x2304xf32, #tpu.memory_space<hbm>> -> memref<2304xf32, #tpu.memory_space<hbm>>
      tpu.enqueue_dma source(%arg31 : memref<2304xf32, #tpu.memory_space<vmem>>) target(%dma_start3A_144 : memref<2304xf32, #tpu.memory_space<hbm>>) target_semaphore(%run_scoped3A : memref<!tpu.dma_semaphore, #tpu.memory_space<semaphore_mem>>)
      %dma_wait3A = arith.constant 0 : i32
      %dma_wait3A_145 = tpu.memref_slice %arg4[%add3A_134, %dma_wait3A] : memref<384x2304xf32, #tpu.memory_space<hbm>> -> memref<1x2304xf32, #tpu.memory_space<hbm>>
      %dma_wait3A_146 = tpu.memref_squeeze %dma_wait3A_145 : memref<1x2304xf32, #tpu.memory_space<hbm>> -> memref<2304xf32, #tpu.memory_space<hbm>>
      %dma_wait3A_147 = arith.constant 0 : i32
      %dma_wait3A_148 = tpu.memref_slice %arg4[%add3A_134, %dma_wait3A_147] : memref<384x2304xf32, #tpu.memory_space<hbm>> -> memref<1x2304xf32, #tpu.memory_space<hbm>>
      %dma_wait3A_149 = tpu.memref_squeeze %dma_wait3A_148 : memref<1x2304xf32, #tpu.memory_space<hbm>> -> memref<2304xf32, #tpu.memory_space<hbm>>
      tpu.wait_dma2 semaphore(%run_scoped3A : memref<!tpu.dma_semaphore, #tpu.memory_space<semaphore_mem>>) src(%arg31 : memref<2304xf32, #tpu.memory_space<vmem>>) dst(%dma_wait3A_149 : memref<2304xf32, #tpu.memory_space<hbm>>)
      tpu.yield
    }) : () -> ()
    %mul3A_135 = arith.constant 24 : i32
    %mul3A_136 = arith.muli %add3A, %mul3A_135 : i32
    %add3A_137 = arith.constant 23 : i32
    %add3A_138 = arith.addi %mul3A_136, %add3A_137 : i32
    "tpu.region"() ({
      %run_scoped3A = tpu.sem_alloc : memref<!tpu.dma_semaphore, #tpu.memory_space<semaphore_mem>>
      %dma_start3A_139 = arith.constant 0 : i32
      %dma_start3A_140 = tpu.memref_slice %arg4[%add3A_138, %dma_start3A_139] : memref<384x2304xf32, #tpu.memory_space<hbm>> -> memref<1x2304xf32, #tpu.memory_space<hbm>>
      %dma_start3A_141 = tpu.memref_squeeze %dma_start3A_140 : memref<1x2304xf32, #tpu.memory_space<hbm>> -> memref<2304xf32, #tpu.memory_space<hbm>>
      %dma_start3A_142 = arith.constant 0 : i32
      %dma_start3A_143 = tpu.memref_slice %arg4[%add3A_138, %dma_start3A_142] : memref<384x2304xf32, #tpu.memory_space<hbm>> -> memref<1x2304xf32, #tpu.memory_space<hbm>>
      %dma_start3A_144 = tpu.memref_squeeze %dma_start3A_143 : memref<1x2304xf32, #tpu.memory_space<hbm>> -> memref<2304xf32, #tpu.memory_space<hbm>>
      tpu.enqueue_dma source(%arg32 : memref<2304xf32, #tpu.memory_space<vmem>>) target(%dma_start3A_144 : memref<2304xf32, #tpu.memory_space<hbm>>) target_semaphore(%run_scoped3A : memref<!tpu.dma_semaphore, #tpu.memory_space<semaphore_mem>>)
      %dma_wait3A = arith.constant 0 : i32
      %dma_wait3A_145 = tpu.memref_slice %arg4[%add3A_138, %dma_wait3A] : memref<384x2304xf32, #tpu.memory_space<hbm>> -> memref<1x2304xf32, #tpu.memory_space<hbm>>
      %dma_wait3A_146 = tpu.memref_squeeze %dma_wait3A_145 : memref<1x2304xf32, #tpu.memory_space<hbm>> -> memref<2304xf32, #tpu.memory_space<hbm>>
      %dma_wait3A_147 = arith.constant 0 : i32
      %dma_wait3A_148 = tpu.memref_slice %arg4[%add3A_138, %dma_wait3A_147] : memref<384x2304xf32, #tpu.memory_space<hbm>> -> memref<1x2304xf32, #tpu.memory_space<hbm>>
      %dma_wait3A_149 = tpu.memref_squeeze %dma_wait3A_148 : memref<1x2304xf32, #tpu.memory_space<hbm>> -> memref<2304xf32, #tpu.memory_space<hbm>>
      tpu.wait_dma2 semaphore(%run_scoped3A : memref<!tpu.dma_semaphore, #tpu.memory_space<semaphore_mem>>) src(%arg32 : memref<2304xf32, #tpu.memory_space<vmem>>) dst(%dma_wait3A_149 : memref<2304xf32, #tpu.memory_space<hbm>>)
      tpu.yield
    }) : () -> ()
    return
  }
}

</mosaic_0001>

<sc_bundles>
// kernel: _spixel_feats.3.cloned.1.call-start
scs
__scs_entry_jumppad:
0x0: {  	(pc) =	sbr.rel $0x88, $3  }
0x1: {  	(tag) =	ssettag $0x0;
	lr =	simm.s32 $0x1  }
0x2: {  	[smem:$0x3F9F] =	sst lr;
	_ =	strace $0xD0000000  }
0x3: {  	_ = 	snop  }
0x4: {  	_ = 	snop  }
0x5: {  	_ = 	snop  }
0x6: {  	_ = 	snop  }
0x7: {  	_ = 	snop  }
__scs_overlays_trampoline_lowered:
0x8: {  	[smem:$0x3FAE] =	sst s0  }
0x9: {  	[smem:$0x3FAF] =	sst s1  }
0xa: {  	[smem:$0x3FB0] =	sst s2  }
0xb: {  	[smem:$0x3FB1] =	sst s3  }
0xc: {  	[smem:$0x3FB2] =	sst s4  }
0xd: {  	[smem:$0x3FB3] =	sst s5  }
0xe: {  	[smem:$0x3FB4] =	sst s6  }
0xf: {  	[smem:$0x3FB5] =	sst s7  }
0x10: {  	[smem:$0x3FB6] =	sst s8  }
0x11: {  	[smem:$0x3FB7] =	sst s9;
	s0 =	simm.s32 @!p0 $0x0  }
0x12: {  	s1 =	sld [smem:$0x3F9D];
	s0 =	simm.s32 @p0 $0x1  }
0x13: {  	[smem:$0x3FB8] =	sst s0;
	s0 =	simm.s32 @!p1 $0x0  }
0x14: {  	s2 =	sld [smem:$0x3F9C];
	s0 =	simm.s32 @p1 $0x1  }
0x15: {  	[smem:$0x3FB9] =	sst s0;
	s0 =	simm.s32 @!p2 $0x0  }
0x16: {  	s3 =	sld [smem:$0x3FDB];
	s0 =	simm.s32 @p2 $0x1  }
0x17: {  	s4 =	simm.s32 $0x1BF5;
	[smem:$0x3FBB] =	sst s0  }
0x18: {  	s0 =	sld [smem:$0x3F9E];
	_ =	swait.ge [sflag:s4], $0x0  }
0x19: {  	s7 =	sld [smem:$0x3F9F]  }
0x1a: {  	s8 =	sadd.s32 $0xFFFFE003, lr  }
0x1b: {  	s9 =	sadd.s32 $0xFFFFFEF7, lr;
	s5 =	simm.s32 $0xFFFFFFFF;
	p2 =	slt.u32 s8, $0xFFFFF086  }
0x1c: {  	p1 =	slt.u32 s9, $0xF7A;
	s5 =	simm.s32 @!p2 $0x0  }
0x1d: {  	s5 =	simm.s32 @p1 $0x1;
	p0 =	seq.s32 s7, s2  }
0x1e: {  	s7 =	smul.u32 @!p0 $0xF7A, s2;
	p2 =	seq.s32 @!p0 s5, $0x0  }
0x1f: {  	s9 =	smul.u32 $0xF7A, s1;
	s8 =	simm.s32 @!p0 $0x1BF5;
	p2 =	por !p2, p0  }
0x20: {  	[sflag:s8] =	ssyncset.s32 @!p0 $0xFFFFF086;
	s6 =	sadd.s32 @!p0 s3, s7;
	s7 =	simm.s32 @!p0 $0x108  }
0x21: {  	s3 =	sadd.s32 s3, s9;
	s6 =	sadd.s32 @!p0 $0x88, s6;
	s7 =	simm.s32 @p2 $0x1082  }
0x22: {  	[simem:s7], [sflag:s8] =	dma.local @!p0 [hbm:s6], $0xF7A  }
0x23: {  	s9 =	sor.u32 $0xD0000000, s2;
	s6 =	simm.s32 $0x108;
	_ =	swait.ge @!p0 [sflag:s8], $0x0  }
0x24: {  	s3 =	sadd.s32 $0x88, s3;
	s6 =	simm.s32 @!p1 $0x1082;
	[sflag:s4] =	ssyncset.s32 $0xFFFFF086  }
0x25: {  	[simem:s6], [sflag:s4] =	dma.local [hbm:s3], $0xF7A  }
0x26: {  	[smem:$0x3F9F] =	sst s1;
	(tag) =	ssettag s2;
	_ =	strace s9  }
0x27: {  	s1 =	sld [smem:$0x3FAF]  }
0x28: {  	s2 =	sld [smem:$0x3FB0]  }
0x29: {  	s4 =	sld [smem:$0x3FB2]  }
0x2a: {  	p0 =	seq.s32 s5, $0x0;
	s5 =	sld [smem:$0x3FB3]  }
0x2b: {  	s6 =	sld [smem:$0x3FB4]  }
0x2c: {  	s7 =	sld [smem:$0x3FB5]  }
0x2d: {  	s3 =	simm.s32 $0x108;
	s8 =	sld [smem:$0x3FB6]  }
0x2e: {  	s3 =	simm.s32 @!p0 $0x1082;
	s9 =	sld [smem:$0x3FB7]  }
0x2f: {  	lr =	sadd.s32 s0, s3;
	s0 =	sld [smem:$0x3FAE]  }
0x30: {  	s3 =	sld [smem:$0x3FB1]  }
0x31: {  	[smem:$0x3FBA] =	sst s10  }
0x32: {  	s10 =	sld [smem:$0x3FB8];
	_ =	sdelay $0x3  }
0x33: {  	p0 =	seq.s32 s10, $0x1;
	s10 =	sld [smem:$0x3FBA];
	_ =	sdelay $0x3  }
0x34: {  	[smem:$0x3FBA] =	sst s10  }
0x35: {  	s10 =	sld [smem:$0x3FB9];
	_ =	sdelay $0x3  }
0x36: {  	p1 =	seq.s32 s10, $0x1;
	s10 =	sld [smem:$0x3FBA];
	_ =	sdelay $0x3  }
0x37: {  	[smem:$0x3FBA] =	sst s10  }
0x38: {  	s10 =	sld [smem:$0x3FBB]  }
0x39: {  	_ = 	snop;
	(pc) =	sbr.ind lr, $3  }
0x3a: {  	_ = 	snop  }
0x3b: {  	_ = 	snop  }
0x3c: {  	p2 =	seq.s32 s10, $0x1;
	s10 =	sld [smem:$0x3FBA]  }
0x3d: {  	_ =	shalt  }
0x3e: {  	_ =	shalt  }
0x3f: {  	_ =	shalt  }
0x40: {  	_ =	shalt  }
0x41: {  	_ =	shalt  }
0x42: {  	_ =	shalt  }
0x43: {  	_ =	shalt  }
0x44: {  	_ =	shalt  }
0x45: {  	_ =	shalt  }
0x46: {  	_ =	shalt  }
0x47: {  	_ =	shalt  }
0x48: {  	_ =	shalt  }
0x49: {  	_ =	shalt  }
0x4a: {  	_ =	shalt  }
0x4b: {  	_ =	shalt  }
0x4c: {  	_ =	shalt  }
0x4d: {  	_ =	shalt  }
0x4e: {  	_ =	shalt  }
0x4f: {  	_ =	shalt  }
0x50: {  	_ =	shalt  }
0x51: {  	_ =	shalt  }
0x52: {  	_ =	shalt  }
0x53: {  	_ =	shalt  }
0x54: {  	_ =	shalt  }
0x55: {  	_ =	shalt  }
0x56: {  	_ =	shalt  }
0x57: {  	_ =	shalt  }
0x58: {  	_ =	shalt  }
0x59: {  	_ =	shalt  }
0x5a: {  	_ =	shalt  }
0x5b: {  	_ =	shalt  }
0x5c: {  	_ =	shalt  }
0x5d: {  	_ =	shalt  }
0x5e: {  	_ =	shalt  }
0x5f: {  	_ =	shalt  }
0x60: {  	_ =	shalt  }
0x61: {  	_ =	shalt  }
0x62: {  	_ =	shalt  }
0x63: {  	_ =	shalt  }
0x64: {  	_ =	shalt  }
0x65: {  	_ =	shalt  }
0x66: {  	_ =	shalt  }
0x67: {  	_ =	shalt  }
0x68: {  	_ =	shalt  }
0x69: {  	_ =	shalt  }
0x6a: {  	_ =	shalt  }
0x6b: {  	_ =	shalt  }
0x6c: {  	_ =	shalt  }
0x6d: {  	_ =	shalt  }
0x6e: {  	_ =	shalt  }
0x6f: {  	_ =	shalt  }
0x70: {  	_ =	shalt  }
0x71: {  	_ =	shalt  }
0x72: {  	_ =	shalt  }
0x73: {  	_ =	shalt  }
0x74: {  	_ =	shalt  }
0x75: {  	_ =	shalt  }
0x76: {  	_ =	shalt  }
0x77: {  	_ =	shalt  }
0x78: {  	_ =	shalt  }
0x79: {  	_ =	shalt  }
0x7a: {  	_ =	shalt  }
0x7b: {  	_ =	shalt  }
0x7c: {  	_ =	shalt  }
0x7d: {  	_ =	shalt  }
0x7e: {  	_ =	shalt  }
0x7f: {  	_ =	shalt  }
0x80: {  	_ =	shalt  }
0x81: {  	_ =	shalt  }
0x82: {  	_ =	shalt  }
0x83: {  	_ =	shalt  }
0x84: {  	_ =	shalt  }
0x85: {  	_ =	shalt  }
0x86: {  	_ =	shalt  }
0x87: {  	_ =	shalt  }
.Lfunc_end0:
.L_simem_size_0:
called_computation_lowered:
.L_overlay_start_0:
0x88: {  	s0 =	sld [smem:$0x3FD9]  }
0x89: {  	s1 =	sld [smem:$0x3FFE];
	_ =	sdelay $0x3  }
0x8a: {  	s0 =	sadd.s32 s1, s0  }
0x8b: {  	[smem:$0x3FC6] =	sst s0  }
0x8c: {  	_ = 	snop  }
0x8d: {  	s0 =	sld [smem:$0x3FC9]  }
0x8e: {  	s17 =	sld [smem:$0x3FC8]  }
0x8f: {  	s2 =	sld [smem:$0x3FD0];
	(tm) =	ssettm $0x1  }
0x90: {  	s3 =	sld [smem:$0x3FFB];
	_ =	sdelay $0x3  }
0x91: {  	_ =	strace s3  }
0x92: {  	s3 =	sld [smem:$0x3FFC];
	_ =	sdelay $0x3  }
0x93: {  	_ =	strace s3  }
0x94: {  	s3 =	sld [smem:$0x3FFD];
	_ =	sdelay $0x3  }
0x95: {  	_ =	strace s3  }
0x96: {  	_ =	strace $0x8FFFFFFF  }
0x97: {  	s18 =	sld [smem:$0x3FDB];
	_ =	sdelay $0x1  }
0x98: {  	s4 =	simm.s32 $_scs_section_size  }
0x99: {  	s5 =	simm.s32 $_size__tile_overlayer_lowered;
	s6 =	simm.s32 $_tile_overlayer_lowered  }
0x9a: {  	s21 =	simm.s32 $0x1BFF;
	s20 =	sshll.u32 s6, $0x1;
	s3 =	sadd.s32 s4, s18  }
0x9b: {  	s7 =	simm.s32 $0x0;
	s19 =	sshll.u32 s5, $0x1;
	s5 =	sadd.s32 s20, s3  }
0x9c: {  	[timem:s7], [sflag:s21] =	dma.local [hbm:s5], s19  }
0x9d: {  	_ =	swait.ge [sflag:s21], s19  }
0x9e: {  	s4 =	ssub.s32 $0x0, s19;
	[sflag:s21] =	ssyncset.done $0x0  }
0x9f: {  	[sflag:s21] =	ssyncadd.s32 s4;
	_ =	sdelay $0x1  }
0xa0: {  	s22 =	simm.s32 $0x1B8B  }
0xa1: {  	_ =	swait.ge [sflag:s22], $0x1  }
0xa2: {  	[sflag:s22] =	ssyncset.done $0x0  }
0xa3: {  	s23 =	simm.s32 $0x1B8E;
	[sflag:s22] =	ssyncadd.s32 $0xFFFFFFFF  }
0xa4: {  	s24 =	simm.s32 $execute0_lowered;
	[smem:$0x3FD2] =	sst s23  }
0xa5: {  	s4 =	sshll.u32 s24, $0x1;
	_ =	strace $0x80000046;
	[dreg:$0x1] =	wrdreg $0xFFFFFFFF  }
0xa6: {  	s25 =	simm.s32 $_size_execute0_lowered;
	s3 =	sadd.s32 s3, s4;
	[dreg:$0x0] =	wrdreg $0x0  }
0xa7: {  	s4 =	sshll.u32 s25, $0x1;
	[dreg:$0x2] =	wrdreg s3  }
0xa8: {  	[dreg:$0x3] =	wrdreg s4  }
0xa9: {  	[dreg:$0x4] =	wrdreg $0xC0  }
0xaa: {  	_ =	task [dreg:s7], $0x5FFFF  }
0xab: {  	[dreg:$0x1] =	wrdreg $0xFFFFFFFF  }
0xac: {  	[dreg:$0x0] =	wrdreg $0x60  }
0xad: {  	[dreg:$0x2] =	wrdreg s0  }
0xae: {  	[dreg:$0x3] =	wrdreg s17  }
0xaf: {  	[dreg:$0x4] =	wrdreg s2  }
0xb0: {  	[dreg:$0x5] =	wrdreg $0x9  }
0xb1: {  	_ =	task.clear_ibuf [dreg:s7], $0x6FFFF;
	_ =	strace $0x90000046  }
0xb2: {  	s26 =	simm.s32 $0x9;
	_ =	strace $0x80000048  }
0xb3: {  	_ =	swait.ge [sflag:s26], $0x1  }
0xb4: {  	[sflag:s26] =	ssyncadd.s32 $0xFFFFFFFF  }
0xb5: {  	_ =	strace $0x90000048  }
0xb6: {  	_ =	sfence  }
0xb7: {  	s28 =	sld [smem:$0x0];
	_ =	sdelay $0x1  }
0xb8: {  	s29 =	srdreg.scid  }
0xb9: {  	s30 =	sshll.u32 s29, $0xD;
	s31 =	sshrl.u32 s29, $0x2  }
0xba: {  	s1 =	sand.u32 $0x1, s29;
	s2 =	sand.u32 $0x4000, s30;
	s0 =	sadd.s32 s31, s28  }
0xbb: {  	s1 =	sor.u32 s2, s1;
	s0 =	sshll.u32 s0, $0x11  }
0xbc: {  	s0 =	sor.u32 s0, s1  }
0xbd: {  	s0 =	sadd.s32 $0x8F2B, s0  }
0xbe: {  	[sflag:s0] =	ssyncadd.remote.s32 $0x1  }
0xbf: {  	_ =	sfence.sel $0xFFFF  }
0xc0: {  	[dreg:$0x0] =	wrdreg $0xFFFFFFFF;
	(pc) =	sbr.abs _section_cstart, $3  }
0xc1: {  	[dreg:$0x1] =	wrdreg $0xFFFFFFFF  }
0xc2: {  	_ =	task.clear_ibuf [dreg:s7], $0x2FFFF;
	_ =	strace $0x9FFFFFFF  }
0xc3: {  	(tm) =	ssettm $0x7FFFFFFF  }
tec
execute0_lowered:
.L_overlay_start_1:
0x0: {  	(tag) =	ssettag $0x1  }
0x1: {  	s1 =	rddreg [dreg:$0x0];
	s0 =	stileid.u32  }
0x2: {  	s3 =	rddreg [dreg:$0x1];
	s30 =	simm.s32 $0x0;
	s2 =	smul.u32 $0x360000, s0  }
0x3: {  	[smem:$0x7FF] =	sst s30  }
0x4: {  	[smem:$0x7FD] =	sst s2;
	s31 =	sshrl.u32 s2, $0x3  }
0x5: {  	s4 =	simm.s32 $0x40;
	_ =	strace $0x80000047;
	s2 =	sadd.s32 s1, s31  }
0x6: {  	v0 =	vimm.f32 $0.0e+00;
	s1 =	sadd.s32 $0x80, s3;
	s3 =	simm.s32 $0x0;
	s0 =	sadd.s32 $0x400, s2  }
.LBB2_1:
0x7: {  	p0 =	sne.s32 s4, $0x23C0;
	[tilespmem:s3+$0x1A000] =	vst v0  }
0x8: {  	[tilespmem:s3+$0xC800] =	vst v0  }
0x9: {  	[tilespmem:s3+$0xD100] =	vst v0  }
0xa: {  	[tilespmem:s3+$0xDA00] =	vst v0  }
0xb: {  	[tilespmem:s3+$0xE300] =	vst v0  }
0xc: {  	[tilespmem:s3+$0xEC00] =	vst v0  }
0xd: {  	[tilespmem:s3+$0xF500] =	vst v0  }
0xe: {  	[tilespmem:s3+$0xFE00] =	vst v0  }
0xf: {  	[tilespmem:s3+$0x10700] =	vst v0  }
0x10: {  	[tilespmem:s3+$0x11000] =	vst v0  }
0x11: {  	[tilespmem:s3+$0x11900] =	vst v0  }
0x12: {  	[tilespmem:s3+$0x12200] =	vst v0  }
0x13: {  	[tilespmem:s3+$0x12B00] =	vst v0  }
0x14: {  	[tilespmem:s3+$0x13400] =	vst v0  }
0x15: {  	[tilespmem:s3+$0x13D00] =	vst v0  }
0x16: {  	[tilespmem:s3+$0x14600] =	vst v0  }
0x17: {  	[tilespmem:s3+$0x14F00] =	vst v0  }
0x18: {  	[tilespmem:s3+$0x15800] =	vst v0  }
0x19: {  	[tilespmem:s3+$0x16100] =	vst v0  }
0x1a: {  	[tilespmem:s3+$0x16A00] =	vst v0  }
.Ltmp0:
0x1b: {  	[tilespmem:s3+$0x17300] =	vst v0;
	(pc) =	sbr.rel @p0 .LBB2_1-.Ltmp0, $4  }
0x1c: {  	[tilespmem:s3+$0x17C00] =	vst v0  }
0x1d: {  	[tilespmem:s3+$0x18500] =	vst v0  }
0x1e: {  	[tilespmem:s3+$0x18E00] =	vst v0  }
0x1f: {  	[tilespmem:s3+$0x19700] =	vst v0;
	s3 =	sshra.s32 s4, $0x2;
	s4 =	sadd.s32 $0x40, s4  }
0x20: {  	[tilespmem:s3+$0x1A000] =	vst v0  }
0x21: {  	[tilespmem:s3+$0xC800] =	vst v0  }
0x22: {  	[tilespmem:s3+$0xD100] =	vst v0  }
0x23: {  	[tilespmem:s3+$0xDA00] =	vst v0  }
0x24: {  	[tilespmem:s3+$0xE300] =	vst v0  }
0x25: {  	[tilespmem:s3+$0xEC00] =	vst v0  }
0x26: {  	[tilespmem:s3+$0xF500] =	vst v0  }
0x27: {  	[tilespmem:s3+$0xFE00] =	vst v0  }
0x28: {  	[tilespmem:s3+$0x10700] =	vst v0  }
0x29: {  	[tilespmem:s3+$0x11000] =	vst v0  }
0x2a: {  	[tilespmem:s3+$0x11900] =	vst v0  }
0x2b: {  	[tilespmem:s3+$0x12200] =	vst v0  }
0x2c: {  	[tilespmem:s3+$0x12B00] =	vst v0  }
0x2d: {  	[tilespmem:s3+$0x13400] =	vst v0  }
0x2e: {  	[tilespmem:s3+$0x13D00] =	vst v0  }
0x2f: {  	[tilespmem:s3+$0x14600] =	vst v0  }
0x30: {  	[tilespmem:s3+$0x14F00] =	vst v0  }
0x31: {  	[tilespmem:s3+$0x15800] =	vst v0  }
0x32: {  	[tilespmem:s3+$0x16100] =	vst v0  }
0x33: {  	[tilespmem:s3+$0x16A00] =	vst v0  }
0x34: {  	[tilespmem:s3+$0x17300] =	vst v0;
	s22 =	simm.s32 $0x0;
	s23 =	rddreg [dreg:$0x1];
	s4 =	simm.s32 $0x2000  }
0x35: {  	[tilespmem:s3+$0x17C00] =	vst v0;
	s5 =	simm.s32 $0x120000;
	s24 =	simm.s32 $0x800;
	s25 =	simm.s32 $0x400  }
0x36: {  	[tilespmem:s3+$0x18500] =	vst v0;
	s26 =	simm.s32 $0x6800;
	s21 =	simm.s32 $0x1A000;
	s11 =	simm.s32 $0xDA00  }
0x37: {  	[tilespmem:s3+$0x18E00] =	vst v0;
	s28 =	simm.s32 $0xE300;
	s29 =	simm.s32 $0xEC00;
	s30 =	simm.s32 $0xF500  }
0x38: {  	[tilespmem:s3+$0x19700] =	vst v0;
	s13 =	simm.s32 $0x11000;
	s14 =	simm.s32 $0x11900;
	s15 =	simm.s32 $0x12200  }
0x39: {  	[tilespmem:s22], [sflag:$0x1] =	stream.linear.gather [hbm4b:s23+s22], $0x400, $0x38;
	[tilespmem:$0x1A900] =	vst v63  }
0x3a: {  	s16 =	simm.s32 $0x12B00;
	s17 =	simm.s32 $0x13400;
	s18 =	simm.s32 $0x13D00  }
0x3b: {  	[tilespmem:s24], [sflag:$0x1] =	stream.strided.gather [hbm4b:s2+s4], $0x6000, s5, s4, $0x38;
	[tilespmem:$0x1A900] =	vst v63  }
0x3c: {  	s19 =	simm.s32 $0x14600;
	s20 =	simm.s32 $0x14F00;
	s31 =	simm.s32 $0x0  }
0x3d: {  	[tilespmem:s25], [sflag:$0x2] =	stream.linear.gather [hbm4b:s1+s22], $0x400, $0x38;
	[tilespmem:$0x1A900] =	vst v63  }
0x3e: {  	s12 =	simm.s32 $0x17300;
	[smem:$0x7FC] =	sst s31;
	s24 =	simm.s32 $0x10700  }
0x3f: {  	v0 =	vimm.f32 $1.000000000e+00;
	[tilespmem:s26], [sflag:$0x2] =	stream.strided.gather [hbm4b:s0+s4], $0x6000, s5, s4, $0x38;
	[tilespmem:$0x1A900] =	vst v63  }
.LBB2_3:
0x40: {  	s1 =	simm.s32 $0x1  }
0x41: {  	_ =	swait.ge [sflag:s1], $0x400  }
0x42: {  	[sflag:s1] =	ssyncset.done $0x0  }
0x43: {  	[sflag:s1] =	ssyncadd.s32 $0xFFFFFC00  }
0x44: {  	_ =	swait.ge [sflag:s1], $0x6000  }
0x45: {  	s0 =	sand.u32 $0x40, s22;
	[sflag:s1] =	ssyncset.done $0x0  }
0x46: {  	s4 =	sand.u32 $0x380, s22;
	s3 =	sor.u32 $0x30, s0;
	[sflag:s1] =	ssyncadd.s32 $0xFFFFA000  }
0x47: {  	s2 =	sor.u32 s3, s4;
	v1 =	vld [tilespmem:s22+$0x0]  }
0x48: {  	s1 =	sor.u32 $0x10, s0;
	v4 =	vld [tilespmem:s2+$0x0]  }
0x49: {  	s5 =	sor.u32 s1, s4  }
0x4a: {  	s2 =	sor.u32 $0x20, s0;
	v3 =	vld [tilespmem:s5+$0x0]  }
0x4b: {  	s4 =	sor.u32 s2, s4  }
0x4c: {  	v2 =	vld [tilespmem:s4+$0x0];
	_ =	sdelay $0x1  }
0x4d: {  	s4 =	sand.u32 $0x1C00, s22  }
0x4e: {  	s23 =	sadd.s32 $0x800, s4;
	[tilespmem:v1+s21+$0x0] =	vst.idx.add.f32.msk $0xffff, v0  }
0x4f: {  	s6 =	sor.u32 s3, s23;
	[tilespmem:v4+s21+$0x0] =	vst.idx.add.f32.msk $0xffff, v0  }
0x50: {  	v5 =	vld [tilespmem:s6+$0x0]  }
0x51: {  	s5 =	sor.u32 s0, s23;
	[tilespmem:v3+s21+$0x0] =	vst.idx.add.f32.msk $0xffff, v0  }
0x52: {  	v8 =	vld [tilespmem:s5+$0x0]  }
0x53: {  	s7 =	sor.u32 s1, s23;
	[tilespmem:v2+s21+$0x0] =	vst.idx.add.f32.msk $0xffff, v0  }
0x54: {  	s8 =	sor.u32 s2, s23;
	v6 =	vld [tilespmem:s7+$0x0]  }
0x55: {  	s10 =	simm.s32 $0xC800;
	v7 =	vld [tilespmem:s8+$0x0]  }
0x56: {  	[tilespmem:v4+s10+$0x0] =	vst.idx.add.f32.msk $0xffff, v5  }
0x57: {  	[tilespmem:v1+s10+$0x0] =	vst.idx.add.f32.msk $0xffff, v8  }
0x58: {  	v5 =	vld [tilespmem:s6+$0x80]  }
0x59: {  	[tilespmem:v3+s10+$0x0] =	vst.idx.add.f32.msk $0xffff, v6  }
0x5a: {  	v8 =	vld [tilespmem:s5+$0x80]  }
0x5b: {  	[tilespmem:v2+s10+$0x0] =	vst.idx.add.f32.msk $0xffff, v7  }
0x5c: {  	v6 =	vld [tilespmem:s7+$0x80]  }
0x5d: {  	s9 =	simm.s32 $0xD100;
	v7 =	vld [tilespmem:s8+$0x80]  }
0x5e: {  	[tilespmem:v4+s9+$0x0] =	vst.idx.add.f32.msk $0xffff, v5  }
0x5f: {  	[tilespmem:v1+s9+$0x0] =	vst.idx.add.f32.msk $0xffff, v8  }
0x60: {  	v5 =	vld [tilespmem:s6+$0x100]  }
0x61: {  	[tilespmem:v3+s9+$0x0] =	vst.idx.add.f32.msk $0xffff, v6  }
0x62: {  	v8 =	vld [tilespmem:s5+$0x100]  }
0x63: {  	[tilespmem:v2+s9+$0x0] =	vst.idx.add.f32.msk $0xffff, v7  }
0x64: {  	v6 =	vld [tilespmem:s7+$0x100]  }
0x65: {  	v7 =	vld [tilespmem:s8+$0x100]  }
0x66: {  	[tilespmem:v4+s11+$0x0] =	vst.idx.add.f32.msk $0xffff, v5  }
0x67: {  	p0 =	por $0x0, $0x0;
	v5 =	vld [tilespmem:s6+$0x180];
	s6 =	simm.s32 $0x1  }
0x68: {  	[tilespmem:v1+s11+$0x0] =	vst.idx.add.f32.msk $0xffff, v8;
	s6 =	simm.s32 @!p0 $0x0  }
0x69: {  	[tilespmem:v3+s11+$0x0] =	vst.idx.add.f32.msk $0xffff, v6;
	s6 =	sshll.u32 s6, $0x6  }
0x6a: {  	v8 =	vld [tilespmem:s5+$0x180];
	s9 =	sadd.s32 $0x0, s6  }
0x6b: {  	v6 =	vld [tilespmem:s7+$0x180];
	s6 =	sadd.s32 $0x30, s9  }
0x6c: {  	[tilespmem:v4+s28+$0x0] =	vst.idx.add.f32.msk $0xffff, v5;
	s25 =	sor.u32 $0x200, s6  }
0x6d: {  	v5 =	vld [tilespmem:s25+$0x800]  }
0x6e: {  	[tilespmem:v2+s11+$0x0] =	vst.idx.add.f32.msk $0xffff, v7  }
0x6f: {  	v7 =	vld [tilespmem:s8+$0x180]  }
0x70: {  	[tilespmem:v1+s28+$0x0] =	vst.idx.add.f32.msk $0xffff, v8  }
0x71: {  	[tilespmem:v3+s28+$0x0] =	vst.idx.add.f32.msk $0xffff, v6  }
0x72: {  	s26 =	sor.u32 $0x280, s6;
	[tilespmem:v4+s29+$0x0] =	vst.idx.add.f32.msk $0xffff, v5  }
0x73: {  	s23 =	sor.u32 $0x200, s9;
	v5 =	vld [tilespmem:s26+$0x800]  }
0x74: {  	s5 =	sadd.s32 $0x10, s9;
	v8 =	vld [tilespmem:s23+$0x800]  }
0x75: {  	s7 =	sadd.s32 $0x20, s9;
	s10 =	sor.u32 $0x200, s5;
	[tilespmem:v2+s28+$0x0] =	vst.idx.add.f32.msk $0xffff, v7  }
0x76: {  	s11 =	sor.u32 $0x200, s7;
	v6 =	vld [tilespmem:s10+$0x800]  }
0x77: {  	v7 =	vld [tilespmem:s11+$0x800]  }
0x78: {  	s8 =	sor.u32 $0x300, s6;
	[tilespmem:v4+s30+$0x0] =	vst.idx.add.f32.msk $0xffff, v5  }
0x79: {  	v5 =	vld [tilespmem:s8+$0x800]  }
0x7a: {  	[tilespmem:v1+s29+$0x0] =	vst.idx.add.f32.msk $0xffff, v8  }
0x7b: {  	s23 =	sor.u32 $0x280, s9;
	[tilespmem:v3+s29+$0x0] =	vst.idx.add.f32.msk $0xffff, v6  }
0x7c: {  	s26 =	sor.u32 $0x280, s5;
	v8 =	vld [tilespmem:s23+$0x800]  }
0x7d: {  	s25 =	simm.s32 $0xFE00;
	v6 =	vld [tilespmem:s26+$0x800]  }
0x7e: {  	s6 =	sor.u32 $0x380, s6;
	[tilespmem:v4+s25+$0x0] =	vst.idx.add.f32.msk $0xffff, v5  }
0x7f: {  	v5 =	vld [tilespmem:s6+$0x800]  }
0x80: {  	s11 =	sor.u32 $0x280, s7;
	[tilespmem:v2+s29+$0x0] =	vst.idx.add.f32.msk $0xffff, v7  }
0x81: {  	v7 =	vld [tilespmem:s11+$0x800]  }
0x82: {  	[tilespmem:v1+s30+$0x0] =	vst.idx.add.f32.msk $0xffff, v8  }
0x83: {  	s8 =	sadd.s32 $0x2800, s4;
	[tilespmem:v3+s30+$0x0] =	vst.idx.add.f32.msk $0xffff, v6  }
0x84: {  	s10 =	sor.u32 s3, s8;
	[tilespmem:v4+s24+$0x0] =	vst.idx.add.f32.msk $0xffff, v5  }
0x85: {  	s9 =	sor.u32 $0x300, s9;
	v5 =	vld [tilespmem:s10+$0x0]  }
0x86: {  	s11 =	sor.u32 $0x300, s5;
	v8 =	vld [tilespmem:s9+$0x800]  }
0x87: {  	v6 =	vld [tilespmem:s11+$0x800]  }
0x88: {  	s23 =	sor.u32 $0x300, s7;
	[tilespmem:v2+s30+$0x0] =	vst.idx.add.f32.msk $0xffff, v7  }
0x89: {  	v7 =	vld [tilespmem:s23+$0x800];
	s10 =	sadd.s32 $0x2880, s4  }
0x8a: {  	s26 =	sor.u32 s3, s10;
	[tilespmem:v4+s13+$0x0] =	vst.idx.add.f32.msk $0xffff, v5  }
0x8b: {  	v5 =	vld [tilespmem:s26+$0x0]  }
0x8c: {  	s11 =	sor.u32 $0x380, s5;
	[tilespmem:v3+s25+$0x0] =	vst.idx.add.f32.msk $0xffff, v6  }
0x8d: {  	v6 =	vld [tilespmem:s11+$0x800]  }
0x8e: {  	s7 =	sor.u32 $0x380, s7;
	[tilespmem:v2+s25+$0x0] =	vst.idx.add.f32.msk $0xffff, v7  }
0x8f: {  	s6 =	sadd.s32 $0x2900, s4;
	v7 =	vld [tilespmem:s7+$0x800]  }
0x90: {  	s26 =	sor.u32 s3, s6;
	[tilespmem:v4+s14+$0x0] =	vst.idx.add.f32.msk $0xffff, v5  }
0x91: {  	v5 =	vld [tilespmem:s26+$0x0]  }
0x92: {  	s11 =	sor.u32 s1, s8;
	[tilespmem:v3+s24+$0x0] =	vst.idx.add.f32.msk $0xffff, v6  }
0x93: {  	v6 =	vld [tilespmem:s11+$0x0]  }
0x94: {  	[tilespmem:v1+s25+$0x0] =	vst.idx.add.f32.msk $0xffff, v8  }
0x95: {  	s5 =	sadd.s32 $0x2980, s4;
	[tilespmem:v2+s24+$0x0] =	vst.idx.add.f32.msk $0xffff, v7  }
0x96: {  	s23 =	sor.u32 s3, s5;
	[tilespmem:v4+s15+$0x0] =	vst.idx.add.f32.msk $0xffff, v5  }
0x97: {  	s26 =	sor.u32 s22, s22;
	v5 =	vld [tilespmem:s23+$0x0]  }
0x98: {  	[tilespmem:v3+s13+$0x0] =	vst.idx.add.f32.msk $0xffff, v6;
	s9 =	sor.u32 $0x380, s26  }
0x99: {  	s25 =	sor.u32 s1, s10;
	v8 =	vld [tilespmem:s9+$0x800]  }
0x9a: {  	v6 =	vld [tilespmem:s25+$0x0];
	s23 =	sor.u32 s2, s8  }
0x9b: {  	s22 =	sadd.s32 $0x2A00, s4;
	v7 =	vld [tilespmem:s23+$0x0]  }
0x9c: {  	s9 =	sor.u32 s3, s22;
	[tilespmem:v4+s16+$0x0] =	vst.idx.add.f32.msk $0xffff, v5  }
0x9d: {  	v5 =	vld [tilespmem:s9+$0x0]  }
0x9e: {  	s8 =	sor.u32 s0, s8;
	[tilespmem:v1+s24+$0x0] =	vst.idx.add.f32.msk $0xffff, v8  }
0x9f: {  	v8 =	vld [tilespmem:s8+$0x0]  }
0xa0: {  	[tilespmem:v3+s14+$0x0] =	vst.idx.add.f32.msk $0xffff, v6  }
0xa1: {  	s11 =	sadd.s32 $0x2A80, s4;
	[tilespmem:v2+s13+$0x0] =	vst.idx.add.f32.msk $0xffff, v7  }
0xa2: {  	s24 =	sor.u32 s3, s11;
	[tilespmem:v4+s17+$0x0] =	vst.idx.add.f32.msk $0xffff, v5  }
0xa3: {  	v5 =	vld [tilespmem:s24+$0x0]  }
0xa4: {  	s8 =	sor.u32 s2, s10;
	[tilespmem:v1+s13+$0x0] =	vst.idx.add.f32.msk $0xffff, v8  }
0xa5: {  	s10 =	sor.u32 s0, s10;
	v7 =	vld [tilespmem:s8+$0x0]  }
0xa6: {  	s23 =	sor.u32 s1, s6;
	v8 =	vld [tilespmem:s10+$0x0]  }
0xa7: {  	v6 =	vld [tilespmem:s23+$0x0];
	s9 =	sadd.s32 $0x2B00, s4  }
0xa8: {  	s26 =	sor.u32 s3, s9;
	[tilespmem:v4+s18+$0x0] =	vst.idx.add.f32.msk $0xffff, v5  }
0xa9: {  	v5 =	vld [tilespmem:s26+$0x0]  }
0xaa: {  	[tilespmem:v2+s14+$0x0] =	vst.idx.add.f32.msk $0xffff, v7  }
0xab: {  	s24 =	sor.u32 s2, s6;
	[tilespmem:v1+s14+$0x0] =	vst.idx.add.f32.msk $0xffff, v8  }
0xac: {  	s6 =	sor.u32 s0, s6;
	v7 =	vld [tilespmem:s24+$0x0]  }
0xad: {  	s10 =	sadd.s32 $0x2B80, s4;
	v8 =	vld [tilespmem:s6+$0x0]  }
0xae: {  	s13 =	sor.u32 s3, s10;
	[tilespmem:v4+s19+$0x0] =	vst.idx.add.f32.msk $0xffff, v5  }
0xaf: {  	v5 =	vld [tilespmem:s13+$0x0]  }
0xb0: {  	[tilespmem:v3+s15+$0x0] =	vst.idx.add.f32.msk $0xffff, v6  }
0xb1: {  	s26 =	sor.u32 s1, s5;
	[tilespmem:v2+s15+$0x0] =	vst.idx.add.f32.msk $0xffff, v7  }
0xb2: {  	v6 =	vld [tilespmem:s26+$0x0]  }
0xb3: {  	s7 =	sadd.s32 $0x4800, s4;
	[tilespmem:v1+s15+$0x0] =	vst.idx.add.f32.msk $0xffff, v8  }
0xb4: {  	s25 =	sor.u32 s3, s7;
	[tilespmem:v4+s20+$0x0] =	vst.idx.add.f32.msk $0xffff, v5  }
0xb5: {  	s14 =	sor.u32 s2, s5;
	v5 =	vld [tilespmem:s25+$0x0]  }
0xb6: {  	s5 =	sor.u32 s0, s5;
	v7 =	vld [tilespmem:s14+$0x0]  }
0xb7: {  	v8 =	vld [tilespmem:s5+$0x0]  }
0xb8: {  	[tilespmem:v3+s16+$0x0] =	vst.idx.add.f32.msk $0xffff, v6;
	s25 =	sor.u32 s1, s22  }
0xb9: {  	s8 =	sadd.s32 $0x4880, s4;
	s24 =	simm.s32 $0x15800;
	v6 =	vld [tilespmem:s25+$0x0]  }
0xba: {  	s13 =	sor.u32 s3, s8;
	[tilespmem:v4+s24+$0x0] =	vst.idx.add.f32.msk $0xffff, v5  }
0xbb: {  	v5 =	vld [tilespmem:s13+$0x0]  }
0xbc: {  	s26 =	sor.u32 s2, s22;
	[tilespmem:v2+s16+$0x0] =	vst.idx.add.f32.msk $0xffff, v7  }
0xbd: {  	v7 =	vld [tilespmem:s26+$0x0]  }
0xbe: {  	s25 =	sor.u32 s1, s11;
	[tilespmem:v3+s17+$0x0] =	vst.idx.add.f32.msk $0xffff, v6  }
0xbf: {  	s15 =	simm.s32 $0x16100;
	s5 =	sadd.s32 $0x4900, s4;
	v6 =	vld [tilespmem:s25+$0x0]  }
0xc0: {  	s23 =	sor.u32 s3, s5;
	[tilespmem:v4+s15+$0x0] =	vst.idx.add.f32.msk $0xffff, v5  }
0xc1: {  	v5 =	vld [tilespmem:s23+$0x0]  }
0xc2: {  	[tilespmem:v1+s16+$0x0] =	vst.idx.add.f32.msk $0xffff, v8;
	s23 =	sor.u32 s0, s22  }
0xc3: {  	v8 =	vld [tilespmem:s23+$0x0]  }
0xc4: {  	[tilespmem:v2+s17+$0x0] =	vst.idx.add.f32.msk $0xffff, v7  }
0xc5: {  	s6 =	sadd.s32 $0x4980, s4;
	s16 =	simm.s32 $0x16A00;
	[tilespmem:v3+s18+$0x0] =	vst.idx.add.f32.msk $0xffff, v6  }
0xc6: {  	s14 =	sor.u32 s3, s6;
	[tilespmem:v4+s16+$0x0] =	vst.idx.add.f32.msk $0xffff, v5  }
0xc7: {  	v5 =	vld [tilespmem:s14+$0x0]  }
0xc8: {  	s14 =	sor.u32 s2, s11;
	[tilespmem:v1+s17+$0x0] =	vst.idx.add.f32.msk $0xffff, v8  }
0xc9: {  	s11 =	sor.u32 s0, s11;
	v7 =	vld [tilespmem:s14+$0x0]  }
0xca: {  	s25 =	sor.u32 s1, s9;
	v8 =	vld [tilespmem:s11+$0x0]  }
0xcb: {  	s22 =	sadd.s32 $0x4A00, s4;
	v6 =	vld [tilespmem:s25+$0x0]  }
0xcc: {  	s26 =	sor.u32 s3, s22;
	[tilespmem:v4+s12+$0x0] =	vst.idx.add.f32.msk $0xffff, v5  }
0xcd: {  	v5 =	vld [tilespmem:s26+$0x0]  }
0xce: {  	[tilespmem:v2+s18+$0x0] =	vst.idx.add.f32.msk $0xffff, v7  }
0xcf: {  	s26 =	sor.u32 s2, s9;
	[tilespmem:v1+s18+$0x0] =	vst.idx.add.f32.msk $0xffff, v8  }
0xd0: {  	s9 =	sor.u32 s0, s9;
	v7 =	vld [tilespmem:s26+$0x0]  }
0xd1: {  	v8 =	vld [tilespmem:s9+$0x0]  }
0xd2: {  	s17 =	simm.s32 $0x17C00;
	[tilespmem:v3+s19+$0x0] =	vst.idx.add.f32.msk $0xffff, v6;
	s11 =	sadd.s32 $0x4A80, s4  }
0xd3: {  	s23 =	sor.u32 s3, s11;
	[tilespmem:v4+s17+$0x0] =	vst.idx.add.f32.msk $0xffff, v5  }
0xd4: {  	v5 =	vld [tilespmem:s23+$0x0]  }
0xd5: {  	[tilespmem:v2+s19+$0x0] =	vst.idx.add.f32.msk $0xffff, v7  }
0xd6: {  	s18 =	sor.u32 s2, s10;
	[tilespmem:v1+s19+$0x0] =	vst.idx.add.f32.msk $0xffff, v8  }
0xd7: {  	s17 =	sor.u32 s1, s10;
	s10 =	sor.u32 s0, s10;
	v6 =	vld [tilespmem:s18+$0x0]  }
0xd8: {  	s14 =	simm.s32 $0x18500;
	v7 =	vld [tilespmem:s10+$0x0]  }
0xd9: {  	s13 =	sadd.s32 $0x4B00, s4;
	[tilespmem:v4+s14+$0x0] =	vst.idx.add.f32.msk $0xffff, v5  }
0xda: {  	s23 =	sor.u32 s3, s13;
	v5 =	vld [tilespmem:s17+$0x0]  }
0xdb: {  	v8 =	vld [tilespmem:s23+$0x0]  }
0xdc: {  	[tilespmem:v2+s20+$0x0] =	vst.idx.add.f32.msk $0xffff, v6  }
0xdd: {  	s26 =	sor.u32 s2, s7;
	[tilespmem:v1+s20+$0x0] =	vst.idx.add.f32.msk $0xffff, v7  }
0xde: {  	v6 =	vld [tilespmem:s26+$0x0]  }
0xdf: {  	s25 =	sor.u32 s1, s7;
	[tilespmem:v3+s20+$0x0] =	vst.idx.add.f32.msk $0xffff, v5  }
0xe0: {  	s7 =	sor.u32 s0, s7;
	v5 =	vld [tilespmem:s25+$0x0]  }
0xe1: {  	s10 =	simm.s32 $0x18E00;
	v7 =	vld [tilespmem:s7+$0x0]  }
0xe2: {  	[tilespmem:v4+s10+$0x0] =	vst.idx.add.f32.msk $0xffff, v8  }
0xe3: {  	s17 =	sor.u32 s2, s8;
	[tilespmem:v2+s24+$0x0] =	vst.idx.add.f32.msk $0xffff, v6  }
0xe4: {  	v6 =	vld [tilespmem:s17+$0x0]  }
0xe5: {  	s14 =	sor.u32 s1, s8;
	[tilespmem:v3+s24+$0x0] =	vst.idx.add.f32.msk $0xffff, v5  }
0xe6: {  	v5 =	vld [tilespmem:s14+$0x0]  }
0xe7: {  	s4 =	sadd.s32 $0x4B80, s4;
	s8 =	sor.u32 s0, s8;
	[tilespmem:v1+s24+$0x0] =	vst.idx.add.f32.msk $0xffff, v7  }
0xe8: {  	s3 =	sor.u32 s3, s4;
	v7 =	vld [tilespmem:s8+$0x0]  }
0xe9: {  	v8 =	vld [tilespmem:s3+$0x0]  }
0xea: {  	[tilespmem:v2+s15+$0x0] =	vst.idx.add.f32.msk $0xffff, v6  }
0xeb: {  	s18 =	sor.u32 s1, s5;
	[tilespmem:v3+s15+$0x0] =	vst.idx.add.f32.msk $0xffff, v5  }
0xec: {  	v5 =	vld [tilespmem:s18+$0x0]  }
0xed: {  	s19 =	sor.u32 s2, s5;
	[tilespmem:v1+s15+$0x0] =	vst.idx.add.f32.msk $0xffff, v7  }
0xee: {  	s5 =	sor.u32 s0, s5;
	v6 =	vld [tilespmem:s19+$0x0]  }
0xef: {  	s20 =	simm.s32 $0x19700;
	v7 =	vld [tilespmem:s5+$0x0]  }
0xf0: {  	[tilespmem:v4+s20+$0x0] =	vst.idx.add.f32.msk $0xffff, v8  }
0xf1: {  	s23 =	sor.u32 s1, s6;
	[tilespmem:v3+s16+$0x0] =	vst.idx.add.f32.msk $0xffff, v5  }
0xf2: {  	s31 =	simm.s32 $0x0;
	v4 =	vld [tilespmem:s23+$0x0]  }
0xf3: {  	s9 =	sor.u32 s0, s13;
	s26 =	sor.u32 s1, s22;
	s7 =	sor.u32 s0, s4;
	[tilespmem:v2+s16+$0x0] =	vst.idx.add.f32.msk $0xffff, v6  }
0xf4: {  	s25 =	sor.u32 s2, s6;
	s10 =	sor.u32 s0, s22;
	s24 =	sor.u32 s0, s6;
	[tilespmem:v1+s16+$0x0] =	vst.idx.add.f32.msk $0xffff, v7  }
0xf5: {  	s17 =	sor.u32 s2, s11;
	s6 =	simm.s32 $0x0;
	s14 =	sor.u32 s0, s11;
	v6 =	vld [tilespmem:s24+$0x0]  }
0xf6: {  	s20 =	sor.u32 s1, s13;
	s0 =	sor.u32 s1, s4;
	s19 =	simm.s32 $0x0;
	v5 =	vld [tilespmem:s25+$0x0]  }
0xf7: {  	s5 =	simm.s32 $0xFE00;
	s15 =	sor.u32 s2, s22;
	s18 =	sor.u32 s1, s11;
	[tilespmem:v3+s12+$0x0] =	vst.idx.add.f32.msk $0xffff, v4  }
0xf8: {  	s1 =	sor.u32 s2, s4;
	s16 =	sor.u32 s2, s13;
	s2 =	simm.s32 $0x40;
	v7 =	vld [tilespmem:s26+$0x0]  }
.LBB2_4:
0xf9: {  	_ =	sdelay $0x1  }
0xfa: {  	v4 =	vld [tilespmem:s2+$0x0]  }
0xfb: {  	[tilespmem:v2+s12+$0x0] =	vst.idx.add.f32.msk $0xffff, v5  }
0xfc: {  	[tilespmem:v1+s12+$0x0] =	vst.idx.add.f32.msk $0xffff, v6  }
0xfd: {  	v5 =	vld [tilespmem:s15+$0x0]  }
0xfe: {  	v6 =	vld [tilespmem:s10+$0x0]  }
0xff: {  	s15 =	simm.s32 $0x17C00  }
0x100: {  	[tilespmem:v3+s15+$0x0] =	vst.idx.add.f32.msk $0xffff, v7  }
0x101: {  	v7 =	vld [tilespmem:s18+$0x0]  }
0x102: {  	[tilespmem:v2+s15+$0x0] =	vst.idx.add.f32.msk $0xffff, v5  }
0x103: {  	[tilespmem:v1+s15+$0x0] =	vst.idx.add.f32.msk $0xffff, v6  }
0x104: {  	v5 =	vld [tilespmem:s17+$0x0]  }
0x105: {  	s31 =	sadd.s32 $0x40, s31;
	s18 =	simm.s32 $0x18500;
	v6 =	vld [tilespmem:s14+$0x0]  }
0x106: {  	s8 =	sand.u32 $0x40, s31;
	[tilespmem:v3+s18+$0x0] =	vst.idx.add.f32.msk $0xffff, v7  }
0x107: {  	s11 =	sor.u32 $0x30, s8;
	v7 =	vld [tilespmem:s20+$0x0];
	s20 =	sand.u32 $0x380, s31  }
0x108: {  	[tilespmem:v4+s21+$0x0] =	vst.idx.add.f32.msk $0xffff, v0;
	s3 =	sor.u32 s11, s20  }
0x109: {  	v10 =	vld [tilespmem:s3+$0x0]  }
0x10a: {  	[tilespmem:v2+s18+$0x0] =	vst.idx.add.f32.msk $0xffff, v5  }
0x10b: {  	[tilespmem:v1+s18+$0x0] =	vst.idx.add.f32.msk $0xffff, v6  }
0x10c: {  	s12 =	sor.u32 $0x20, s8;
	v6 =	vld [tilespmem:s16+$0x0]  }
0x10d: {  	[dreg:$0xe] =	wrdreg s2;
	s2 =	sor.u32 s12, s20;
	v9 =	vld [tilespmem:s9+$0x0]  }
0x10e: {  	s4 =	simm.s32 $0x18E00;
	s13 =	sor.u32 $0x10, s8;
	v5 =	vld [tilespmem:s2+$0x0]  }
0x10f: {  	s22 =	sor.u32 s13, s20;
	[tilespmem:v3+s4+$0x0] =	vst.idx.add.f32.msk $0xffff, v7  }
0x110: {  	v8 =	vld [tilespmem:s22+$0x0]  }
0x111: {  	s23 =	simm.s32 $0x18E00;
	v59 =	vld [tilespmem:s0+$0x0]  }
0x112: {  	[tilespmem:v2+s23+$0x0] =	vst.idx.add.f32.msk $0xffff, v6  }
0x113: {  	s6 =	sadd.s32 $0x200, s6;
	[tilespmem:v1+s23+$0x0] =	vst.idx.add.f32.msk $0xffff, v9  }
0x114: {  	s0 =	sand.u32 $0x1C00, s6;
	v7 =	vld [tilespmem:s1+$0x0]  }
0x115: {  	s25 =	sadd.s32 $0x800, s0;
	v6 =	vld [tilespmem:s7+$0x0]  }
0x116: {  	s26 =	sor.u32 s11, s25;
	[tilespmem:v10+s21+$0x0] =	vst.idx.add.f32.msk $0xffff, v0  }
0x117: {  	s7 =	sor.u32 s8, s25;
	v11 =	vld [tilespmem:s26+$0x0]  }
0x118: {  	v14 =	vld [tilespmem:s7+$0x0]  }
0x119: {  	s10 =	sor.u32 s12, s25;
	[tilespmem:v5+s21+$0x0] =	vst.idx.add.f32.msk $0xffff, v0  }
0x11a: {  	v13 =	vld [tilespmem:s10+$0x0]  }
0x11b: {  	s15 =	sor.u32 s13, s25;
	[tilespmem:v8+s21+$0x0] =	vst.idx.add.f32.msk $0xffff, v0  }
0x11c: {  	s9 =	simm.s32 $0xC800;
	v12 =	vld [tilespmem:s15+$0x0]  }
0x11d: {  	[tilespmem:v10+s9+$0x0] =	vst.idx.add.f32.msk $0xffff, v11  }
0x11e: {  	[tilespmem:v4+s9+$0x0] =	vst.idx.add.f32.msk $0xffff, v14  }
0x11f: {  	v11 =	vld [tilespmem:s26+$0x80]  }
0x120: {  	v14 =	vld [tilespmem:s7+$0x80]  }
0x121: {  	[tilespmem:v5+s9+$0x0] =	vst.idx.add.f32.msk $0xffff, v13  }
0x122: {  	v13 =	vld [tilespmem:s10+$0x80]  }
0x123: {  	[tilespmem:v8+s9+$0x0] =	vst.idx.add.f32.msk $0xffff, v12  }
0x124: {  	s14 =	simm.s32 $0xD100;
	v12 =	vld [tilespmem:s15+$0x80]  }
0x125: {  	[tilespmem:v10+s14+$0x0] =	vst.idx.add.f32.msk $0xffff, v11  }
0x126: {  	v11 =	vld [tilespmem:s26+$0x100]  }
0x127: {  	[tilespmem:v4+s14+$0x0] =	vst.idx.add.f32.msk $0xffff, v14  }
0x128: {  	v14 =	vld [tilespmem:s7+$0x100]  }
0x129: {  	[tilespmem:v5+s14+$0x0] =	vst.idx.add.f32.msk $0xffff, v13  }
0x12a: {  	s4 =	simm.s32 $0xDA00;
	v13 =	vld [tilespmem:s10+$0x100]  }
0x12b: {  	[tilespmem:v10+s4+$0x0] =	vst.idx.add.f32.msk $0xffff, v11  }
0x12c: {  	p0 =	por !p0, !p0;
	s2 =	simm.s32 $0x1;
	v11 =	vld [tilespmem:s26+$0x180]  }
0x12d: {  	s2 =	simm.s32 @!p0 $0x0;
	[tilespmem:v8+s14+$0x0] =	vst.idx.add.f32.msk $0xffff, v12  }
0x12e: {  	s2 =	sshll.u32 s2, $0x6;
	v12 =	vld [tilespmem:s15+$0x100]  }
0x12f: {  	s2 =	sadd.s32 s2, s6;
	[tilespmem:v4+s4+$0x0] =	vst.idx.add.f32.msk $0xffff, v14  }
0x130: {  	s20 =	sadd.s32 $0x30, s2;
	v14 =	vld [tilespmem:s7+$0x180]  }
0x131: {  	s21 =	sor.u32 $0x200, s20;
	[tilespmem:v10+s28+$0x0] =	vst.idx.add.f32.msk $0xffff, v11  }
0x132: {  	v11 =	vld [tilespmem:s21+$0x800]  }
0x133: {  	[tilespmem:v5+s4+$0x0] =	vst.idx.add.f32.msk $0xffff, v13  }
0x134: {  	v13 =	vld [tilespmem:s10+$0x180]  }
0x135: {  	s26 =	sadd.s32 $0x20, s2;
	[tilespmem:v8+s4+$0x0] =	vst.idx.add.f32.msk $0xffff, v12  }
0x136: {  	s23 =	sor.u32 $0x200, s26;
	s18 =	sor.u32 $0x280, s26;
	v12 =	vld [tilespmem:s15+$0x180]  }
0x137: {  	s14 =	sor.u32 $0x300, s26;
	s3 =	sor.u32 $0x380, s26;
	s26 =	sor.u32 $0x280, s20;
	[tilespmem:v10+s29+$0x0] =	vst.idx.add.f32.msk $0xffff, v11  }
0x138: {  	s24 =	sor.u32 s6, s31;
	v11 =	vld [tilespmem:s26+$0x800]  }
0x139: {  	s19 =	sadd.s32 $0x4, s19;
	s1 =	sor.u32 $0x380, s24;
	s24 =	sor.u32 $0x200, s2;
	[tilespmem:v4+s28+$0x0] =	vst.idx.add.f32.msk $0xffff, v14  }
0x13a: {  	[dreg:$0xb] =	wrdreg s19;
	v14 =	vld [tilespmem:s24+$0x800]  }
0x13b: {  	p1 =	slt.u32 s19, $0x3C;
	s16 =	sadd.s32 $0x10, s2;
	s19 =	sor.u32 $0x280, s2;
	[tilespmem:v5+s28+$0x0] =	vst.idx.add.f32.msk $0xffff, v13  }
0x13c: {  	s22 =	sor.u32 $0x200, s16;
	s17 =	sor.u32 $0x300, s16;
	s25 =	sor.u32 $0x280, s16;
	v13 =	vld [tilespmem:s23+$0x800]  }
0x13d: {  	s9 =	sor.u32 $0x300, s2;
	s2 =	sor.u32 $0x380, s16;
	s16 =	sor.u32 $0x300, s20;
	[tilespmem:v10+s30+$0x0] =	vst.idx.add.f32.msk $0xffff, v11  }
0x13e: {  	v11 =	vld [tilespmem:s16+$0x800]  }
0x13f: {  	[tilespmem:v8+s28+$0x0] =	vst.idx.add.f32.msk $0xffff, v12  }
0x140: {  	v12 =	vld [tilespmem:s22+$0x800]  }
0x141: {  	[tilespmem:v4+s29+$0x0] =	vst.idx.add.f32.msk $0xffff, v14  }
0x142: {  	v14 =	vld [tilespmem:s19+$0x800]  }
0x143: {  	s20 =	sor.u32 $0x380, s20;
	[tilespmem:v10+s5+$0x0] =	vst.idx.add.f32.msk $0xffff, v11  }
0x144: {  	v11 =	vld [tilespmem:s20+$0x800]  }
0x145: {  	[tilespmem:v5+s29+$0x0] =	vst.idx.add.f32.msk $0xffff, v13  }
0x146: {  	v13 =	vld [tilespmem:s18+$0x800]  }
0x147: {  	[tilespmem:v8+s29+$0x0] =	vst.idx.add.f32.msk $0xffff, v12  }
0x148: {  	s21 =	sadd.s32 $0x2800, s0;
	s28 =	simm.s32 $0x10700;
	v12 =	vld [tilespmem:s25+$0x800]  }
0x149: {  	s22 =	sor.u32 s11, s21;
	[tilespmem:v10+s28+$0x0] =	vst.idx.add.f32.msk $0xffff, v11  }
0x14a: {  	v11 =	vld [tilespmem:s22+$0x0]  }
0x14b: {  	[tilespmem:v4+s30+$0x0] =	vst.idx.add.f32.msk $0xffff, v14  }
0x14c: {  	v14 =	vld [tilespmem:s9+$0x800]  }
0x14d: {  	[tilespmem:v5+s30+$0x0] =	vst.idx.add.f32.msk $0xffff, v13  }
0x14e: {  	s4 =	simm.s32 $0x11000;
	s23 =	sadd.s32 $0x2880, s0;
	v13 =	vld [tilespmem:s14+$0x800]  }
0x14f: {  	s24 =	sor.u32 s11, s23;
	[tilespmem:v10+s4+$0x0] =	vst.idx.add.f32.msk $0xffff, v11  }
0x150: {  	v11 =	vld [tilespmem:s24+$0x0]  }
0x151: {  	[tilespmem:v8+s30+$0x0] =	vst.idx.add.f32.msk $0xffff, v12  }
0x152: {  	v12 =	vld [tilespmem:s17+$0x800]  }
0x153: {  	[tilespmem:v4+s5+$0x0] =	vst.idx.add.f32.msk $0xffff, v14  }
0x154: {  	s29 =	simm.s32 $0x11900;
	s25 =	sadd.s32 $0x2900, s0;
	v14 =	vld [tilespmem:s1+$0x800]  }
0x155: {  	s17 =	sor.u32 s11, s25;
	[tilespmem:v10+s29+$0x0] =	vst.idx.add.f32.msk $0xffff, v11  }
0x156: {  	v11 =	vld [tilespmem:s17+$0x0]  }
0x157: {  	[tilespmem:v5+s5+$0x0] =	vst.idx.add.f32.msk $0xffff, v13  }
0x158: {  	v13 =	vld [tilespmem:s3+$0x800]  }
0x159: {  	[tilespmem:v8+s5+$0x0] =	vst.idx.add.f32.msk $0xffff, v12  }
0x15a: {  	s15 =	sor.u32 s13, s21;
	s19 =	sadd.s32 $0x2980, s0;
	v12 =	vld [tilespmem:s2+$0x800];
	s2 =	simm.s32 $0x12200  }
0x15b: {  	s26 =	sor.u32 s12, s21;
	s16 =	sor.u32 s8, s21;
	s21 =	sor.u32 s11, s19;
	[tilespmem:v10+s2+$0x0] =	vst.idx.add.f32.msk $0xffff, v11  }
0x15c: {  	v11 =	vld [tilespmem:s21+$0x0];
	_ =	sdelay $0x1  }
0x15d: {  	[tilespmem:v4+s28+$0x0] =	vst.idx.add.f32.msk $0xffff, v14  }
0x15e: {  	v14 =	vld [tilespmem:s16+$0x0]  }
0x15f: {  	s3 =	simm.s32 $0x12B00;
	[tilespmem:v5+s28+$0x0] =	vst.idx.add.f32.msk $0xffff, v13;
	s17 =	sadd.s32 $0x2A00, s0  }
0x160: {  	s5 =	sor.u32 s11, s17;
	[tilespmem:v10+s3+$0x0] =	vst.idx.add.f32.msk $0xffff, v11  }
0x161: {  	v11 =	vld [tilespmem:s5+$0x0]  }
0x162: {  	v13 =	vld [tilespmem:s26+$0x0]  }
0x163: {  	[tilespmem:v8+s28+$0x0] =	vst.idx.add.f32.msk $0xffff, v12  }
0x164: {  	v12 =	vld [tilespmem:s15+$0x0]  }
0x165: {  	s9 =	sadd.s32 $0x2A80, s0;
	[tilespmem:v4+s4+$0x0] =	vst.idx.add.f32.msk $0xffff, v14;
	s5 =	simm.s32 $0x13400  }
0x166: {  	s26 =	sor.u32 s11, s9;
	[tilespmem:v10+s5+$0x0] =	vst.idx.add.f32.msk $0xffff, v11  }
0x167: {  	s7 =	sor.u32 s8, s23;
	v11 =	vld [tilespmem:s26+$0x0]  }
0x168: {  	v14 =	vld [tilespmem:s7+$0x0]  }
0x169: {  	s20 =	sor.u32 s13, s23;
	s23 =	sor.u32 s12, s23;
	[tilespmem:v5+s4+$0x0] =	vst.idx.add.f32.msk $0xffff, v13  }
0x16a: {  	v13 =	vld [tilespmem:s23+$0x0]  }
0x16b: {  	s1 =	simm.s32 $0x13D00;
	[tilespmem:v8+s4+$0x0] =	vst.idx.add.f32.msk $0xffff, v12;
	s26 =	sadd.s32 $0x2B00, s0  }
0x16c: {  	s28 =	sor.u32 s11, s26;
	[tilespmem:v10+s1+$0x0] =	vst.idx.add.f32.msk $0xffff, v11  }
0x16d: {  	v11 =	vld [tilespmem:s28+$0x0]  }
0x16e: {  	v12 =	vld [tilespmem:s20+$0x0]  }
0x16f: {  	s18 =	sor.u32 s8, s25;
	[tilespmem:v4+s29+$0x0] =	vst.idx.add.f32.msk $0xffff, v14  }
0x170: {  	s30 =	simm.s32 $0x14600;
	v14 =	vld [tilespmem:s18+$0x0]  }
0x171: {  	s23 =	sadd.s32 $0x2B80, s0;
	[tilespmem:v5+s29+$0x0] =	vst.idx.add.f32.msk $0xffff, v13;
	s20 =	sor.u32 s8, s26;
	s16 =	sor.u32 s13, s26  }
0x172: {  	[smem:$0x7F3] =	sst s20;
	s20 =	sor.u32 s12, s26;
	s26 =	sor.u32 s11, s23;
	[tilespmem:v10+s30+$0x0] =	vst.idx.add.f32.msk $0xffff, v11  }
0x173: {  	s24 =	sor.u32 s13, s25;
	s25 =	sor.u32 s12, s25;
	s7 =	sor.u32 s8, s23;
	v11 =	vld [tilespmem:s26+$0x0]  }
0x174: {  	[smem:$0x7F5] =	sst s7;
	v13 =	vld [tilespmem:s25+$0x0]  }
0x175: {  	s7 =	sor.u32 s13, s23;
	[tilespmem:v8+s29+$0x0] =	vst.idx.add.f32.msk $0xffff, v12;
	s23 =	sor.u32 s12, s23;
	s26 =	sadd.s32 $0x4800, s0  }
0x176: {  	v12 =	vld [tilespmem:s24+$0x0];
	[smem:$0x7F4] =	sst s23;
	s23 =	sor.u32 s8, s26  }
0x177: {  	[tilespmem:v4+s2+$0x0] =	vst.idx.add.f32.msk $0xffff, v14;
	[smem:$0x7F8] =	sst s23;
	s23 =	simm.s32 $0x14F00  }
0x178: {  	s28 =	sor.u32 s11, s26;
	[tilespmem:v10+s23+$0x0] =	vst.idx.add.f32.msk $0xffff, v11  }
0x179: {  	s14 =	sor.u32 s8, s19;
	v11 =	vld [tilespmem:s28+$0x0]  }
0x17a: {  	v14 =	vld [tilespmem:s14+$0x0]  }
0x17b: {  	s22 =	sor.u32 s13, s19;
	s19 =	sor.u32 s12, s19;
	[tilespmem:v5+s2+$0x0] =	vst.idx.add.f32.msk $0xffff, v13  }
0x17c: {  	v13 =	vld [tilespmem:s19+$0x0]  }
0x17d: {  	s4 =	simm.s32 $0x15800;
	s18 =	sadd.s32 $0x4880, s0;
	[tilespmem:v8+s2+$0x0] =	vst.idx.add.f32.msk $0xffff, v12;
	s25 =	sor.u32 s13, s26  }
0x17e: {  	[smem:$0x7F6] =	sst s25;
	s25 =	sor.u32 s11, s18;
	[tilespmem:v10+s4+$0x0] =	vst.idx.add.f32.msk $0xffff, v11  }
0x17f: {  	v11 =	vld [tilespmem:s25+$0x0]  }
0x180: {  	v12 =	vld [tilespmem:s22+$0x0]  }
0x181: {  	s10 =	sor.u32 s13, s17;
	s22 =	sadd.s32 $0x4900, s0;
	[tilespmem:v4+s3+$0x0] =	vst.idx.add.f32.msk $0xffff, v14  }
0x182: {  	s21 =	sor.u32 s8, s17;
	s17 =	sor.u32 s12, s17;
	[tilespmem:v5+s3+$0x0] =	vst.idx.add.f32.msk $0xffff, v13;
	s25 =	sor.u32 s8, s22  }
0x183: {  	v13 =	vld [tilespmem:s17+$0x0];
	[smem:$0x7FA] =	sst s25;
	s25 =	simm.s32 $0x16100  }
0x184: {  	s2 =	sor.u32 s11, s22;
	[tilespmem:v10+s25+$0x0] =	vst.idx.add.f32.msk $0xffff, v11  }
0x185: {  	v11 =	vld [tilespmem:s2+$0x0]  }
0x186: {  	v14 =	vld [tilespmem:s21+$0x0]  }
0x187: {  	[tilespmem:v8+s3+$0x0] =	vst.idx.add.f32.msk $0xffff, v12  }
0x188: {  	v12 =	vld [tilespmem:s10+$0x0]  }
0x189: {  	s3 =	sadd.s32 $0x4980, s0;
	[tilespmem:v5+s5+$0x0] =	vst.idx.add.f32.msk $0xffff, v13;
	s2 =	simm.s32 $0x16A00  }
0x18a: {  	s15 =	sor.u32 s8, s9;
	s14 =	sor.u32 s11, s3;
	[tilespmem:v10+s2+$0x0] =	vst.idx.add.f32.msk $0xffff, v11  }
0x18b: {  	[smem:$0x7F2] =	sst s15;
	s15 =	sor.u32 s13, s9;
	s9 =	sor.u32 s12, s9;
	v11 =	vld [tilespmem:s14+$0x0]  }
0x18c: {  	v13 =	vld [tilespmem:s9+$0x0]  }
0x18d: {  	[tilespmem:v8+s5+$0x0] =	vst.idx.add.f32.msk $0xffff, v12;
	s26 =	sor.u32 s12, s26  }
0x18e: {  	s24 =	sor.u32 s8, s18;
	s17 =	sadd.s32 $0x4A00, s0;
	v12 =	vld [tilespmem:s15+$0x0];
	[smem:$0x7F7] =	sst s26  }
0x18f: {  	[tilespmem:v4+s5+$0x0] =	vst.idx.add.f32.msk $0xffff, v14;
	s26 =	sor.u32 s13, s18;
	s28 =	sor.u32 s12, s18;
	s18 =	simm.s32 $0x17300  }
0x190: {  	s21 =	sor.u32 s11, s17;
	[tilespmem:v10+s18+$0x0] =	vst.idx.add.f32.msk $0xffff, v11  }
0x191: {  	s14 =	sld [smem:$0x7F2];
	v11 =	vld [tilespmem:s21+$0x0]  }
0x192: {  	[tilespmem:v5+s1+$0x0] =	vst.idx.add.f32.msk $0xffff, v13  }
0x193: {  	s10 =	sor.u32 s8, s3;
	[tilespmem:v8+s1+$0x0] =	vst.idx.add.f32.msk $0xffff, v12  }
0x194: {  	s19 =	sor.u32 s13, s17;
	[smem:$0x7FB] =	sst s10;
	s10 =	sor.u32 s8, s17;
	v14 =	vld [tilespmem:s14+$0x0]  }
0x195: {  	s15 =	sor.u32 s12, s17;
	s17 =	sadd.s32 $0x4A80, s0;
	v12 =	vld [tilespmem:s16+$0x0];
	s21 =	simm.s32 $0x17C00  }
0x196: {  	s5 =	sor.u32 s11, s17;
	[tilespmem:v10+s21+$0x0] =	vst.idx.add.f32.msk $0xffff, v11  }
0x197: {  	v11 =	vld [tilespmem:s5+$0x0];
	s5 =	sadd.s32 $0x4B00, s0  }
0x198: {  	v13 =	vld [tilespmem:s20+$0x0];
	s9 =	sor.u32 s8, s5;
	s20 =	sor.u32 s13, s5  }
0x199: {  	[tilespmem:v4+s1+$0x0] =	vst.idx.add.f32.msk $0xffff, v14;
	s1 =	sor.u32 s11, s5;
	s16 =	sor.u32 s12, s5;
	s5 =	sld [smem:$0x7F3]  }
0x19a: {  	_ = 	snop  }
0x19b: {  	[tilespmem:v8+s30+$0x0] =	vst.idx.add.f32.msk $0xffff, v12  }
0x19c: {  	[smem:$0x7F9] =	sst s24;
	s24 =	sor.u32 s13, s22;
	s21 =	simm.s32 $0x18500;
	v14 =	vld [tilespmem:s5+$0x0]  }
0x19d: {  	s29 =	sor.u32 s12, s22;
	s22 =	sor.u32 s13, s3;
	s3 =	sor.u32 s12, s3;
	[tilespmem:v10+s21+$0x0] =	vst.idx.add.f32.msk $0xffff, v11  }
0x19e: {  	s14 =	sor.u32 s8, s17;
	s18 =	sor.u32 s13, s17;
	v11 =	vld [tilespmem:s1+$0x0];
	s1 =	sadd.s32 $0x4B80, s0  }
0x19f: {  	v12 =	vld [tilespmem:s7+$0x0];
	s17 =	sor.u32 s12, s17;
	s7 =	sor.u32 s8, s1;
	s0 =	sor.u32 s13, s1  }
0x1a0: {  	s11 =	sor.u32 s11, s1;
	s1 =	sor.u32 s12, s1;
	s12 =	sld [smem:$0x7F4]  }
0x1a1: {  	[tilespmem:v5+s30+$0x0] =	vst.idx.add.f32.msk $0xffff, v13;
	s13 =	sld [smem:$0x7F5]  }
0x1a2: {  	[tilespmem:v4+s30+$0x0] =	vst.idx.add.f32.msk $0xffff, v14  }
0x1a3: {  	v13 =	vld [tilespmem:s12+$0x0]  }
0x1a4: {  	s8 =	simm.s32 $0x18E00;
	v14 =	vld [tilespmem:s13+$0x0]  }
0x1a5: {  	[tilespmem:v10+s8+$0x0] =	vst.idx.add.f32.msk $0xffff, v11  }
0x1a6: {  	v11 =	vld [tilespmem:s11+$0x0];
	s11 =	sld [smem:$0x7F6];
	_ =	sdelay $0x1  }
0x1a7: {  	[tilespmem:v8+s23+$0x0] =	vst.idx.add.f32.msk $0xffff, v12  }
0x1a8: {  	s12 =	sld [smem:$0x7F7];
	v60 =	vld [tilespmem:s11+$0x0]  }
0x1a9: {  	s13 =	sld [smem:$0x7F8];
	[tilespmem:v5+s23+$0x0] =	vst.idx.add.f32.msk $0xffff, v13  }
0x1aa: {  	[tilespmem:v4+s23+$0x0] =	vst.idx.add.f32.msk $0xffff, v14  }
0x1ab: {  	v61 =	vld [tilespmem:s12+$0x0]  }
0x1ac: {  	s8 =	simm.s32 $0x19700;
	v62 =	vld [tilespmem:s13+$0x0]  }
0x1ad: {  	[tilespmem:v10+s8+$0x0] =	vst.idx.add.f32.msk $0xffff, v11  }
0x1ae: {  	[tilespmem:v8+s4+$0x0] =	vst.idx.add.f32.msk $0xffff, v60  }
0x1af: {  	v10 =	vld [tilespmem:s26+$0x0]  }
0x1b0: {  	[tilespmem:v3+s8+$0x0] =	vst.idx.add.f32.msk $0xffff, v59  }
0x1b1: {  	s23 =	sld [smem:$0x7F9];
	v3 =	vmov v8;
	[tilespmem:v5+s4+$0x0] =	vst.idx.add.f32.msk $0xffff, v61  }
0x1b2: {  	[tilespmem:v4+s4+$0x0] =	vst.idx.add.f32.msk $0xffff, v62  }
0x1b3: {  	v8 =	vld [tilespmem:s28+$0x0]  }
0x1b4: {  	v63 =	vld [tilespmem:s23+$0x0]  }
0x1b5: {  	[tilespmem:v2+s8+$0x0] =	vst.idx.add.f32.msk $0xffff, v7  }
0x1b6: {  	[tilespmem:v3+s25+$0x0] =	vst.idx.add.f32.msk $0xffff, v10  }
0x1b7: {  	v10 =	vld [tilespmem:s24+$0x0]  }
0x1b8: {  	[tilespmem:v5+s25+$0x0] =	vst.idx.add.f32.msk $0xffff, v8;
	s24 =	sld [smem:$0x7FA]  }
0x1b9: {  	[tilespmem:v4+s25+$0x0] =	vst.idx.add.f32.msk $0xffff, v63  }
0x1ba: {  	v2 =	vmov v5;
	v5 =	vld [tilespmem:s29+$0x0]  }
0x1bb: {  	v7 =	vld [tilespmem:s24+$0x0]  }
0x1bc: {  	[tilespmem:v1+s8+$0x0] =	vst.idx.add.f32.msk $0xffff, v6  }
0x1bd: {  	[tilespmem:v3+s2+$0x0] =	vst.idx.add.f32.msk $0xffff, v10  }
0x1be: {  	v8 =	vld [tilespmem:s22+$0x0]  }
0x1bf: {  	s26 =	sld [smem:$0x7FB];
	[tilespmem:v2+s2+$0x0] =	vst.idx.add.f32.msk $0xffff, v5  }
.Ltmp1:
0x1c0: {  	v5 =	vld [tilespmem:s3+$0x0];
	(pc) =	sbr.rel @p1 .LBB2_4-.Ltmp1, $4  }
0x1c1: {  	[tilespmem:v4+s2+$0x0] =	vst.idx.add.f32.msk $0xffff, v7  }
0x1c2: {  	s5 =	simm.s32 $0xFE00;
	s21 =	simm.s32 $0x1A000;
	s12 =	simm.s32 $0x17300;
	v6 =	vld [tilespmem:s26+$0x0]  }
0x1c3: {  	s30 =	simm.s32 $0xF500;
	s28 =	simm.s32 $0xE300;
	s25 =	rddreg [dreg:$0xe];
	[tilespmem:v3+s12+$0x0] =	vst.idx.add.f32.msk $0xffff, v8  }
0x1c4: {  	s29 =	simm.s32 $0xEC00;
	v1 =	vmov v4;
	s2 =	sadd.s32 $0x40, s25;
	v7 =	vld [tilespmem:s19+$0x0];
	s19 =	rddreg [dreg:$0xb]  }
0x1c5: {  	_ =	sdelay $0x3  }
0x1c6: {  	[tilespmem:v2+s12+$0x0] =	vst.idx.add.f32.msk $0xffff, v5  }
0x1c7: {  	v4 =	vld [tilespmem:s15+$0x0]  }
0x1c8: {  	[tilespmem:v1+s12+$0x0] =	vst.idx.add.f32.msk $0xffff, v6  }
0x1c9: {  	s2 =	simm.s32 $0x17C00;
	v5 =	vld [tilespmem:s10+$0x0]  }
0x1ca: {  	[tilespmem:v3+s2+$0x0] =	vst.idx.add.f32.msk $0xffff, v7  }
0x1cb: {  	v6 =	vld [tilespmem:s18+$0x0]  }
0x1cc: {  	[tilespmem:v2+s2+$0x0] =	vst.idx.add.f32.msk $0xffff, v4  }
0x1cd: {  	v4 =	vld [tilespmem:s17+$0x0]  }
0x1ce: {  	[tilespmem:v1+s2+$0x0] =	vst.idx.add.f32.msk $0xffff, v5  }
0x1cf: {  	s15 =	simm.s32 $0x18500;
	v5 =	vld [tilespmem:s14+$0x0]  }
0x1d0: {  	[tilespmem:v3+s15+$0x0] =	vst.idx.add.f32.msk $0xffff, v6  }
0x1d1: {  	v6 =	vld [tilespmem:s20+$0x0]  }
0x1d2: {  	[tilespmem:v2+s15+$0x0] =	vst.idx.add.f32.msk $0xffff, v4  }
0x1d3: {  	v4 =	vld [tilespmem:s16+$0x0]  }
0x1d4: {  	[tilespmem:v1+s15+$0x0] =	vst.idx.add.f32.msk $0xffff, v5  }
0x1d5: {  	v5 =	vld [tilespmem:s9+$0x0]  }
0x1d6: {  	s16 =	simm.s32 $0x18E00  }
0x1d7: {  	[tilespmem:v3+s16+$0x0] =	vst.idx.add.f32.msk $0xffff, v6  }
0x1d8: {  	[tilespmem:v2+s16+$0x0] =	vst.idx.add.f32.msk $0xffff, v4  }
0x1d9: {  	v4 =	vld [tilespmem:s0+$0x0]  }
0x1da: {  	[tilespmem:v1+s16+$0x0] =	vst.idx.add.f32.msk $0xffff, v5  }
0x1db: {  	v5 =	vld [tilespmem:s1+$0x0];
	s17 =	sld [smem:$0x7FC]  }
0x1dc: {  	v6 =	vld [tilespmem:s7+$0x0];
	_ =	sdelay $0x1  }
0x1dd: {  	[tilespmem:v3+s8+$0x0] =	vst.idx.add.f32.msk $0xffff, v4;
	s1 =	sshll.u32 s17, $0x4;
	p0 =	seq.s32 s17, $0x47  }
0x1de: {  	[smem:$0x7F0] =	sst s1;
	s0 =	sadd.s32 @!p0 $0x10, s1  }
0x1df: {  	s2 =	rddreg [dreg:$0x1];
	[tilespmem:v2+s8+$0x0] =	vst.idx.add.f32.msk $0xffff, v5;
	s1 =	sshll.u32 @!p0 s0, $0x4  }
0x1e0: {  	[tilespmem:v1+s8+$0x0] =	vst.idx.add.f32.msk $0xffff, v6;
	s1 =	sadd.s32 @!p0 s2, s1;
	s2 =	simm.s32 @!p0 $0x0  }
0x1e1: {  	[tilespmem:s2], [sflag:$0x1] =	stream.linear.gather @!p0 [hbm4b:s1+s2], $0x400, $0x38;
	[tilespmem:$0x1A900] =	vst v63  }
0x1e2: {  	s1 =	sld [smem:$0x7FD];
	_ =	sdelay $0x1  }
0x1e3: {  	s0 =	sshll.u32 @!p0 s0, $0xA  }
0x1e4: {  	s18 =	simm.s32 $0x2;
	s0 =	sadd.s32 @!p0 s1, s0  }
0x1e5: {  	s3 =	simm.s32 @!p0 $0x800;
	s1 =	rddreg [dreg:$0x0];
	s0 =	sshrl.u32 @!p0 s0, $0x3  }
0x1e6: {  	s2 =	simm.s32 @!p0 $0x120000;
	s0 =	sadd.s32 @!p0 s1, s0;
	s1 =	simm.s32 @!p0 $0x2000  }
0x1e7: {  	[tilespmem:s3], [sflag:$0x1] =	stream.strided.gather @!p0 [hbm4b:s0+s1], $0x6000, s2, s1, $0x38;
	[tilespmem:$0x1A900] =	vst v63  }
0x1e8: {  	_ =	swait.ge [sflag:s18], $0x400  }
0x1e9: {  	[sflag:s18] =	ssyncset.done $0x0  }
0x1ea: {  	s19 =	simm.s32 $0x0;
	[sflag:s18] =	ssyncadd.s32 $0xFFFFFC00  }
0x1eb: {  	s20 =	sand.u32 $0x380, s19;
	s0 =	sand.u32 $0x40, s19;
	_ =	swait.ge [sflag:s18], $0x6000  }
0x1ec: {  	s1 =	sor.u32 $0x400, s20;
	s20 =	sor.u32 $0x30, s0;
	[sflag:s18] =	ssyncset.done $0x0  }
0x1ed: {  	s22 =	sor.u32 s20, s1;
	[sflag:s18] =	ssyncadd.s32 $0xFFFFA000  }
0x1ee: {  	v1 =	vld [tilespmem:s22+$0x0];
	_ =	sdelay $0x5  }
0x1ef: {  	s2 =	sand.u32 $0x1C00, s19  }
0x1f0: {  	s13 =	sadd.s32 $0x6800, s2  }
0x1f1: {  	s6 =	sor.u32 s20, s13;
	[tilespmem:v1+s21+$0x0] =	vst.idx.add.f32.msk $0xffff, v0  }
0x1f2: {  	v2 =	vld [tilespmem:s6+$0x0];
	_ =	sdelay $0x3  }
0x1f3: {  	s4 =	sor.u32 $0x10, s0;
	s22 =	simm.s32 $0xC800  }
0x1f4: {  	s5 =	sor.u32 s4, s1;
	[tilespmem:v1+s22+$0x0] =	vst.idx.add.f32.msk $0xffff, v2  }
0x1f5: {  	v2 =	vld [tilespmem:s5+$0x0]  }
0x1f6: {  	v3 =	vld [tilespmem:s6+$0x80];
	_ =	sdelay $0x3  }
0x1f7: {  	s16 =	simm.s32 $0xD100;
	s5 =	sor.u32 $0x20, s0  }
0x1f8: {  	s1 =	sor.u32 s5, s1;
	[tilespmem:v1+s16+$0x0] =	vst.idx.add.f32.msk $0xffff, v3  }
0x1f9: {  	v3 =	vld [tilespmem:s1+$0x0]  }
0x1fa: {  	v4 =	vld [tilespmem:s6+$0x100]  }
0x1fb: {  	s24 =	sor.u32 s4, s13;
	[tilespmem:v2+s21+$0x0] =	vst.idx.add.f32.msk $0xffff, v0  }
0x1fc: {  	v5 =	vld [tilespmem:s24+$0x0];
	_ =	sdelay $0x1  }
0x1fd: {  	s3 =	simm.s32 $0xDA00  }
0x1fe: {  	[tilespmem:v1+s3+$0x0] =	vst.idx.add.f32.msk $0xffff, v4  }
0x1ff: {  	v6 =	vld [tilespmem:s6+$0x180]  }
0x200: {  	p1 =	por $0x0, $0x0;
	s7 =	simm.s32 $0x1;
	[tilespmem:v2+s22+$0x0] =	vst.idx.add.f32.msk $0xffff, v5  }
0x201: {  	s7 =	simm.s32 @!p1 $0x0;
	[tilespmem:v3+s21+$0x0] =	vst.idx.add.f32.msk $0xffff, v0  }
0x202: {  	s26 =	sshll.u32 s7, $0x6;
	s11 =	sor.u32 s5, s13;
	v5 =	vld [tilespmem:s24+$0x80]  }
0x203: {  	s6 =	sadd.s32 $0x0, s26;
	v7 =	vld [tilespmem:s11+$0x0]  }
0x204: {  	s31 =	sadd.s32 $0x30, s6  }
0x205: {  	s9 =	sor.u32 $0x200, s31;
	[tilespmem:v1+s28+$0x0] =	vst.idx.add.f32.msk $0xffff, v6  }
0x206: {  	v6 =	vld [tilespmem:s9+$0x6800]  }
0x207: {  	[tilespmem:v2+s16+$0x0] =	vst.idx.add.f32.msk $0xffff, v5  }
0x208: {  	[tilespmem:v3+s22+$0x0] =	vst.idx.add.f32.msk $0xffff, v7  }
0x209: {  	v5 =	vld [tilespmem:s24+$0x100]  }
0x20a: {  	v7 =	vld [tilespmem:s11+$0x80];
	_ =	sdelay $0x1  }
0x20b: {  	s14 =	sor.u32 $0x280, s31;
	[tilespmem:v1+s29+$0x0] =	vst.idx.add.f32.msk $0xffff, v6  }
0x20c: {  	v6 =	vld [tilespmem:s14+$0x6800]  }
0x20d: {  	[tilespmem:v2+s3+$0x0] =	vst.idx.add.f32.msk $0xffff, v5  }
0x20e: {  	[tilespmem:v3+s16+$0x0] =	vst.idx.add.f32.msk $0xffff, v7  }
0x20f: {  	v5 =	vld [tilespmem:s24+$0x180]  }
0x210: {  	v7 =	vld [tilespmem:s11+$0x100];
	_ =	sdelay $0x1  }
0x211: {  	s15 =	sor.u32 $0x300, s31;
	[tilespmem:v1+s30+$0x0] =	vst.idx.add.f32.msk $0xffff, v6  }
0x212: {  	v6 =	vld [tilespmem:s15+$0x6800]  }
0x213: {  	s17 =	sadd.s32 $0x10, s6;
	[tilespmem:v2+s28+$0x0] =	vst.idx.add.f32.msk $0xffff, v5  }
0x214: {  	s18 =	sor.u32 $0x200, s17;
	[tilespmem:v3+s3+$0x0] =	vst.idx.add.f32.msk $0xffff, v7  }
0x215: {  	v5 =	vld [tilespmem:s18+$0x6800]  }
0x216: {  	s25 =	simm.s32 $0x400;
	v7 =	vld [tilespmem:s11+$0x180]  }
0x217: {  	s23 =	simm.s32 $0xFE00;
	v4 =	vld [tilespmem:s25+$0x0]  }
0x218: {  	s7 =	sor.u32 $0x380, s31;
	[tilespmem:v1+s23+$0x0] =	vst.idx.add.f32.msk $0xffff, v6  }
0x219: {  	v6 =	vld [tilespmem:s7+$0x6800]  }
0x21a: {  	[tilespmem:v2+s29+$0x0] =	vst.idx.add.f32.msk $0xffff, v5  }
0x21b: {  	s19 =	sor.u32 $0x280, s17;
	s11 =	sadd.s32 $0x20, s6;
	[tilespmem:v3+s28+$0x0] =	vst.idx.add.f32.msk $0xffff, v7  }
0x21c: {  	s25 =	sor.u32 $0x200, s11;
	v5 =	vld [tilespmem:s19+$0x6800]  }
0x21d: {  	v7 =	vld [tilespmem:s25+$0x6800]  }
0x21e: {  	s24 =	simm.s32 $0x10700;
	s7 =	sadd.s32 $0x8800, s2  }
0x21f: {  	s23 =	sor.u32 s20, s7;
	[tilespmem:v1+s24+$0x0] =	vst.idx.add.f32.msk $0xffff, v6  }
0x220: {  	v6 =	vld [tilespmem:s23+$0x0]  }
0x221: {  	[tilespmem:v2+s30+$0x0] =	vst.idx.add.f32.msk $0xffff, v5  }
0x222: {  	s26 =	sor.u32 $0x300, s17;
	[tilespmem:v3+s29+$0x0] =	vst.idx.add.f32.msk $0xffff, v7  }
0x223: {  	s15 =	sor.u32 $0x280, s11;
	v5 =	vld [tilespmem:s26+$0x6800]  }
0x224: {  	v7 =	vld [tilespmem:s15+$0x6800]  }
0x225: {  	s8 =	sadd.s32 $0x8880, s2;
	s14 =	simm.s32 $0x11000  }
0x226: {  	s31 =	sor.u32 s20, s8;
	[tilespmem:v1+s14+$0x0] =	vst.idx.add.f32.msk $0xffff, v6  }
0x227: {  	s15 =	simm.s32 $0xFE00;
	v6 =	vld [tilespmem:s31+$0x0]  }
0x228: {  	[tilespmem:v2+s15+$0x0] =	vst.idx.add.f32.msk $0xffff, v5  }
0x229: {  	s1 =	sor.u32 $0x380, s17;
	[tilespmem:v3+s30+$0x0] =	vst.idx.add.f32.msk $0xffff, v7  }
0x22a: {  	s19 =	sor.u32 $0x300, s11;
	v5 =	vld [tilespmem:s1+$0x6800]  }
0x22b: {  	v7 =	vld [tilespmem:s19+$0x6800]  }
0x22c: {  	s9 =	sadd.s32 $0x8900, s2;
	s18 =	simm.s32 $0x11900  }
0x22d: {  	s17 =	sor.u32 s20, s9;
	[tilespmem:v1+s18+$0x0] =	vst.idx.add.f32.msk $0xffff, v6  }
0x22e: {  	v6 =	vld [tilespmem:s17+$0x0];
	s17 =	simm.s32 $0x10700  }
0x22f: {  	[tilespmem:v2+s17+$0x0] =	vst.idx.add.f32.msk $0xffff, v5  }
0x230: {  	s24 =	sor.u32 s4, s7;
	[tilespmem:v3+s15+$0x0] =	vst.idx.add.f32.msk $0xffff, v7  }
0x231: {  	s14 =	sor.u32 $0x380, s11;
	v5 =	vld [tilespmem:s24+$0x0]  }
0x232: {  	v7 =	vld [tilespmem:s14+$0x6800]  }
0x233: {  	s10 =	sadd.s32 $0x8980, s2;
	s31 =	simm.s32 $0x12200  }
0x234: {  	s25 =	sor.u32 s20, s10;
	[tilespmem:v1+s31+$0x0] =	vst.idx.add.f32.msk $0xffff, v6  }
0x235: {  	s23 =	simm.s32 $0x11000;
	v6 =	vld [tilespmem:s25+$0x0]  }
0x236: {  	[tilespmem:v2+s23+$0x0] =	vst.idx.add.f32.msk $0xffff, v5  }
0x237: {  	s18 =	sor.u32 s4, s8;
	[tilespmem:v3+s17+$0x0] =	vst.idx.add.f32.msk $0xffff, v7  }
0x238: {  	s31 =	sor.u32 s5, s7;
	v5 =	vld [tilespmem:s18+$0x0]  }
0x239: {  	v7 =	vld [tilespmem:s31+$0x0]  }
0x23a: {  	s24 =	sadd.s32 $0x8A00, s2;
	s25 =	simm.s32 $0x12B00  }
0x23b: {  	s19 =	sor.u32 s20, s24;
	[tilespmem:v1+s25+$0x0] =	vst.idx.add.f32.msk $0xffff, v6  }
0x23c: {  	s26 =	simm.s32 $0x11900;
	v6 =	vld [tilespmem:s19+$0x0]  }
0x23d: {  	[tilespmem:v2+s26+$0x0] =	vst.idx.add.f32.msk $0xffff, v5  }
0x23e: {  	s1 =	sor.u32 s4, s9;
	[tilespmem:v3+s23+$0x0] =	vst.idx.add.f32.msk $0xffff, v7  }
0x23f: {  	s17 =	sor.u32 s5, s8;
	v5 =	vld [tilespmem:s1+$0x0]  }
0x240: {  	v7 =	vld [tilespmem:s17+$0x0]  }
0x241: {  	s11 =	sadd.s32 $0x8A80, s2;
	s19 =	simm.s32 $0x13400  }
0x242: {  	s15 =	sor.u32 s20, s11;
	[tilespmem:v1+s19+$0x0] =	vst.idx.add.f32.msk $0xffff, v6  }
0x243: {  	s1 =	simm.s32 $0x12200;
	v6 =	vld [tilespmem:s15+$0x0]  }
0x244: {  	[tilespmem:v2+s1+$0x0] =	vst.idx.add.f32.msk $0xffff, v5  }
0x245: {  	s18 =	sor.u32 s4, s10;
	[tilespmem:v3+s26+$0x0] =	vst.idx.add.f32.msk $0xffff, v7  }
0x246: {  	s31 =	sor.u32 s5, s9;
	v5 =	vld [tilespmem:s18+$0x0]  }
0x247: {  	v7 =	vld [tilespmem:s31+$0x0]  }
0x248: {  	[tilespmem:v4+s21+$0x0] =	vst.idx.add.f32.msk $0xffff, v0;
	s14 =	sadd.s32 $0x8B00, s2;
	s17 =	simm.s32 $0x13D00  }
0x249: {  	s25 =	sor.u32 s20, s14;
	[tilespmem:v1+s17+$0x0] =	vst.idx.add.f32.msk $0xffff, v6  }
0x24a: {  	v6 =	vld [tilespmem:s25+$0x0];
	s25 =	simm.s32 $0x12B00  }
0x24b: {  	[tilespmem:v2+s25+$0x0] =	vst.idx.add.f32.msk $0xffff, v5  }
0x24c: {  	s18 =	sor.u32 s4, s24;
	[tilespmem:v3+s1+$0x0] =	vst.idx.add.f32.msk $0xffff, v7  }
0x24d: {  	s31 =	sor.u32 s5, s10;
	v5 =	vld [tilespmem:s18+$0x0]  }
0x24e: {  	s18 =	simm.s32 $0x14600;
	v7 =	vld [tilespmem:s31+$0x0]  }
0x24f: {  	s15 =	sor.u32 s0, s13;
	[tilespmem:v1+s18+$0x0] =	vst.idx.add.f32.msk $0xffff, v6  }
0x250: {  	v6 =	vld [tilespmem:s15+$0x0];
	_ =	sdelay $0x1  }
0x251: {  	[tilespmem:v2+s19+$0x0] =	vst.idx.add.f32.msk $0xffff, v5  }
0x252: {  	s1 =	sor.u32 s4, s11;
	[tilespmem:v3+s25+$0x0] =	vst.idx.add.f32.msk $0xffff, v7  }
0x253: {  	v5 =	vld [tilespmem:s1+$0x0]  }
0x254: {  	[tilespmem:v4+s22+$0x0] =	vst.idx.add.f32.msk $0xffff, v6  }
0x255: {  	s22 =	sor.u32 s5, s24;
	v6 =	vld [tilespmem:s15+$0x80]  }
0x256: {  	v7 =	vld [tilespmem:s22+$0x0];
	_ =	sdelay $0x1  }
0x257: {  	s31 =	sor.u32 s4, s14;
	[tilespmem:v2+s17+$0x0] =	vst.idx.add.f32.msk $0xffff, v5  }
0x258: {  	v5 =	vld [tilespmem:s31+$0x0]  }
0x259: {  	[tilespmem:v4+s16+$0x0] =	vst.idx.add.f32.msk $0xffff, v6  }
0x25a: {  	[tilespmem:v3+s19+$0x0] =	vst.idx.add.f32.msk $0xffff, v7  }
0x25b: {  	s1 =	sor.u32 s5, s11;
	v6 =	vld [tilespmem:s15+$0x100]  }
0x25c: {  	s13 =	sadd.s32 $0x8B80, s2;
	v7 =	vld [tilespmem:s1+$0x0]  }
0x25d: {  	s19 =	sor.u32 s4, s13;
	[tilespmem:v2+s18+$0x0] =	vst.idx.add.f32.msk $0xffff, v5  }
0x25e: {  	v5 =	vld [tilespmem:s19+$0x0];
	s19 =	sor.u32 s20, s13  }
0x25f: {  	v8 =	vld [tilespmem:s19+$0x0]  }
0x260: {  	[tilespmem:v4+s3+$0x0] =	vst.idx.add.f32.msk $0xffff, v6  }
0x261: {  	[tilespmem:v3+s17+$0x0] =	vst.idx.add.f32.msk $0xffff, v7  }
0x262: {  	s25 =	sor.u32 s5, s14;
	v6 =	vld [tilespmem:s15+$0x180]  }
0x263: {  	s15 =	sadd.s32 $0xA800, s2;
	v7 =	vld [tilespmem:s25+$0x0];
	s25 =	simm.s32 $0x14F00  }
0x264: {  	s31 =	sor.u32 s4, s15;
	[tilespmem:v2+s25+$0x0] =	vst.idx.add.f32.msk $0xffff, v5  }
0x265: {  	v5 =	vld [tilespmem:s31+$0x0]  }
0x266: {  	[tilespmem:v1+s25+$0x0] =	vst.idx.add.f32.msk $0xffff, v8  }
0x267: {  	s1 =	sor.u32 $0x200, s6;
	[tilespmem:v4+s28+$0x0] =	vst.idx.add.f32.msk $0xffff, v6  }
0x268: {  	v6 =	vld [tilespmem:s1+$0x6800]  }
0x269: {  	s3 =	sor.u32 s5, s13;
	[tilespmem:v3+s18+$0x0] =	vst.idx.add.f32.msk $0xffff, v7  }
0x26a: {  	s16 =	sadd.s32 $0xA880, s2;
	s31 =	simm.s32 $0x15800;
	v7 =	vld [tilespmem:s3+$0x0]  }
0x26b: {  	s18 =	sor.u32 s4, s16;
	[tilespmem:v2+s31+$0x0] =	vst.idx.add.f32.msk $0xffff, v5  }
0x26c: {  	v5 =	vld [tilespmem:s18+$0x0]  }
0x26d: {  	[tilespmem:v4+s29+$0x0] =	vst.idx.add.f32.msk $0xffff, v6;
	s29 =	sor.u32 $0x280, s6  }
0x26e: {  	v6 =	vld [tilespmem:s29+$0x6800]  }
0x26f: {  	s1 =	sor.u32 s5, s15;
	[tilespmem:v3+s25+$0x0] =	vst.idx.add.f32.msk $0xffff, v7  }
0x270: {  	s19 =	simm.s32 $0x16100;
	s18 =	sadd.s32 $0xA900, s2;
	v7 =	vld [tilespmem:s1+$0x0]  }
0x271: {  	s3 =	sor.u32 s4, s18;
	[tilespmem:v2+s19+$0x0] =	vst.idx.add.f32.msk $0xffff, v5  }
0x272: {  	v5 =	vld [tilespmem:s3+$0x0]  }
0x273: {  	s6 =	sor.u32 $0x300, s6;
	[tilespmem:v4+s30+$0x0] =	vst.idx.add.f32.msk $0xffff, v6  }
0x274: {  	v6 =	vld [tilespmem:s6+$0x6800]  }
0x275: {  	s29 =	sor.u32 s5, s16;
	[tilespmem:v3+s31+$0x0] =	vst.idx.add.f32.msk $0xffff, v7  }
0x276: {  	s25 =	simm.s32 $0x16A00;
	s6 =	sadd.s32 $0xA980, s2;
	v7 =	vld [tilespmem:s29+$0x0]  }
0x277: {  	s3 =	simm.s32 $0x0;
	s30 =	sor.u32 s4, s6;
	[tilespmem:v2+s25+$0x0] =	vst.idx.add.f32.msk $0xffff, v5  }
0x278: {  	s29 =	sor.u32 s3, s3;
	v5 =	vld [tilespmem:s30+$0x0];
	s30 =	simm.s32 $0xFE00  }
0x279: {  	s3 =	sor.u32 $0x380, s29;
	[tilespmem:v4+s30+$0x0] =	vst.idx.add.f32.msk $0xffff, v6  }
0x27a: {  	v6 =	vld [tilespmem:s3+$0x6800]  }
0x27b: {  	s1 =	sor.u32 s5, s18;
	[tilespmem:v3+s19+$0x0] =	vst.idx.add.f32.msk $0xffff, v7  }
0x27c: {  	s17 =	sadd.s32 $0xAA00, s2;
	v7 =	vld [tilespmem:s1+$0x0]  }
0x27d: {  	s29 =	sor.u32 s4, s17;
	[tilespmem:v2+s12+$0x0] =	vst.idx.add.f32.msk $0xffff, v5  }
0x27e: {  	s30 =	sor.u32 s0, s7;
	s7 =	simm.s32 $0x10700;
	v5 =	vld [tilespmem:s29+$0x0]  }
0x27f: {  	[tilespmem:v4+s7+$0x0] =	vst.idx.add.f32.msk $0xffff, v6  }
0x280: {  	v6 =	vld [tilespmem:s30+$0x0]  }
0x281: {  	s19 =	sor.u32 s5, s6;
	[tilespmem:v3+s25+$0x0] =	vst.idx.add.f32.msk $0xffff, v7  }
0x282: {  	s7 =	sadd.s32 $0xAA80, s2;
	v7 =	vld [tilespmem:s19+$0x0];
	s19 =	simm.s32 $0x17C00  }
0x283: {  	s29 =	sor.u32 s4, s7;
	[tilespmem:v2+s19+$0x0] =	vst.idx.add.f32.msk $0xffff, v5  }
0x284: {  	v5 =	vld [tilespmem:s29+$0x0]  }
0x285: {  	s30 =	sor.u32 s0, s8;
	[tilespmem:v4+s23+$0x0] =	vst.idx.add.f32.msk $0xffff, v6  }
0x286: {  	v6 =	vld [tilespmem:s30+$0x0]  }
0x287: {  	s1 =	sor.u32 s5, s17;
	[tilespmem:v3+s12+$0x0] =	vst.idx.add.f32.msk $0xffff, v7  }
0x288: {  	s8 =	sadd.s32 $0xAB00, s2;
	s29 =	simm.s32 $0x18500;
	v7 =	vld [tilespmem:s1+$0x0]  }
0x289: {  	s23 =	sor.u32 s4, s8;
	[tilespmem:v2+s29+$0x0] =	vst.idx.add.f32.msk $0xffff, v5  }
0x28a: {  	v5 =	vld [tilespmem:s23+$0x0]  }
0x28b: {  	s25 =	sor.u32 s0, s9;
	[tilespmem:v4+s26+$0x0] =	vst.idx.add.f32.msk $0xffff, v6  }
0x28c: {  	v6 =	vld [tilespmem:s25+$0x0]  }
0x28d: {  	s26 =	sor.u32 s5, s7;
	[tilespmem:v3+s19+$0x0] =	vst.idx.add.f32.msk $0xffff, v7  }
0x28e: {  	s28 =	sor.u32 s0, s24;
	s1 =	simm.s32 $0x18E00;
	v7 =	vld [tilespmem:s26+$0x0]  }
0x28f: {  	s24 =	simm.s32 $0x12200;
	s30 =	sor.u32 s20, s15;
	s23 =	sor.u32 s20, s18;
	[tilespmem:v2+s1+$0x0] =	vst.idx.add.f32.msk $0xffff, v5  }
0x290: {  	s9 =	sor.u32 s0, s10;
	s2 =	sadd.s32 $0xAB80, s2;
	v5 =	vld [tilespmem:s30+$0x0];
	[dreg:$0x10] =	wrdreg s23  }
0x291: {  	s10 =	sor.u32 s5, s8;
	s26 =	sor.u32 s0, s11;
	s30 =	sor.u32 s0, s13;
	[tilespmem:v4+s24+$0x0] =	vst.idx.add.f32.msk $0xffff, v6  }
0x292: {  	s11 =	sor.u32 s5, s2;
	s5 =	sor.u32 s0, s15;
	[dreg:$0xf] =	wrdreg s30  }
0x293: {  	s13 =	sor.u32 s20, s6;
	[dreg:$0xc] =	wrdreg s5  }
0x294: {  	s25 =	sor.u32 s0, s14;
	s14 =	sor.u32 s0, s16;
	[dreg:$0xd] =	wrdreg s13  }
0x295: {  	s15 =	sor.u32 s20, s17;
	v8 =	vld [tilespmem:s9+$0x0];
	[dreg:$0x9] =	wrdreg s14  }
0x296: {  	s12 =	sor.u32 s20, s16;
	s16 =	sor.u32 s20, s7;
	[dreg:$0xa] =	wrdreg s15  }
0x297: {  	[dreg:$0x5] =	wrdreg s16  }
0x298: {  	s19 =	sor.u32 s0, s18;
	[tilespmem:v3+s29+$0x0] =	vst.idx.add.f32.msk $0xffff, v7  }
0x299: {  	s23 =	sor.u32 s0, s6;
	[dreg:$0x8] =	wrdreg s19  }
0x29a: {  	s24 =	sor.u32 s20, s8;
	[dreg:$0x7] =	wrdreg s23  }
0x29b: {  	p1 =	por !p1, !p1;
	s29 =	sor.u32 s0, s17;
	[dreg:$0x4] =	wrdreg s24  }
0x29c: {  	s22 =	simm.s32 $0xD100;
	s30 =	sor.u32 s20, s2;
	v6 =	vld [tilespmem:s10+$0x0];
	[dreg:$0x6] =	wrdreg s29  }
0x29d: {  	s3 =	simm.s32 $0x0;
	s4 =	sor.u32 s4, s2;
	[smem:$0x7F1] =	sst s30  }
0x29e: {  	s18 =	simm.s32 $0x440;
	s1 =	simm.s32 $0x18E00;
	s13 =	sor.u32 s0, s2;
	[tilespmem:v1+s31+$0x0] =	vst.idx.add.f32.msk $0xffff, v5  }
0x29f: {  	s20 =	simm.s32 $0x40;
	s15 =	sor.u32 s0, s7;
	s31 =	simm.s32 $0x12B00;
	v9 =	vld [tilespmem:s12+$0x0]  }
0x2a0: {  	s14 =	sor.u32 s0, s8;
	s17 =	simm.s32 $0x13400;
	s19 =	simm.s32 $0x200;
	[tilespmem:v4+s31+$0x0] =	vst.idx.add.f32.msk $0xffff, v8  }
.LBB2_6:
0x2a1: {  	_ =	sdelay $0x2  }
0x2a2: {  	[tilespmem:v3+s1+$0x0] =	vst.idx.add.f32.msk $0xffff, v6  }
0x2a3: {  	v6 =	vld [tilespmem:s28+$0x0]  }
0x2a4: {  	s6 =	sand.u32 $0x40, s20;
	s0 =	sand.u32 $0x380, s20  }
0x2a5: {  	s5 =	sor.u32 $0x10, s6;
	s0 =	sor.u32 $0x400, s0  }
0x2a6: {  	v5 =	vld [tilespmem:s4+$0x0];
	s31 =	sor.u32 s5, s0  }
0x2a7: {  	[smem:$0x7CC] =	sst s15;
	v7 =	vld [tilespmem:s31+$0x0]  }
0x2a8: {  	[smem:$0x7CE] =	sst s14;
	s12 =	sor.u32 $0x20, s6;
	s4 =	sor.u32 $0x30, s6;
	[tilespmem:v4+s17+$0x0] =	vst.idx.add.f32.msk $0xffff, v6  }
0x2a9: {  	s2 =	sor.u32 s12, s0;
	s0 =	sor.u32 s4, s0;
	v12 =	vld [tilespmem:s26+$0x0];
	s26 =	sand.u32 $0x1C00, s19  }
0x2aa: {  	[smem:$0x7CF] =	sst s13;
	v8 =	vld [tilespmem:s0+$0x0];
	s30 =	sadd.s32 $0x8800, s26  }
0x2ab: {  	v10 =	vld [tilespmem:s2+$0x0];
	s2 =	simm.s32 $0x16100;
	s1 =	sadd.s32 $0x8880, s26;
	s9 =	sor.u32 s4, s30  }
0x2ac: {  	s7 =	sadd.s32 $0x6800, s26;
	s10 =	sor.u32 s4, s1;
	[smem:$0x7CD] =	sst s9  }
0x2ad: {  	s29 =	sadd.s32 $0x8900, s26;
	s15 =	sor.u32 s5, s30;
	[smem:$0x7D0] =	sst s10  }
0x2ae: {  	s28 =	sadd.s32 $0x8980, s26;
	s16 =	sor.u32 s5, s1;
	[smem:$0x7D2] =	sst s15  }
0x2af: {  	v11 =	vld [tilespmem:s11+$0x0];
	s0 =	sor.u32 s6, s7;
	s17 =	sor.u32 s4, s29;
	[smem:$0x7D4] =	sst s16  }
0x2b0: {  	[tilespmem:v1+s2+$0x0] =	vst.idx.add.f32.msk $0xffff, v9;
	s8 =	sor.u32 s12, s7;
	s23 =	sor.u32 s5, s29;
	[smem:$0x7D1] =	sst s17  }
0x2b1: {  	[tilespmem:v7+s21+$0x0] =	vst.idx.add.f32.msk $0xffff, v0;
	s13 =	sor.u32 s4, s7;
	s24 =	sor.u32 s12, s30;
	[smem:$0x7D7] =	sst s23  }
0x2b2: {  	[tilespmem:v8+s21+$0x0] =	vst.idx.add.f32.msk $0xffff, v0;
	s11 =	sor.u32 s5, s7;
	s7 =	sor.u32 s5, s28;
	[smem:$0x7D6] =	sst s24  }
0x2b3: {  	[tilespmem:v10+s21+$0x0] =	vst.idx.add.f32.msk $0xffff, v0;
	s21 =	sor.u32 s4, s28;
	[smem:$0x7DA] =	sst s7  }
0x2b4: {  	s9 =	sor.u32 s12, s1;
	[smem:$0x7D3] =	sst s21  }
0x2b5: {  	s2 =	sadd.s32 $0x8A80, s26;
	s10 =	sor.u32 s12, s29;
	[smem:$0x7D9] =	sst s9  }
0x2b6: {  	s15 =	sor.u32 s4, s2;
	[smem:$0x7DC] =	sst s10  }
0x2b7: {  	s1 =	sor.u32 s6, s1;
	[smem:$0x7D8] =	sst s15  }
0x2b8: {  	s29 =	sor.u32 s6, s29;
	[dreg:$0x19] =	wrdreg s1  }
0x2b9: {  	s21 =	sor.u32 s12, s28;
	[dreg:$0x16] =	wrdreg s29  }
0x2ba: {  	s10 =	sor.u32 s12, s2;
	[smem:$0x7DE] =	sst s21  }
0x2bb: {  	s14 =	simm.s32 $0x13D00;
	v6 =	vld [tilespmem:s18+$0x0];
	s29 =	sor.u32 s6, s28;
	[smem:$0x7E2] =	sst s10  }
0x2bc: {  	[tilespmem:v4+s14+$0x0] =	vst.idx.add.f32.msk $0xffff, v12;
	s14 =	sadd.s32 $0x8A00, s26;
	s21 =	sor.u32 s5, s2;
	[dreg:$0x15] =	wrdreg s29  }
0x2bd: {  	s31 =	sor.u32 s4, s14;
	[smem:$0x7DF] =	sst s21  }
0x2be: {  	s17 =	sor.u32 s5, s14;
	[smem:$0x7D5] =	sst s31  }
0x2bf: {  	s24 =	sor.u32 s12, s14;
	[smem:$0x7DD] =	sst s17  }
0x2c0: {  	v13 =	vld [tilespmem:s25+$0x0];
	s25 =	sadd.s32 $0x8B00, s26;
	[smem:$0x7E0] =	sst s24  }
0x2c1: {  	v9 =	vld [tilespmem:s13+$0x0];
	s23 =	sor.u32 s5, s25;
	s17 =	rddreg [dreg:$0x10]  }
0x2c2: {  	s16 =	simm.s32 $0x19700;
	v14 =	vld [tilespmem:s8+$0x0];
	s31 =	sor.u32 s4, s25;
	[smem:$0x7E1] =	sst s23  }
0x2c3: {  	[tilespmem:v3+s16+$0x0] =	vst.idx.add.f32.msk $0xffff, v11;
	s15 =	sadd.s32 $0x8B80, s26;
	s16 =	sor.u32 s12, s25;
	[smem:$0x7DB] =	sst s31  }
0x2c4: {  	s24 =	sor.u32 s4, s15;
	[smem:$0x7E4] =	sst s16  }
0x2c5: {  	[smem:$0x7EA] =	sst s24  }
0x2c6: {  	s9 =	simm.s32 $0xC800;
	s25 =	sor.u32 s6, s25;
	s24 =	rddreg [dreg:$0xf]  }
0x2c7: {  	[tilespmem:v8+s9+$0x0] =	vst.idx.add.f32.msk $0xffff, v9;
	s23 =	sor.u32 s12, s15;
	s16 =	sadd.s32 $0xA880, s26;
	[smem:$0x7EE] =	sst s25  }
0x2c8: {  	v3 =	vmov v10;
	v10 =	vld [tilespmem:s17+$0x0];
	[smem:$0x7E8] =	sst s23;
	s17 =	sadd.s32 $0xA800, s26;
	s23 =	sor.u32 s12, s16  }
0x2c9: {  	v57 =	vld [tilespmem:s11+$0x0];
	s31 =	simm.s32 $0x14600;
	s10 =	sor.u32 s5, s17;
	[dreg:$0x1f] =	wrdreg s23  }
0x2ca: {  	s21 =	sor.u32 s12, s17;
	[tilespmem:v4+s31+$0x0] =	vst.idx.add.f32.msk $0xffff, v13;
	s31 =	sadd.s32 $0xA900, s26;
	[smem:$0x7E5] =	sst s10  }
0x2cb: {  	[smem:$0x7EB] =	sst s21;
	s10 =	sor.u32 s5, s31  }
0x2cc: {  	s21 =	sadd.s32 $0xA980, s26;
	s23 =	sor.u32 s12, s31;
	[smem:$0x7EC] =	sst s10  }
0x2cd: {  	v11 =	vld [tilespmem:s24+$0x0];
	s24 =	sor.u32 s5, s21;
	[dreg:$0x1d] =	wrdreg s23  }
0x2ce: {  	[smem:$0x7ED] =	sst s24;
	s10 =	sor.u32 s12, s21  }
0x2cf: {  	s7 =	sadd.s32 $0xAA00, s26;
	[tilespmem:v7+s9+$0x0] =	vst.idx.add.f32.msk $0xffff, v57;
	s23 =	sor.u32 s6, s30;
	[dreg:$0x18] =	wrdreg s10  }
0x2d0: {  	[tilespmem:v3+s9+$0x0] =	vst.idx.add.f32.msk $0xffff, v14;
	s9 =	sadd.s32 $0xAA80, s26;
	[dreg:$0x1b] =	wrdreg s23;
	s23 =	sor.u32 s5, s7  }
0x2d1: {  	v9 =	vld [tilespmem:s13+$0x80];
	s24 =	simm.s32 $0x16A00;
	s10 =	sor.u32 s5, s15;
	[dreg:$0x1e] =	wrdreg s23  }
0x2d2: {  	[tilespmem:v1+s24+$0x0] =	vst.idx.add.f32.msk $0xffff, v10;
	s24 =	sor.u32 s5, s9;
	[smem:$0x7E3] =	sst s10  }
0x2d3: {  	[dreg:$0x1a] =	wrdreg s24  }
0x2d4: {  	s15 =	sor.u32 s6, s15;
	s24 =	rddreg [dreg:$0xd]  }
0x2d5: {  	s10 =	sor.u32 s12, s7;
	[dreg:$0xf] =	wrdreg s15  }
0x2d6: {  	v59 =	vld [tilespmem:s11+$0x80];
	s23 =	sor.u32 s4, s17;
	[dreg:$0x17] =	wrdreg s10  }
0x2d7: {  	v58 =	vld [tilespmem:s8+$0x80];
	s10 =	sor.u32 s12, s9;
	[dreg:$0x12] =	wrdreg s23  }
0x2d8: {  	s1 =	sadd.s32 $0xAB00, s26;
	v10 =	vld [tilespmem:s24+$0x0];
	s24 =	simm.s32 $0x14F00;
	[dreg:$0x14] =	wrdreg s10  }
0x2d9: {  	s29 =	sor.u32 s6, s14;
	s25 =	sor.u32 s6, s17;
	[tilespmem:v4+s24+$0x0] =	vst.idx.add.f32.msk $0xffff, v11;
	s24 =	rddreg [dreg:$0xc]  }
0x2da: {  	[tilespmem:v8+s22+$0x0] =	vst.idx.add.f32.msk $0xffff, v9;
	s22 =	simm.s32 $0x1;
	s10 =	sor.u32 s4, s16;
	[dreg:$0xc] =	wrdreg s25  }
0x2db: {  	s23 =	sadd.s32 $0xAB80, s26;
	[dreg:$0x11] =	wrdreg s10;
	v11 =	vld [tilespmem:s24+$0x0];
	s24 =	sor.u32 s12, s1  }
0x2dc: {  	s22 =	simm.s32 @!p1 $0x0;
	v9 =	vld [tilespmem:s13+$0x100];
	[dreg:$0x13] =	wrdreg s24;
	s24 =	simm.s32 $0xD100  }
0x2dd: {  	s10 =	sor.u32 s5, s1;
	s26 =	sshll.u32 s22, $0x6;
	s22 =	simm.s32 $0x17300;
	[tilespmem:v3+s24+$0x0] =	vst.idx.add.f32.msk $0xffff, v58  }
0x2de: {  	s14 =	sor.u32 s6, s9;
	s15 =	sor.u32 s6, s16;
	[dreg:$0x1c] =	wrdreg s10;
	[tilespmem:v1+s22+$0x0] =	vst.idx.add.f32.msk $0xffff, v10  }
0x2df: {  	s17 =	sor.u32 s4, s7;
	s10 =	sor.u32 s5, s16;
	s24 =	rddreg [dreg:$0xa];
	v60 =	vld [tilespmem:s8+$0x100]  }
0x2e0: {  	s5 =	sor.u32 s5, s23;
	s16 =	simm.s32 $0xDA00;
	[smem:$0x7E9] =	sst s10;
	v10 =	vld [tilespmem:s24+$0x0]  }
0x2e1: {  	s28 =	sor.u32 s12, s23;
	[smem:$0x7EF] =	sst s5;
	s10 =	simm.s32 $0x15800;
	[tilespmem:v8+s16+$0x0] =	vst.idx.add.f32.msk $0xffff, v9  }
0x2e2: {  	s25 =	sor.u32 s4, s9;
	s9 =	simm.s32 $0x17C00;
	[dreg:$0xa] =	wrdreg s17;
	[tilespmem:v4+s10+$0x0] =	vst.idx.add.f32.msk $0xffff, v11  }
0x2e3: {  	s5 =	sadd.s32 s26, s19;
	s26 =	sor.u32 s4, s31;
	s10 =	rddreg [dreg:$0x9];
	v9 =	vld [tilespmem:s13+$0x180]  }
0x2e4: {  	s17 =	sor.u32 s6, s31;
	[dreg:$0x10] =	wrdreg s26;
	v11 =	vld [tilespmem:s10+$0x0];
	s10 =	simm.s32 $0xD100  }
0x2e5: {  	s31 =	sor.u32 s4, s1;
	s22 =	sadd.s32 $0x30, s5;
	[dreg:$0x9] =	wrdreg s15;
	[tilespmem:v7+s10+$0x0] =	vst.idx.add.f32.msk $0xffff, v59  }
0x2e6: {  	s26 =	sor.u32 s4, s21;
	s15 =	sor.u32 s4, s23;
	s13 =	rddreg [dreg:$0x5];
	[tilespmem:v1+s9+$0x0] =	vst.idx.add.f32.msk $0xffff, v10  }
0x2e7: {  	s4 =	sor.u32 s6, s23;
	s23 =	smov.u32 s25;
	s25 =	simm.s32 $0xE300;
	v10 =	vld [tilespmem:s13+$0x0]  }
0x2e8: {  	s24 =	sor.u32 $0x200, s22;
	[tilespmem:v8+s25+$0x0] =	vst.idx.add.f32.msk $0xffff, v9  }
0x2e9: {  	s16 =	simm.s32 $0x16100;
	v9 =	vld [tilespmem:s24+$0x6800]  }
0x2ea: {  	[tilespmem:v4+s16+$0x0] =	vst.idx.add.f32.msk $0xffff, v11  }
0x2eb: {  	s25 =	simm.s32 $0xDA00;
	v11 =	vld [tilespmem:s11+$0x100]  }
0x2ec: {  	s2 =	sor.u32 s6, s2;
	s7 =	sor.u32 s6, s7;
	[tilespmem:v3+s25+$0x0] =	vst.idx.add.f32.msk $0xffff, v60  }
0x2ed: {  	s1 =	sor.u32 s6, s1;
	s21 =	sor.u32 s6, s21;
	s6 =	simm.s32 $0xEC00;
	v61 =	vld [tilespmem:s8+$0x180]  }
0x2ee: {  	s10 =	rddreg [dreg:$0x8];
	[tilespmem:v8+s6+$0x0] =	vst.idx.add.f32.msk $0xffff, v9  }
0x2ef: {  	v9 =	vld [tilespmem:s10+$0x0]  }
0x2f0: {  	[dreg:$0x5] =	wrdreg s23;
	s23 =	sor.u32 $0x200, s5;
	[tilespmem:v7+s25+$0x0] =	vst.idx.add.f32.msk $0xffff, v11  }
0x2f1: {  	[smem:$0x7E7] =	sst s23;
	s9 =	sor.u32 $0x280, s22;
	v11 =	vld [tilespmem:s11+$0x180]  }
0x2f2: {  	s23 =	simm.s32 $0x18500;
	s10 =	smov.u32 s17;
	s25 =	rddreg [dreg:$0x4];
	v62 =	vld [tilespmem:s9+$0x6800]  }
0x2f3: {  	[dreg:$0x8] =	wrdreg s10;
	[tilespmem:v1+s23+$0x0] =	vst.idx.add.f32.msk $0xffff, v10  }
0x2f4: {  	s10 =	smov.u32 s31;
	s31 =	smov.u32 s21;
	v10 =	vld [tilespmem:s25+$0x0];
	s25 =	rddreg [dreg:$0x7]  }
0x2f5: {  	[dreg:$0x7] =	wrdreg s31;
	s31 =	simm.s32 $0xE300  }
0x2f6: {  	s16 =	sor.u32 $0x300, s22;
	s17 =	sor.u32 $0x380, s22;
	s22 =	simm.s32 $0x16A00;
	[tilespmem:v3+s31+$0x0] =	vst.idx.add.f32.msk $0xffff, v61  }
0x2f7: {  	[tilespmem:v4+s22+$0x0] =	vst.idx.add.f32.msk $0xffff, v9  }
0x2f8: {  	v9 =	vld [tilespmem:s25+$0x0]  }
0x2f9: {  	s30 =	simm.s32 $0xF500;
	s12 =	sadd.s32 $0x10, s5;
	[tilespmem:v7+s31+$0x0] =	vst.idx.add.f32.msk $0xffff, v11  }
0x2fa: {  	s9 =	sor.u32 $0x200, s12;
	[tilespmem:v8+s30+$0x0] =	vst.idx.add.f32.msk $0xffff, v62  }
0x2fb: {  	v63 =	vld [tilespmem:s9+$0x6800]  }
0x2fc: {  	[dreg:$0x4] =	wrdreg s10;
	s22 =	simm.s32 $0x17300;
	v11 =	vld [tilespmem:s16+$0x6800]  }
0x2fd: {  	s25 =	rddreg [dreg:$0x6];
	[tilespmem:v4+s22+$0x0] =	vst.idx.add.f32.msk $0xffff, v9  }
0x2fe: {  	s10 =	simm.s32 $0x18E00;
	v9 =	vld [tilespmem:s25+$0x0];
	s25 =	sld [smem:$0x7F1]  }
0x2ff: {  	[tilespmem:v1+s10+$0x0] =	vst.idx.add.f32.msk $0xffff, v10  }
0x300: {  	s10 =	smov.u32 s7;
	[tilespmem:v7+s6+$0x0] =	vst.idx.add.f32.msk $0xffff, v63  }
0x301: {  	[dreg:$0x6] =	wrdreg s10;
	v10 =	vld [tilespmem:s25+$0x0];
	s25 =	simm.s32 $0xFE00  }
0x302: {  	s10 =	smov.u32 s15;
	s15 =	sld [smem:$0x7CC];
	[tilespmem:v8+s25+$0x0] =	vst.idx.add.f32.msk $0xffff, v11  }
0x303: {  	[dreg:$0xd] =	wrdreg s26;
	s26 =	simm.s32 $0x17C00;
	v11 =	vld [tilespmem:s17+$0x6800]  }
0x304: {  	[tilespmem:v4+s26+$0x0] =	vst.idx.add.f32.msk $0xffff, v9  }
0x305: {  	[smem:$0x7F1] =	sst s10;
	s10 =	simm.s32 $0x19700;
	v9 =	vld [tilespmem:s15+$0x0]  }
0x306: {  	s16 =	sor.u32 $0x280, s12;
	[tilespmem:v1+s10+$0x0] =	vst.idx.add.f32.msk $0xffff, v10  }
0x307: {  	[smem:$0x7E6] =	sst s2;
	s2 =	sadd.s32 $0x20, s5;
	v10 =	vld [tilespmem:s16+$0x6800]  }
0x308: {  	s13 =	sor.u32 $0x200, s2;
	s22 =	sld [smem:$0x7CD];
	[tilespmem:v2+s10+$0x0] =	vst.idx.add.f32.msk $0xffff, v5  }
0x309: {  	s24 =	simm.s32 $0x10700;
	v2 =	vmov v7;
	v5 =	vld [tilespmem:s13+$0x6800]  }
0x30a: {  	s26 =	sld [smem:$0x7CE];
	[tilespmem:v8+s24+$0x0] =	vst.idx.add.f32.msk $0xffff, v11  }
0x30b: {  	s23 =	simm.s32 $0x18500;
	v1 =	vmov v8;
	v8 =	vld [tilespmem:s22+$0x0]  }
0x30c: {  	[tilespmem:v4+s23+$0x0] =	vst.idx.add.f32.msk $0xffff, v9  }
0x30d: {  	v9 =	vld [tilespmem:s26+$0x0]  }
0x30e: {  	[tilespmem:v2+s30+$0x0] =	vst.idx.add.f32.msk $0xffff, v10  }
0x30f: {  	s8 =	sor.u32 $0x280, s2;
	[tilespmem:v3+s6+$0x0] =	vst.idx.add.f32.msk $0xffff, v5  }
0x310: {  	s10 =	simm.s32 $0x11000;
	v5 =	vld [tilespmem:s8+$0x6800]  }
0x311: {  	s7 =	sor.u32 $0x300, s12;
	s15 =	smov.u32 s14;
	s26 =	sld [smem:$0x7D0];
	[tilespmem:v1+s10+$0x0] =	vst.idx.add.f32.msk $0xffff, v8  }
0x312: {  	s14 =	smov.u32 s1;
	s1 =	simm.s32 $0x18E00;
	s13 =	sld [smem:$0x7CF];
	v8 =	vld [tilespmem:s7+$0x6800]  }
0x313: {  	[tilespmem:v4+s1+$0x0] =	vst.idx.add.f32.msk $0xffff, v9  }
0x314: {  	v9 =	vld [tilespmem:s26+$0x0]  }
0x315: {  	v7 =	vld [tilespmem:s13+$0x0]  }
0x316: {  	s11 =	sor.u32 $0x300, s2;
	[tilespmem:v3+s30+$0x0] =	vst.idx.add.f32.msk $0xffff, v5  }
0x317: {  	v5 =	vld [tilespmem:s11+$0x6800]  }
0x318: {  	s13 =	smov.u32 s4;
	s4 =	simm.s32 $0x11900;
	[tilespmem:v2+s25+$0x0] =	vst.idx.add.f32.msk $0xffff, v8  }
0x319: {  	s31 =	sld [smem:$0x7D1];
	s22 =	simm.s32 $0x19700;
	[tilespmem:v1+s4+$0x0] =	vst.idx.add.f32.msk $0xffff, v9  }
0x31a: {  	s9 =	sor.u32 $0x380, s12;
	[tilespmem:v4+s22+$0x0] =	vst.idx.add.f32.msk $0xffff, v7  }
0x31b: {  	v4 =	vmov v6;
	v6 =	vld [tilespmem:s9+$0x6800]  }
0x31c: {  	v7 =	vld [tilespmem:s31+$0x0];
	_ =	sdelay $0x1  }
0x31d: {  	s2 =	sor.u32 $0x380, s2;
	[tilespmem:v3+s25+$0x0] =	vst.idx.add.f32.msk $0xffff, v5  }
0x31e: {  	s8 =	sld [smem:$0x7D2];
	v5 =	vld [tilespmem:s2+$0x6800]  }
0x31f: {  	s7 =	simm.s32 $0x12200;
	s9 =	sld [smem:$0x7D3];
	[tilespmem:v2+s24+$0x0] =	vst.idx.add.f32.msk $0xffff, v6  }
0x320: {  	[tilespmem:v1+s7+$0x0] =	vst.idx.add.f32.msk $0xffff, v7  }
0x321: {  	v6 =	vld [tilespmem:s8+$0x0]  }
0x322: {  	s26 =	sld [smem:$0x7D6];
	v7 =	vld [tilespmem:s9+$0x0];
	_ =	sdelay $0x1  }
0x323: {  	[tilespmem:v3+s24+$0x0] =	vst.idx.add.f32.msk $0xffff, v5  }
0x324: {  	s12 =	sld [smem:$0x7D4];
	v5 =	vld [tilespmem:s26+$0x0]  }
0x325: {  	s16 =	simm.s32 $0x12B00;
	s22 =	sld [smem:$0x7D5];
	[tilespmem:v2+s10+$0x0] =	vst.idx.add.f32.msk $0xffff, v6  }
0x326: {  	[tilespmem:v1+s16+$0x0] =	vst.idx.add.f32.msk $0xffff, v7  }
0x327: {  	v6 =	vld [tilespmem:s12+$0x0]  }
0x328: {  	s8 =	sld [smem:$0x7D9];
	v7 =	vld [tilespmem:s22+$0x0];
	_ =	sdelay $0x1  }
0x329: {  	[tilespmem:v3+s10+$0x0] =	vst.idx.add.f32.msk $0xffff, v5  }
0x32a: {  	s11 =	smov.u32 s28;
	s28 =	smov.u32 s29;
	s29 =	sld [smem:$0x7D7];
	v5 =	vld [tilespmem:s8+$0x0]  }
0x32b: {  	s17 =	simm.s32 $0x13400;
	s31 =	sld [smem:$0x7D8];
	[tilespmem:v2+s4+$0x0] =	vst.idx.add.f32.msk $0xffff, v6  }
0x32c: {  	[tilespmem:v1+s17+$0x0] =	vst.idx.add.f32.msk $0xffff, v7  }
0x32d: {  	v6 =	vld [tilespmem:s29+$0x0]  }
0x32e: {  	s22 =	sld [smem:$0x7DC];
	v7 =	vld [tilespmem:s31+$0x0];
	_ =	sdelay $0x1  }
0x32f: {  	[tilespmem:v3+s4+$0x0] =	vst.idx.add.f32.msk $0xffff, v5  }
0x330: {  	s9 =	sld [smem:$0x7DA];
	v5 =	vld [tilespmem:s22+$0x0]  }
0x331: {  	s2 =	simm.s32 $0x13D00;
	s12 =	sld [smem:$0x7DB];
	[tilespmem:v2+s7+$0x0] =	vst.idx.add.f32.msk $0xffff, v6  }
0x332: {  	[tilespmem:v1+s2+$0x0] =	vst.idx.add.f32.msk $0xffff, v7  }
0x333: {  	v6 =	vld [tilespmem:s9+$0x0]  }
0x334: {  	s21 =	simm.s32 $0x1A000;
	s29 =	sld [smem:$0x7DE];
	v7 =	vld [tilespmem:s12+$0x0]  }
0x335: {  	[tilespmem:v4+s21+$0x0] =	vst.idx.add.f32.msk $0xffff, v0  }
0x336: {  	[tilespmem:v3+s7+$0x0] =	vst.idx.add.f32.msk $0xffff, v5  }
0x337: {  	v5 =	vld [tilespmem:s29+$0x0]  }
0x338: {  	s26 =	sld [smem:$0x7DD];
	s9 =	simm.s32 $0x14600;
	[tilespmem:v2+s16+$0x0] =	vst.idx.add.f32.msk $0xffff, v6  }
0x339: {  	[tilespmem:v1+s9+$0x0] =	vst.idx.add.f32.msk $0xffff, v7  }
0x33a: {  	v7 =	vld [tilespmem:s0+$0x0]  }
0x33b: {  	s22 =	sld [smem:$0x7E0];
	v6 =	vld [tilespmem:s26+$0x0];
	_ =	sdelay $0x1  }
0x33c: {  	[tilespmem:v3+s16+$0x0] =	vst.idx.add.f32.msk $0xffff, v5  }
0x33d: {  	s12 =	simm.s32 $0xC800;
	v5 =	vld [tilespmem:s22+$0x0]  }
0x33e: {  	s31 =	sld [smem:$0x7DF];
	[tilespmem:v4+s12+$0x0] =	vst.idx.add.f32.msk $0xffff, v7  }
0x33f: {  	[tilespmem:v2+s17+$0x0] =	vst.idx.add.f32.msk $0xffff, v6  }
0x340: {  	v7 =	vld [tilespmem:s0+$0x80]  }
0x341: {  	v6 =	vld [tilespmem:s31+$0x0];
	s31 =	sld [smem:$0x7E2];
	_ =	sdelay $0x1  }
0x342: {  	[tilespmem:v3+s17+$0x0] =	vst.idx.add.f32.msk $0xffff, v5  }
0x343: {  	s29 =	simm.s32 $0xD100;
	v5 =	vld [tilespmem:s31+$0x0]  }
0x344: {  	s26 =	sld [smem:$0x7E1];
	[tilespmem:v4+s29+$0x0] =	vst.idx.add.f32.msk $0xffff, v7  }
0x345: {  	[tilespmem:v2+s2+$0x0] =	vst.idx.add.f32.msk $0xffff, v6  }
0x346: {  	v7 =	vld [tilespmem:s0+$0x100]  }
0x347: {  	s29 =	sld [smem:$0x7E4];
	v6 =	vld [tilespmem:s26+$0x0]  }
0x348: {  	s8 =	simm.s32 $0x13D00  }
0x349: {  	[tilespmem:v3+s8+$0x0] =	vst.idx.add.f32.msk $0xffff, v5  }
0x34a: {  	s26 =	simm.s32 $0xDA00;
	v5 =	vld [tilespmem:s29+$0x0]  }
0x34b: {  	s12 =	sld [smem:$0x7E3];
	[tilespmem:v4+s26+$0x0] =	vst.idx.add.f32.msk $0xffff, v7  }
0x34c: {  	[tilespmem:v2+s9+$0x0] =	vst.idx.add.f32.msk $0xffff, v6  }
0x34d: {  	v7 =	vld [tilespmem:s0+$0x180]  }
0x34e: {  	v6 =	vld [tilespmem:s12+$0x0];
	s12 =	sld [smem:$0x7E8]  }
0x34f: {  	s9 =	simm.s32 $0x14600  }
0x350: {  	[tilespmem:v3+s9+$0x0] =	vst.idx.add.f32.msk $0xffff, v5  }
0x351: {  	s23 =	simm.s32 $0xE300;
	s8 =	sld [smem:$0x7E7];
	v5 =	vld [tilespmem:s12+$0x0]  }
0x352: {  	s31 =	sld [smem:$0x7E5];
	s29 =	simm.s32 $0x14F00;
	[tilespmem:v4+s23+$0x0] =	vst.idx.add.f32.msk $0xffff, v7  }
0x353: {  	[tilespmem:v2+s29+$0x0] =	vst.idx.add.f32.msk $0xffff, v6  }
0x354: {  	v7 =	vld [tilespmem:s8+$0x6800]  }
0x355: {  	v6 =	vld [tilespmem:s31+$0x0];
	s31 =	sld [smem:$0x7EA];
	_ =	sdelay $0x1  }
0x356: {  	[tilespmem:v3+s29+$0x0] =	vst.idx.add.f32.msk $0xffff, v5  }
0x357: {  	v8 =	vld [tilespmem:s31+$0x0]  }
0x358: {  	s12 =	simm.s32 $0x15800;
	s23 =	sld [smem:$0x7E9];
	[tilespmem:v4+s6+$0x0] =	vst.idx.add.f32.msk $0xffff, v7  }
0x359: {  	s9 =	sor.u32 $0x280, s5;
	[tilespmem:v2+s12+$0x0] =	vst.idx.add.f32.msk $0xffff, v6  }
0x35a: {  	s31 =	sld [smem:$0x7EB];
	v5 =	vld [tilespmem:s9+$0x6800]  }
0x35b: {  	v6 =	vld [tilespmem:s23+$0x0];
	_ =	sdelay $0x1  }
0x35c: {  	s23 =	simm.s32 $0x14F00;
	v7 =	vld [tilespmem:s31+$0x0]  }
0x35d: {  	[tilespmem:v1+s23+$0x0] =	vst.idx.add.f32.msk $0xffff, v8  }
0x35e: {  	s6 =	sld [smem:$0x7EC];
	s9 =	simm.s32 $0x16100;
	[tilespmem:v4+s30+$0x0] =	vst.idx.add.f32.msk $0xffff, v5  }
0x35f: {  	s23 =	sor.u32 $0x300, s5;
	[tilespmem:v2+s9+$0x0] =	vst.idx.add.f32.msk $0xffff, v6  }
0x360: {  	v5 =	vld [tilespmem:s23+$0x6800]  }
0x361: {  	v6 =	vld [tilespmem:s6+$0x0];
	_ =	sdelay $0x1  }
0x362: {  	s29 =	rddreg [dreg:$0x1f];
	[tilespmem:v3+s12+$0x0] =	vst.idx.add.f32.msk $0xffff, v7  }
0x363: {  	v7 =	vld [tilespmem:s29+$0x0]  }
0x364: {  	s31 =	sor.u32 s19, s20;
	s5 =	simm.s32 $0x16A00;
	s23 =	sld [smem:$0x7ED];
	[tilespmem:v4+s25+$0x0] =	vst.idx.add.f32.msk $0xffff, v5  }
0x365: {  	s0 =	sor.u32 $0x380, s31;
	[tilespmem:v2+s5+$0x0] =	vst.idx.add.f32.msk $0xffff, v6  }
0x366: {  	v5 =	vld [tilespmem:s0+$0x6800]  }
0x367: {  	v6 =	vld [tilespmem:s23+$0x0];
	_ =	sdelay $0x1  }
0x368: {  	s29 =	rddreg [dreg:$0x1d];
	[tilespmem:v3+s9+$0x0] =	vst.idx.add.f32.msk $0xffff, v7  }
0x369: {  	v7 =	vld [tilespmem:s29+$0x0]  }
0x36a: {  	s9 =	simm.s32 $0x17300;
	[tilespmem:v4+s24+$0x0] =	vst.idx.add.f32.msk $0xffff, v5  }
0x36b: {  	s23 =	rddreg [dreg:$0x1b];
	[tilespmem:v2+s9+$0x0] =	vst.idx.add.f32.msk $0xffff, v6  }
0x36c: {  	s31 =	rddreg [dreg:$0x1e];
	v5 =	vld [tilespmem:s23+$0x0]  }
0x36d: {  	v6 =	vld [tilespmem:s31+$0x0];
	_ =	sdelay $0x1  }
0x36e: {  	s29 =	rddreg [dreg:$0x18];
	[tilespmem:v3+s5+$0x0] =	vst.idx.add.f32.msk $0xffff, v7  }
0x36f: {  	v7 =	vld [tilespmem:s29+$0x0]  }
0x370: {  	s5 =	simm.s32 $0x17C00;
	[tilespmem:v4+s10+$0x0] =	vst.idx.add.f32.msk $0xffff, v5  }
0x371: {  	s10 =	rddreg [dreg:$0x19];
	[tilespmem:v2+s5+$0x0] =	vst.idx.add.f32.msk $0xffff, v6  }
0x372: {  	s31 =	rddreg [dreg:$0x1a];
	v5 =	vld [tilespmem:s10+$0x0]  }
0x373: {  	v6 =	vld [tilespmem:s31+$0x0]  }
0x374: {  	s23 =	rddreg [dreg:$0x17];
	[tilespmem:v3+s9+$0x0] =	vst.idx.add.f32.msk $0xffff, v7  }
0x375: {  	s10 =	rddreg [dreg:$0x12];
	v7 =	vld [tilespmem:s23+$0x0]  }
0x376: {  	v8 =	vld [tilespmem:s10+$0x0]  }
0x377: {  	s9 =	simm.s32 $0x18500;
	[tilespmem:v4+s4+$0x0] =	vst.idx.add.f32.msk $0xffff, v5  }
0x378: {  	s31 =	rddreg [dreg:$0x16];
	[tilespmem:v2+s9+$0x0] =	vst.idx.add.f32.msk $0xffff, v6  }
0x379: {  	v5 =	vld [tilespmem:s31+$0x0]  }
0x37a: {  	s12 =	simm.s32 $0x15800;
	[tilespmem:v3+s5+$0x0] =	vst.idx.add.f32.msk $0xffff, v7  }
0x37b: {  	s29 =	rddreg [dreg:$0x1c];
	[tilespmem:v1+s12+$0x0] =	vst.idx.add.f32.msk $0xffff, v8  }
0x37c: {  	s5 =	rddreg [dreg:$0x14];
	v6 =	vld [tilespmem:s29+$0x0]  }
0x37d: {  	v7 =	vld [tilespmem:s5+$0x0]  }
0x37e: {  	s3 =	sadd.s32 $0x4, s3;
	s23 =	rddreg [dreg:$0x15];
	[tilespmem:v4+s7+$0x0] =	vst.idx.add.f32.msk $0xffff, v5  }
0x37f: {  	p2 =	slt.u32 s3, $0x3C;
	s31 =	rddreg [dreg:$0x11];
	v5 =	vld [tilespmem:s23+$0x0]  }
.Ltmp2:
0x380: {  	s18 =	sadd.s32 $0x40, s18;
	v9 =	vld [tilespmem:s31+$0x0];
	(pc) =	sbr.rel @p2 .LBB2_6-.Ltmp2, $4  }
0x381: {  	p1 =	por !p1, !p1;
	s22 =	simm.s32 $0xD100;
	s26 =	sld [smem:$0x7E6];
	[tilespmem:v2+s1+$0x0] =	vst.idx.add.f32.msk $0xffff, v6  }
0x382: {  	s2 =	simm.s32 $0x13D00;
	s8 =	simm.s32 $0x14600;
	s29 =	rddreg [dreg:$0x13];
	[tilespmem:v3+s9+$0x0] =	vst.idx.add.f32.msk $0xffff, v7  }
0x383: {  	s19 =	sadd.s32 $0x200, s19;
	s20 =	sadd.s32 $0x40, s20;
	s25 =	sld [smem:$0x7EE];
	v6 =	vld [tilespmem:s29+$0x0]  }
0x384: {  	s6 =	simm.s32 $0x14F00;
	s0 =	simm.s32 $0x15800;
	s4 =	sld [smem:$0x7EF];
	[tilespmem:v4+s16+$0x0] =	vst.idx.add.f32.msk $0xffff, v5  }
0x385: {  	v5 =	vld [tilespmem:s28+$0x0];
	_ =	sdelay $0x4  }
0x386: {  	[tilespmem:v4+s17+$0x0] =	vst.idx.add.f32.msk $0xffff, v5  }
0x387: {  	v5 =	vld [tilespmem:s26+$0x0];
	_ =	sdelay $0x4  }
0x388: {  	[tilespmem:v4+s2+$0x0] =	vst.idx.add.f32.msk $0xffff, v5  }
0x389: {  	v5 =	vld [tilespmem:s25+$0x0];
	_ =	sdelay $0x4  }
0x38a: {  	[tilespmem:v4+s8+$0x0] =	vst.idx.add.f32.msk $0xffff, v5  }
0x38b: {  	s2 =	rddreg [dreg:$0xf]  }
0x38c: {  	v5 =	vld [tilespmem:s2+$0x0];
	_ =	sdelay $0x4  }
0x38d: {  	[tilespmem:v4+s6+$0x0] =	vst.idx.add.f32.msk $0xffff, v5  }
0x38e: {  	s10 =	rddreg [dreg:$0xc]  }
0x38f: {  	v5 =	vld [tilespmem:s10+$0x0];
	_ =	sdelay $0x4  }
0x390: {  	s12 =	simm.s32 $0x16100;
	[tilespmem:v4+s0+$0x0] =	vst.idx.add.f32.msk $0xffff, v5  }
0x391: {  	s0 =	rddreg [dreg:$0x9];
	[tilespmem:v1+s12+$0x0] =	vst.idx.add.f32.msk $0xffff, v9  }
0x392: {  	v5 =	vld [tilespmem:s0+$0x0];
	s18 =	rddreg [dreg:$0x10]  }
0x393: {  	v7 =	vld [tilespmem:s18+$0x0];
	_ =	sdelay $0x3  }
0x394: {  	s19 =	simm.s32 $0x16A00;
	[tilespmem:v4+s12+$0x0] =	vst.idx.add.f32.msk $0xffff, v5  }
0x395: {  	s0 =	rddreg [dreg:$0x8];
	[tilespmem:v1+s19+$0x0] =	vst.idx.add.f32.msk $0xffff, v7  }
0x396: {  	v5 =	vld [tilespmem:s0+$0x0];
	s20 =	rddreg [dreg:$0xd]  }
0x397: {  	v7 =	vld [tilespmem:s20+$0x0];
	_ =	sdelay $0x3  }
0x398: {  	s22 =	simm.s32 $0x17300;
	[tilespmem:v4+s19+$0x0] =	vst.idx.add.f32.msk $0xffff, v5  }
0x399: {  	s0 =	rddreg [dreg:$0x7];
	[tilespmem:v1+s22+$0x0] =	vst.idx.add.f32.msk $0xffff, v7  }
0x39a: {  	v5 =	vld [tilespmem:s0+$0x0];
	s23 =	rddreg [dreg:$0xa]  }
0x39b: {  	v7 =	vld [tilespmem:s23+$0x0];
	_ =	sdelay $0x3  }
0x39c: {  	s25 =	simm.s32 $0x17C00;
	[tilespmem:v4+s22+$0x0] =	vst.idx.add.f32.msk $0xffff, v5  }
0x39d: {  	s0 =	rddreg [dreg:$0x6];
	[tilespmem:v1+s25+$0x0] =	vst.idx.add.f32.msk $0xffff, v7  }
0x39e: {  	v5 =	vld [tilespmem:s0+$0x0]  }
0x39f: {  	s26 =	rddreg [dreg:$0x5]  }
0x3a0: {  	v7 =	vld [tilespmem:s26+$0x0];
	_ =	sdelay $0x2  }
0x3a1: {  	[tilespmem:v4+s25+$0x0] =	vst.idx.add.f32.msk $0xffff, v5  }
0x3a2: {  	s28 =	simm.s32 $0x18500;
	v5 =	vld [tilespmem:s15+$0x0]  }
0x3a3: {  	[tilespmem:v1+s28+$0x0] =	vst.idx.add.f32.msk $0xffff, v7  }
0x3a4: {  	s29 =	rddreg [dreg:$0x4]  }
0x3a5: {  	v7 =	vld [tilespmem:s29+$0x0];
	_ =	sdelay $0x1  }
0x3a6: {  	[tilespmem:v3+s1+$0x0] =	vst.idx.add.f32.msk $0xffff, v6  }
0x3a7: {  	[tilespmem:v4+s28+$0x0] =	vst.idx.add.f32.msk $0xffff, v5  }
0x3a8: {  	v5 =	vld [tilespmem:s14+$0x0]  }
0x3a9: {  	[tilespmem:v1+s1+$0x0] =	vst.idx.add.f32.msk $0xffff, v7  }
0x3aa: {  	s0 =	sld [smem:$0x7F1]  }
0x3ab: {  	v8 =	vld [tilespmem:s4+$0x0]  }
0x3ac: {  	v6 =	vld [tilespmem:s11+$0x0]  }
0x3ad: {  	v7 =	vld [tilespmem:s0+$0x0]  }
0x3ae: {  	[tilespmem:v4+s1+$0x0] =	vst.idx.add.f32.msk $0xffff, v5  }
0x3af: {  	v5 =	vld [tilespmem:s13+$0x0]  }
.Ltmp3:
0x3b0: {  	s31 =	simm.s32 $0x19700;
	(pc) =	sbr.rel @p0 .LBB2_9-.Ltmp3, $4  }
0x3b1: {  	[tilespmem:v3+s31+$0x0] =	vst.idx.add.f32.msk $0xffff, v6  }
0x3b2: {  	[tilespmem:v2+s31+$0x0] =	vst.idx.add.f32.msk $0xffff, v8  }
0x3b3: {  	s18 =	simm.s32 $0x13D00;
	[tilespmem:v1+s31+$0x0] =	vst.idx.add.f32.msk $0xffff, v7  }
0x3b4: {  	s12 =	simm.s32 $0x17300;
	s20 =	simm.s32 $0x14F00;
	s19 =	simm.s32 $0x14600;
	[tilespmem:v4+s31+$0x0] =	vst.idx.add.f32.msk $0xffff, v5  }
0x3b5: {  	s0 =	sld [smem:$0x7F0]  }
0x3b6: {  	s2 =	rddreg [dreg:$0x1]  }
0x3b7: {  	s22 =	simm.s32 $0x0;
	s14 =	simm.s32 $0x400;
	s15 =	sld [smem:$0x7FD]  }
0x3b8: {  	s23 =	rddreg [dreg:$0x0];
	s25 =	simm.s32 $0x2000;
	s0 =	sadd.s32 $0x18, s0  }
0x3b9: {  	s26 =	simm.s32 $0x120000;
	s1 =	sshll.u32 s0, $0x4;
	s0 =	sshll.u32 s0, $0xA  }
0x3ba: {  	s3 =	simm.s32 $0x6800;
	s1 =	sadd.s32 s2, s1;
	s0 =	sadd.s32 s15, s0  }
0x3bb: {  	[tilespmem:s14], [sflag:$0x2] =	stream.linear.gather [hbm4b:s1+s22], $0x400, $0x38;
	[tilespmem:$0x1A900] =	vst v63  }
.Ltmp4:
0x3bc: {  	s31 =	sld [smem:$0x7FC];
	s0 =	sshrl.u32 s0, $0x3;
	(pc) =	sbr.rel .LBB2_3-.Ltmp4, $4  }
0x3bd: {  	s11 =	simm.s32 $0xDA00;
	s28 =	simm.s32 $0xE300;
	s0 =	sadd.s32 s23, s0  }
0x3be: {  	[tilespmem:s3], [sflag:$0x2] =	stream.strided.gather [hbm4b:s0+s25], $0x6000, s26, s25, $0x38;
	[tilespmem:$0x1A900] =	vst v63  }
0x3bf: {  	s29 =	simm.s32 $0xEC00;
	s13 =	simm.s32 $0x11000;
	s0 =	sadd.s32 $0x1, s31  }
0x3c0: {  	s15 =	simm.s32 $0x12200;
	s14 =	simm.s32 $0x11900;
	[smem:$0x7FC] =	sst s0  }
.LBB2_9:
0x3c1: {  	s0 =	simm.s32 $0x0  }
0x3c2: {  	v0 =	vld [tilespmem:s0+$0x1A000]  }
0x3c3: {  	v3 =	vld [tilespmem:s0+$0x18500]  }
0x3c4: {  	v4 =	vld [tilespmem:s0+$0x17C00]  }
0x3c5: {  	v5 =	vld [tilespmem:s0+$0x17300]  }
0x3c6: {  	v10 =	vld [tilespmem:s0+$0x16A00]  }
0x3c7: {  	v15 =	vld [tilespmem:s0+$0x13400];
	v0 =	vmax.f32 v0, $1.000000000e+00  }
0x3c8: {  	v14 =	vld [tilespmem:s0+$0x12B00];
	(erf) = vrcp.f32 v0  }
0x3c9: {  	v2 =	vld [tilespmem:s0+$0x12200]  }
0x3ca: {  	v1 =	vld [tilespmem:s0+$0x11900]  }
0x3cb: {  	v6 =	vld [tilespmem:s0+$0x18E00]  }
0x3cc: {  	v7 =	vld [tilespmem:s0+$0x19700]  }
0x3cd: {  	v8 =	vld [tilespmem:s0+$0x10700]  }
0x3ce: {  	v9 =	vld [tilespmem:s0+$0xD100]  }
0x3cf: {  	v16 =	vld [tilespmem:s0+$0xDA00]  }
0x3d0: {  	v17 =	vld [tilespmem:s0+$0xE300]  }
0x3d1: {  	v18 =	vld [tilespmem:s0+$0xC800];
	v0 =	vpop (erf)  }
0x3d2: {  	v19 =	vld [tilespmem:s0+$0xEC00];
	v7 =	vmul.f32 v7, v0;
	v6 =	vmul.f32 v6, v0  }
0x3d3: {  	v20 =	vld [tilespmem:s0+$0x16100];
	v3 =	vmul.f32 v3, v0;
	v4 =	vmul.f32 v4, v0  }
0x3d4: {  	v21 =	vld [tilespmem:s0+$0x15800];
	v8 =	vmul.f32 v8, v0;
	v15 =	vmul.f32 v15, v0;
	[tilespmem:s0+$0x18E00] =	vst v6  }
0x3d5: {  	v11 =	vld [tilespmem:s0+$0x14F00];
	[tilespmem:s0+$0x18500] =	vst v3;
	v3 =	vmul.f32 v9, v0;
	v6 =	vmul.f32 v16, v0  }
0x3d6: {  	v12 =	vld [tilespmem:s0+$0x14600];
	v16 =	vmul.f32 v5, v0;
	[tilespmem:s0+$0x17C00] =	vst v4;
	v4 =	vmul.f32 v17, v0  }
0x3d7: {  	v13 =	vld [tilespmem:s0+$0x13D00];
	[tilespmem:s0+$0x19700] =	vst v7;
	v5 =	vmul.f32 v0, v18;
	v18 =	vmul.f32 v10, v0  }
0x3d8: {  	v9 =	vld [tilespmem:s0+$0xF500];
	v7 =	vmul.f32 v19, v0;
	[tilespmem:s0+$0x17300] =	vst v16;
	v16 =	vmul.f32 v20, v0  }
0x3d9: {  	s1 =	simm.s32 $0x40;
	v10 =	vmul.f32 v14, v0;
	v14 =	vld [tilespmem:s0+$0xFE00];
	v17 =	vmul.f32 v21, v0;
	[tilespmem:s0+$0x16A00] =	vst v18  }
.LBB2_10:
0x3da: {  	s2 =	sshra.s32 s1, $0x2;
	p0 =	sne.s32 s1, $0x23C0;
	s1 =	sadd.s32 $0x40, s1;
	v18 =	vld [tilespmem:s0+$0x11000];
	v2 =	vmul.f32 v2, v0;
	v11 =	vmul.f32 v11, v0;
	[tilespmem:s0+$0x16100] =	vst v16  }
0x3db: {  	v1 =	vmul.f32 v1, v0;
	v16 =	vld [tilespmem:s2+$0x1A000];
	v12 =	vmul.f32 v12, v0;
	[tilespmem:s0+$0x15800] =	vst v17  }
0x3dc: {  	v17 =	vld [tilespmem:s2+$0x18500];
	v13 =	vmul.f32 v13, v0;
	[tilespmem:s0+$0x14F00] =	vst v11  }
0x3dd: {  	v19 =	vld [tilespmem:s2+$0x17C00];
	v9 =	vmul.f32 v9, v0;
	[tilespmem:s0+$0x14600] =	vst v12  }
0x3de: {  	v20 =	vld [tilespmem:s2+$0x17300];
	v11 =	vmul.f32 v14, v0;
	[tilespmem:s0+$0x13D00] =	vst v13  }
0x3df: {  	v14 =	vld [tilespmem:s2+$0x16A00];
	v0 =	vmul.f32 v18, v0;
	[tilespmem:s0+$0x13400] =	vst v15  }
0x3e0: {  	v12 =	vmax.f32 v16, $1.000000000e+00;
	v15 =	vld [tilespmem:s2+$0x13400];
	[tilespmem:s0+$0x12B00] =	vst v10  }
0x3e1: {  	v10 =	vld [tilespmem:s2+$0x12B00];
	(erf) = vrcp.f32 v12;
	[tilespmem:s0+$0x12200] =	vst v2  }
0x3e2: {  	v2 =	vld [tilespmem:s2+$0x12200];
	[tilespmem:s0+$0x11900] =	vst v1  }
0x3e3: {  	v1 =	vld [tilespmem:s2+$0x11900];
	[tilespmem:s0+$0x10700] =	vst v8  }
0x3e4: {  	v12 =	vld [tilespmem:s2+$0x18E00];
	[tilespmem:s0+$0x11000] =	vst v0  }
0x3e5: {  	v13 =	vld [tilespmem:s2+$0x19700];
	[tilespmem:s0+$0xD100] =	vst v3  }
0x3e6: {  	v3 =	vld [tilespmem:s2+$0x10700];
	[tilespmem:s0+$0xDA00] =	vst v6  }
0x3e7: {  	v6 =	vld [tilespmem:s2+$0xD100];
	[tilespmem:s0+$0xFE00] =	vst v11  }
0x3e8: {  	v11 =	vld [tilespmem:s2+$0xDA00];
	[tilespmem:s0+$0xE300] =	vst v4  }
0x3e9: {  	v4 =	vld [tilespmem:s2+$0xE300];
	[tilespmem:s0+$0xC800] =	vst v5  }
0x3ea: {  	v5 =	vld [tilespmem:s2+$0xC800];
	v0 =	vpop (erf);
	[tilespmem:s0+$0xEC00] =	vst v7  }
0x3eb: {  	v7 =	vld [tilespmem:s2+$0xEC00];
	v8 =	vmul.f32 v3, v0;
	v13 =	vmul.f32 v13, v0;
	[tilespmem:s0+$0xF500] =	vst v9;
	s0 =	smov.u32 s2  }
0x3ec: {  	v9 =	vmul.f32 v12, v0;
	v3 =	vmul.f32 v6, v0;
	v16 =	vld [tilespmem:s0+$0x16100]  }
0x3ed: {  	v17 =	vmul.f32 v17, v0;
	v6 =	vmul.f32 v11, v0;
	v18 =	vld [tilespmem:s0+$0x15800];
	[tilespmem:s0+$0x19700] =	vst v13  }
.Ltmp5:
0x3ee: {  	v19 =	vmul.f32 v19, v0;
	v4 =	vmul.f32 v4, v0;
	v11 =	vld [tilespmem:s0+$0x14F00];
	[tilespmem:s0+$0x18E00] =	vst v9;
	(pc) =	sbr.rel @p0 .LBB2_10-.Ltmp5, $4  }
0x3ef: {  	v20 =	vmul.f32 v20, v0;
	v5 =	vmul.f32 v0, v5;
	v12 =	vld [tilespmem:s0+$0x14600];
	[tilespmem:s0+$0x18500] =	vst v17  }
0x3f0: {  	v21 =	vmul.f32 v14, v0;
	v7 =	vmul.f32 v7, v0;
	v13 =	vld [tilespmem:s0+$0x13D00];
	[tilespmem:s0+$0x17C00] =	vst v19  }
0x3f1: {  	v10 =	vmul.f32 v10, v0;
	v9 =	vld [tilespmem:s0+$0xF500];
	v16 =	vmul.f32 v16, v0;
	[tilespmem:s0+$0x17300] =	vst v20  }
0x3f2: {  	v15 =	vmul.f32 v15, v0;
	v14 =	vld [tilespmem:s0+$0xFE00];
	v17 =	vmul.f32 v18, v0;
	[tilespmem:s0+$0x16A00] =	vst v21  }
0x3f3: {  	[tilespmem:s0+$0x16100] =	vst v16  }
0x3f4: {  	[tilespmem:s0+$0x12B00] =	vst v10  }
0x3f5: {  	[tilespmem:s0+$0x10700] =	vst v8  }
0x3f6: {  	[tilespmem:s0+$0xD100] =	vst v3  }
0x3f7: {  	[tilespmem:s0+$0xDA00] =	vst v6  }
0x3f8: {  	[tilespmem:s0+$0xE300] =	vst v4  }
0x3f9: {  	[tilespmem:s0+$0xC800] =	vst v5  }
0x3fa: {  	[tilespmem:s0+$0xEC00] =	vst v7  }
0x3fb: {  	v11 =	vmul.f32 v11, v0;
	[tilespmem:s0+$0x15800] =	vst v17  }
0x3fc: {  	v2 =	vmul.f32 v2, v0;
	[tilespmem:s0+$0x13400] =	vst v15  }
0x3fd: {  	v18 =	vld [tilespmem:s0+$0x11000];
	v1 =	vmul.f32 v1, v0;
	[tilespmem:s0+$0x14F00] =	vst v11  }
0x3fe: {  	s14 =	stileid.u32;
	v12 =	vmul.f32 v12, v0;
	[tilespmem:s0+$0x12200] =	vst v2  }
0x3ff: {  	s11 =	smul.u32 $0x18, s14;
	v13 =	vmul.f32 v13, v0;
	[tilespmem:s0+$0x11900] =	vst v1  }
0x400: {  	[tilespmem:s0+$0x14600] =	vst v12;
	v63 =	vmul.f32 v9, v0  }
0x401: {  	s1 =	sshrl.u32 s11, $0x3;
	[tilespmem:s0+$0x13D00] =	vst v13;
	v62 =	vmul.f32 v14, v0  }
0x402: {  	s3 =	smul.u32 $0x900, s1;
	v61 =	vmul.f32 v18, v0;
	[tilespmem:s0+$0xF500] =	vst v63  }
0x403: {  	s15 =	rddreg [dreg:$0x2];
	s4 =	simm.s32 $0xC800;
	[tilespmem:s0+$0xFE00] =	vst v62  }
0x404: {  	s1 =	simm.s32 $0x400;
	s2 =	sadd.s32 s15, s3;
	[tilespmem:s0+$0x11000] =	vst v61;
	s0 =	simm.s32 $0x80  }
0x405: {  	[hbm4b:s2+s0] =	stream.strided.scatter [tilespmem:s4], [sflag:$0x3], $0x900, s1, s0, $0x38;
	[tilespmem:$0x1A900] =	vst v63  }
0x406: {  	s2 =	simm.s32 $0x3  }
0x407: {  	_ =	swait.ge [sflag:s2], $0x900  }
0x408: {  	s4 =	sadd.s32 $0x10, s15;
	[sflag:s2] =	ssyncset.done $0x0  }
0x409: {  	s6 =	simm.s32 $0xD100;
	s5 =	sadd.s32 s3, s4;
	[sflag:s2] =	ssyncadd.s32 $0xFFFFF700  }
0x40a: {  	[hbm4b:s5+s0] =	stream.strided.scatter [tilespmem:s6], [sflag:$0x3], $0x900, s1, s0, $0x38;
	[tilespmem:$0x1A900] =	vst v63  }
0x40b: {  	_ =	swait.ge [sflag:s2], $0x900  }
0x40c: {  	s5 =	sadd.s32 $0x20, s15;
	[sflag:s2] =	ssyncset.done $0x0  }
0x40d: {  	s7 =	simm.s32 $0xDA00;
	s8 =	sadd.s32 s3, s5;
	[sflag:s2] =	ssyncadd.s32 $0xFFFFF700  }
0x40e: {  	[hbm4b:s8+s0] =	stream.strided.scatter [tilespmem:s7], [sflag:$0x3], $0x900, s1, s0, $0x38;
	[tilespmem:$0x1A900] =	vst v63  }
0x40f: {  	_ =	swait.ge [sflag:s2], $0x900  }
0x410: {  	s6 =	sadd.s32 $0x30, s15;
	[sflag:s2] =	ssyncset.done $0x0  }
0x411: {  	s9 =	sadd.s32 s3, s6;
	s8 =	simm.s32 $0xE300;
	[sflag:s2] =	ssyncadd.s32 $0xFFFFF700  }
0x412: {  	[hbm4b:s9+s0] =	stream.strided.scatter [tilespmem:s8], [sflag:$0x3], $0x900, s1, s0, $0x38;
	[tilespmem:$0x1A900] =	vst v63  }
0x413: {  	_ =	swait.ge [sflag:s2], $0x900  }
0x414: {  	s7 =	sadd.s32 $0x40, s15;
	[sflag:s2] =	ssyncset.done $0x0  }
0x415: {  	s10 =	sadd.s32 s3, s7;
	s9 =	simm.s32 $0xEC00;
	[sflag:s2] =	ssyncadd.s32 $0xFFFFF700  }
0x416: {  	[hbm4b:s10+s0] =	stream.strided.scatter [tilespmem:s9], [sflag:$0x3], $0x900, s1, s0, $0x38;
	[tilespmem:$0x1A900] =	vst v63  }
0x417: {  	_ =	swait.ge [sflag:s2], $0x900  }
0x418: {  	s8 =	sadd.s32 $0x50, s15;
	[sflag:s2] =	ssyncset.done $0x0  }
0x419: {  	s12 =	sadd.s32 s3, s8;
	s10 =	simm.s32 $0xF500;
	[sflag:s2] =	ssyncadd.s32 $0xFFFFF700  }
0x41a: {  	[hbm4b:s12+s0] =	stream.strided.scatter [tilespmem:s10], [sflag:$0x3], $0x900, s1, s0, $0x38;
	[tilespmem:$0x1A900] =	vst v63  }
0x41b: {  	_ =	swait.ge [sflag:s2], $0x900  }
0x41c: {  	s9 =	sadd.s32 $0x60, s15;
	[sflag:s2] =	ssyncset.done $0x0  }
0x41d: {  	s13 =	sadd.s32 s3, s9;
	s12 =	simm.s32 $0xFE00;
	[sflag:s2] =	ssyncadd.s32 $0xFFFFF700  }
0x41e: {  	[hbm4b:s13+s0] =	stream.strided.scatter [tilespmem:s12], [sflag:$0x3], $0x900, s1, s0, $0x38;
	[tilespmem:$0x1A900] =	vst v63  }
0x41f: {  	s11 =	sadd.s32 $0x8, s11;
	_ =	swait.ge [sflag:s2], $0x900  }
0x420: {  	s11 =	sshrl.u32 s11, $0x3;
	s10 =	sadd.s32 $0x70, s15;
	[sflag:s2] =	ssyncset.done $0x0  }
0x421: {  	s16 =	sadd.s32 s3, s10;
	s13 =	simm.s32 $0x10700;
	[sflag:s2] =	ssyncadd.s32 $0xFFFFF700  }
0x422: {  	[hbm4b:s16+s0] =	stream.strided.scatter [tilespmem:s13], [sflag:$0x3], $0x900, s1, s0, $0x38;
	[tilespmem:$0x1A900] =	vst v63  }
0x423: {  	s11 =	smul.u32 $0x900, s11;
	_ =	swait.ge [sflag:s2], $0x900  }
0x424: {  	[sflag:s2] =	ssyncset.done $0x0  }
0x425: {  	s18 =	simm.s32 $0x11000;
	s17 =	sadd.s32 s15, s11;
	[sflag:s2] =	ssyncadd.s32 $0xFFFFF700  }
0x426: {  	[hbm4b:s17+s0] =	stream.strided.scatter [tilespmem:s18], [sflag:$0x3], $0x900, s1, s0, $0x38;
	[tilespmem:$0x1A900] =	vst v63  }
0x427: {  	_ =	swait.ge [sflag:s2], $0x900  }
0x428: {  	[sflag:s2] =	ssyncset.done $0x0  }
0x429: {  	s20 =	simm.s32 $0x11900;
	s19 =	sadd.s32 s11, s4;
	[sflag:s2] =	ssyncadd.s32 $0xFFFFF700  }
0x42a: {  	[hbm4b:s19+s0] =	stream.strided.scatter [tilespmem:s20], [sflag:$0x3], $0x900, s1, s0, $0x38;
	[tilespmem:$0x1A900] =	vst v63  }
0x42b: {  	_ =	swait.ge [sflag:s2], $0x900  }
0x42c: {  	[sflag:s2] =	ssyncset.done $0x0  }
0x42d: {  	s22 =	simm.s32 $0x12200;
	s21 =	sadd.s32 s11, s5;
	[sflag:s2] =	ssyncadd.s32 $0xFFFFF700  }
0x42e: {  	[hbm4b:s21+s0] =	stream.strided.scatter [tilespmem:s22], [sflag:$0x3], $0x900, s1, s0, $0x38;
	[tilespmem:$0x1A900] =	vst v63  }
0x42f: {  	_ =	swait.ge [sflag:s2], $0x900  }
0x430: {  	[sflag:s2] =	ssyncset.done $0x0  }
0x431: {  	s24 =	simm.s32 $0x12B00;
	s23 =	sadd.s32 s11, s6;
	[sflag:s2] =	ssyncadd.s32 $0xFFFFF700  }
0x432: {  	[hbm4b:s23+s0] =	stream.strided.scatter [tilespmem:s24], [sflag:$0x3], $0x900, s1, s0, $0x38;
	[tilespmem:$0x1A900] =	vst v63  }
0x433: {  	_ =	swait.ge [sflag:s2], $0x900  }
0x434: {  	[sflag:s2] =	ssyncset.done $0x0  }
0x435: {  	s26 =	simm.s32 $0x13400;
	s25 =	sadd.s32 s11, s7;
	[sflag:s2] =	ssyncadd.s32 $0xFFFFF700  }
0x436: {  	[hbm4b:s25+s0] =	stream.strided.scatter [tilespmem:s26], [sflag:$0x3], $0x900, s1, s0, $0x38;
	[tilespmem:$0x1A900] =	vst v63  }
0x437: {  	_ =	swait.ge [sflag:s2], $0x900  }
0x438: {  	[sflag:s2] =	ssyncset.done $0x0  }
0x439: {  	s29 =	simm.s32 $0x13D00;
	s28 =	sadd.s32 s11, s8;
	[sflag:s2] =	ssyncadd.s32 $0xFFFFF700  }
0x43a: {  	[hbm4b:s28+s0] =	stream.strided.scatter [tilespmem:s29], [sflag:$0x3], $0x900, s1, s0, $0x38;
	[tilespmem:$0x1A900] =	vst v63  }
0x43b: {  	_ =	swait.ge [sflag:s2], $0x900  }
0x43c: {  	[sflag:s2] =	ssyncset.done $0x0  }
0x43d: {  	s31 =	simm.s32 $0x14600;
	s30 =	sadd.s32 s11, s9;
	[sflag:s2] =	ssyncadd.s32 $0xFFFFF700  }
0x43e: {  	[hbm4b:s30+s0] =	stream.strided.scatter [tilespmem:s31], [sflag:$0x3], $0x900, s1, s0, $0x38;
	[tilespmem:$0x1A900] =	vst v63  }
0x43f: {  	_ =	swait.ge [sflag:s2], $0x900  }
0x440: {  	[sflag:s2] =	ssyncset.done $0x0  }
0x441: {  	s11 =	sadd.s32 s11, s10;
	s16 =	simm.s32 $0x14F00;
	[sflag:s2] =	ssyncadd.s32 $0xFFFFF700  }
0x442: {  	[hbm4b:s11+s0] =	stream.strided.scatter [tilespmem:s16], [sflag:$0x3], $0x900, s1, s0, $0x38;
	[tilespmem:$0x1A900] =	vst v63  }
0x443: {  	_ =	swait.ge [sflag:s2], $0x900  }
0x444: {  	s3 =	sadd.s32 $0x1200, s3;
	[sflag:s2] =	ssyncset.done $0x0  }
0x445: {  	s17 =	sadd.s32 s15, s3;
	s18 =	simm.s32 $0x15800;
	[sflag:s2] =	ssyncadd.s32 $0xFFFFF700  }
0x446: {  	[hbm4b:s17+s0] =	stream.strided.scatter [tilespmem:s18], [sflag:$0x3], $0x900, s1, s0, $0x38;
	[tilespmem:$0x1A900] =	vst v63  }
0x447: {  	_ =	swait.ge [sflag:s2], $0x900  }
0x448: {  	[sflag:s2] =	ssyncset.done $0x0  }
0x449: {  	s4 =	sadd.s32 s3, s4;
	s19 =	simm.s32 $0x16100;
	[sflag:s2] =	ssyncadd.s32 $0xFFFFF700  }
0x44a: {  	[hbm4b:s4+s0] =	stream.strided.scatter [tilespmem:s19], [sflag:$0x3], $0x900, s1, s0, $0x38;
	[tilespmem:$0x1A900] =	vst v63  }
0x44b: {  	_ =	swait.ge [sflag:s2], $0x900  }
0x44c: {  	[sflag:s2] =	ssyncset.done $0x0  }
0x44d: {  	s20 =	sadd.s32 s3, s5;
	s21 =	simm.s32 $0x16A00;
	[sflag:s2] =	ssyncadd.s32 $0xFFFFF700  }
0x44e: {  	[hbm4b:s20+s0] =	stream.strided.scatter [tilespmem:s21], [sflag:$0x3], $0x900, s1, s0, $0x38;
	[tilespmem:$0x1A900] =	vst v63  }
0x44f: {  	_ =	swait.ge [sflag:s2], $0x900  }
0x450: {  	[sflag:s2] =	ssyncset.done $0x0  }
0x451: {  	s22 =	sadd.s32 s3, s6;
	s23 =	simm.s32 $0x17300;
	[sflag:s2] =	ssyncadd.s32 $0xFFFFF700  }
0x452: {  	[hbm4b:s22+s0] =	stream.strided.scatter [tilespmem:s23], [sflag:$0x3], $0x900, s1, s0, $0x38;
	[tilespmem:$0x1A900] =	vst v63  }
0x453: {  	_ =	swait.ge [sflag:s2], $0x900  }
0x454: {  	[sflag:s2] =	ssyncset.done $0x0  }
0x455: {  	s24 =	sadd.s32 s3, s7;
	s25 =	simm.s32 $0x17C00;
	[sflag:s2] =	ssyncadd.s32 $0xFFFFF700  }
0x456: {  	[hbm4b:s24+s0] =	stream.strided.scatter [tilespmem:s25], [sflag:$0x3], $0x900, s1, s0, $0x38;
	[tilespmem:$0x1A900] =	vst v63  }
0x457: {  	_ =	swait.ge [sflag:s2], $0x900  }
0x458: {  	[sflag:s2] =	ssyncset.done $0x0  }
0x459: {  	s26 =	sadd.s32 s3, s8;
	s28 =	simm.s32 $0x18500;
	[sflag:s2] =	ssyncadd.s32 $0xFFFFF700  }
0x45a: {  	[hbm4b:s26+s0] =	stream.strided.scatter [tilespmem:s28], [sflag:$0x3], $0x900, s1, s0, $0x38;
	[tilespmem:$0x1A900] =	vst v63  }
0x45b: {  	_ =	swait.ge [sflag:s2], $0x900  }
0x45c: {  	[sflag:s2] =	ssyncset.done $0x0  }
0x45d: {  	s29 =	sadd.s32 s3, s9;
	s30 =	simm.s32 $0x18E00;
	[sflag:s2] =	ssyncadd.s32 $0xFFFFF700  }
0x45e: {  	[hbm4b:s29+s0] =	stream.strided.scatter [tilespmem:s30], [sflag:$0x3], $0x900, s1, s0, $0x38;
	[tilespmem:$0x1A900] =	vst v63  }
0x45f: {  	_ =	swait.ge [sflag:s2], $0x900  }
0x460: {  	[sflag:s2] =	ssyncset.done $0x0  }
0x461: {  	s3 =	sadd.s32 s3, s10;
	s31 =	simm.s32 $0x19700;
	[sflag:s2] =	ssyncadd.s32 $0xFFFFF700  }
0x462: {  	[hbm4b:s3+s0] =	stream.strided.scatter [tilespmem:s31], [sflag:$0x3], $0x900, s1, s0, $0x38;
	[tilespmem:$0x1A900] =	vst v63  }
0x463: {  	_ =	swait.ge [sflag:s2], $0x900  }
0x464: {  	[sflag:s2] =	ssyncset.done $0x0  }
0x465: {  	[sflag:s2] =	ssyncadd.s32 $0xFFFFF700  }
0x466: {  	_ =	sfence.sel $0x180000  }
0x467: {  	[bflag:$0x0] =	sbarrier.arrive $0xFFFF  }
0x468: {  	_ =	strace $0x90000047  }
0x469: {  	[bflag:$0x2] =	sbarrier.arrive $0xFFFF  }
0x46a: {  	p0 =	sne.s32 s14, $0x0;
	s0 =	rddreg [dreg:$0x3]  }
0x46b: {  	s0 =	sadd.s32 @!p0 $0x100000, s0  }
0x46c: {  	[sflag:s0] =	ssyncadd.tile.s32 @!p0 $0x1;
	_ =	shalt  }
.Lfunc_end2:
_tile_overlayer_lowered:
.L_overlay_start_2:
0x46d: {  	(tag) =	ssettag $0x2  }
0x46e: {  	s0 =	rddreg [dreg:$0x0];
	s2 =	stileid.u32  }
0x46f: {  	s1 =	rddreg [dreg:$0x1];
	p0 =	sne.s32 s2, $0x0  }
0x470: {  	s3 =	rddreg [dreg:$0x2];
	[bflag:$0x3] =	sbarrier.arrive $0xFFFF;
	s2 =	simm.s32 @!p0 $0x1C03  }
0x471: {  	[timem:s3], [sflag:s2] =	dma.local @!p0 [hbm:s0], s1  }
0x472: {  	s0 =	simm.s32 @!p0 $0x3  }
0x473: {  	_ =	swait.ge @!p0 [sflag:s0], s1  }
0x474: {  	s1 =	ssub.s32 @!p0 $0x0, s1;
	[sflag:s0] =	ssyncset.done @!p0 $0x0  }
0x475: {  	[sflag:s0] =	ssyncadd.s32 @!p0 s1  }
0x476: {  	[bflag:$0x3] =	sbarrier.arrive $0xFFFF  }
0x477: {  	_ =	shalt  }

</sc_bundles>
